<compile_context>
chip_gen: v7x
topology: tpu7x:2x2x1
jax: 0.10.2.dev20260603
libtpu: 0.0.44.dev20260713+nightly
codegen_flags: <defaults>
</compile_context>

<pallas_src>
import functools

import jax
import jax.numpy as jnp
from jax import lax
from jax.experimental import pallas as pl
from jax.experimental.pallas import tpu as pltpu
from jax.experimental.pallas import tpu_sc as plsc

N_NODES = 10000
N_EDGES = 320000
F = 128

NC = 2
NS = 16
CHUNK = 128
N_CHUNKS = 80
E_PAD = NC * NS * N_CHUNKS * CHUNK
DUMMY = N_NODES
N_ACC = 10240
ROWS_PER_TILE = N_ACC // NS


def _sc_body(compute_deg, x_hbm, idx_hbm, agg_hbm, *rest):
    if compute_deg:
        (deg_hbm, dstage_hbm, idx_a, idx_b, rows_a, rows_b,
         degl_v, dacc_v, acc_sh, gsem_a, gsem_b, isem_a, isem_b) = rest
    else:
        (idx_a, idx_b, rows_a, rows_b,
         acc_sh, gsem_a, gsem_b, isem_a, isem_b) = rest
        deg_hbm = None
    cid = lax.axis_index("c")
    sid = lax.axis_index("s")
    row0 = sid * ROWS_PER_TILE
    z16 = jnp.zeros((16,), jnp.float32)

    def zrow(i, _):
        for j in range(F // 16):
            rows_a[i, pl.ds(j * 16, 16)] = z16
        return 0
    lax.fori_loop(0, CHUNK, zrow, 0)
    for r in range(ROWS_PER_TILE // CHUNK):
        pltpu.sync_copy(rows_a, acc_sh.at[pl.ds(row0 + r * CHUNK, CHUNK)])
    if compute_deg:
        def zdeg(i, _):
            degl_v[pl.ds(i * 16, 16)] = z16
            return 0
        lax.fori_loop(0, N_ACC // 16, zdeg, 0)
    plsc.subcore_barrier()

    ones = jnp.full((16,), 1.0, jnp.float32)

    def issue_idx(j, buf, sem):
        pltpu.async_copy(idx_hbm.at[cid, sid, j], buf, sem)

    def wait_idx(buf, sem):
        pltpu.make_async_copy(idx_hbm.at[cid, sid, 0], buf, sem).wait()

    def issue_gather(idx2, rows, sem):
        pltpu.async_copy(x_hbm.at[idx2.at[0]], rows, sem)

    def wait_gather(idx2, rows, sem):
        pltpu.make_async_copy(x_hbm.at[idx2.at[0]], rows, sem).wait()

    def finish_chunk(idx2, rows):
        pltpu.sync_copy(rows, acc_sh.at[idx2.at[1]], add=True)
        if compute_deg:
            def grp(g, _):
                idx = idx2[1, pl.ds(g * 16, 16)]
                plsc.addupdate_scatter(degl_v, [idx], ones)
                return 0
            lax.fori_loop(0, CHUNK // 16, grp, 0)

    issue_idx(0, idx_a, isem_a)
    issue_idx(1, idx_b, isem_b)
    wait_idx(idx_a, isem_a)
    issue_gather(idx_a, rows_a, gsem_a)

    def pair_body(i, _):
        j = i * 2
        wait_idx(idx_b, isem_b)
        issue_gather(idx_b, rows_b, gsem_b)
        wait_gather(idx_a, rows_a, gsem_a)
        finish_chunk(idx_a, rows_a)
        @pl.when(j + 2 < N_CHUNKS)
        def _():
            issue_idx(j + 2, idx_a, isem_a)
            wait_idx(idx_a, isem_a)
            issue_gather(idx_a, rows_a, gsem_a)
        wait_gather(idx_b, rows_b, gsem_b)
        finish_chunk(idx_b, rows_b)
        @pl.when(j + 3 < N_CHUNKS)
        def _():
            issue_idx(j + 3, idx_b, isem_b)
        return 0

    lax.fori_loop(0, N_CHUNKS // 2, pair_body, 0)

    if compute_deg:
        pltpu.sync_copy(degl_v,
                        dstage_hbm.at[pl.ds((cid * NS + sid) * N_ACC, N_ACC)])
    plsc.subcore_barrier()

    pltpu.sync_copy(acc_sh.at[pl.ds(row0, ROWS_PER_TILE)],
                    agg_hbm.at[pl.ds(cid * N_ACC + row0, ROWS_PER_TILE)])
    if compute_deg:
        base = cid * NS * N_ACC
        pltpu.sync_copy(dstage_hbm.at[pl.ds(base + row0, ROWS_PER_TILE)],
                        degl_v.at[pl.ds(0, ROWS_PER_TILE)])
        for t in range(1, NS):
            pltpu.sync_copy(
                dstage_hbm.at[pl.ds(base + t * N_ACC + row0, ROWS_PER_TILE)],
                dacc_v)

            def addb(i, _):
                degl_v[pl.ds(i * 16, 16)] = (degl_v[pl.ds(i * 16, 16)]
                                             + dacc_v[pl.ds(i * 16, 16)])
                return 0
            lax.fori_loop(0, ROWS_PER_TILE // 16, addb, 0)
        pltpu.sync_copy(degl_v.at[pl.ds(0, ROWS_PER_TILE)],
                        deg_hbm.at[pl.ds(cid * N_ACC + row0, ROWS_PER_TILE)])


def _make_sc_pass(compute_deg):
    outs = [jax.ShapeDtypeStruct((NC * N_ACC, F), jnp.float32)]
    if compute_deg:
        outs.append(jax.ShapeDtypeStruct((NC * N_ACC,), jnp.float32))
        outs.append(jax.ShapeDtypeStruct((NC * NS * N_ACC,), jnp.float32))
    scratch = [
        pltpu.VMEM((2, CHUNK), jnp.int32),
        pltpu.VMEM((2, CHUNK), jnp.int32),
        pltpu.VMEM((CHUNK, F), jnp.float32),
        pltpu.VMEM((CHUNK, F), jnp.float32),
    ]
    if compute_deg:
        scratch += [
            pltpu.VMEM((N_ACC,), jnp.float32),
            pltpu.VMEM((ROWS_PER_TILE,), jnp.float32),
        ]
    scratch += [
        pltpu.VMEM_SHARED((N_ACC, F), jnp.float32),
        pltpu.SemaphoreType.DMA,
        pltpu.SemaphoreType.DMA,
        pltpu.SemaphoreType.DMA,
        pltpu.SemaphoreType.DMA,
    ]
    mesh = plsc.VectorSubcoreMesh(core_axis_name="c", subcore_axis_name="s")
    return pl.kernel(
        functools.partial(_sc_body, compute_deg),
        out_type=outs,
        mesh=mesh,
        scratch_types=scratch,
        compiler_params=pltpu.CompilerParams(needs_layout_passes=False),
        name="sage_sc_segsum" + ("_deg" if compute_deg else ""),
    )


def _dense_body(agg_ref, deg_ref, x_ref, wl_ref, wr_ref, b_ref, out_ref):
    a = agg_ref[0] + agg_ref[1]
    d = deg_ref[0] + deg_ref[1]
    mean = a / jnp.maximum(d, 1.0)
    dn = (((1,), (0,)), ((), ()))
    h = lax.dot_general(mean, wl_ref[...], dn,
                        precision=lax.Precision.HIGHEST,
                        preferred_element_type=jnp.float32)
    h = h + lax.dot_general(x_ref[...], wr_ref[...], dn,
                            precision=lax.Precision.HIGHEST,
                            preferred_element_type=jnp.float32)
    out_ref[...] = jnp.maximum(h + b_ref[...], 0.0)


_BR = 1024


def _make_dense():
    return pl.pallas_call(
        _dense_body,
        grid=(-(-N_NODES // _BR),),
        in_specs=[
            pl.BlockSpec((NC, _BR, F), lambda i: (0, i, 0)),
            pl.BlockSpec((NC, _BR, 1), lambda i: (0, i, 0)),
            pl.BlockSpec((_BR, F), lambda i: (i, 0)),
            pl.BlockSpec((F, F), lambda i: (0, 0)),
            pl.BlockSpec((F, F), lambda i: (0, 0)),
            pl.BlockSpec((1, F), lambda i: (0, 0)),
        ],
        out_specs=pl.BlockSpec((_BR, F), lambda i: (i, 0)),
        out_shape=jax.ShapeDtypeStruct((N_NODES, F), jnp.float32),
        name="sage_dense",
    )


_sc_pass_deg = _make_sc_pass(True)
_sc_pass = _make_sc_pass(False)
_dense = _make_dense()


def kernel(x, edge_index, W1_l, W1_r, b1, W2_l, W2_r, b2):
    pad = E_PAD - N_EDGES
    src = jnp.concatenate([edge_index[0], jnp.zeros((pad,), jnp.int32)])
    dst = jnp.concatenate([edge_index[1], jnp.full((pad,), DUMMY, jnp.int32)])
    src = src.reshape(NC, NS, N_CHUNKS, CHUNK)
    dst = dst.reshape(NC, NS, N_CHUNKS, CHUNK)
    idx = jnp.stack([src, dst], axis=3)

    agg1, deg, _ = _sc_pass_deg(x, idx)
    agg1 = agg1.reshape(NC, N_ACC, F)
    deg = deg.reshape(NC, N_ACC, 1)
    h = _dense(agg1, deg, x, W1_l, W1_r, b1.reshape(1, F))
    (agg2,) = _sc_pass(h, idx)
    agg2 = agg2.reshape(NC, N_ACC, F)
    return _dense(agg2, deg, h, W2_l, W2_r, b2.reshape(1, F))

# --- scband reference (transcript-rebuilt; emitter-appended) ---
"""Pipeline reference for scband-graph-sage-net-58969900974220 (READ-ONLY COPY).

The authoritative reference and input builder live on the scoring server;
editing this copy changes nothing except your own understanding.
"""

import jax, jax.numpy as jnp
import numpy as np

N_NODES = 10000
N_EDGES = 320000
F_IN = 128
HIDDEN = 128


def setup_inputs(seed: int = 0) -> dict:
    key = jax.random.key(seed)
    ks = jax.random.split(key, 9)
    x = jax.random.normal(ks[0], (N_NODES, F_IN), dtype=jnp.float32)
    edge_index = jax.random.randint(ks[1], (2, N_EDGES), 0, N_NODES, dtype=jnp.int32)
    s1 = 1.0 / np.sqrt(F_IN)
    s2 = 1.0 / np.sqrt(HIDDEN)
    W1_l = jax.random.uniform(ks[2], (F_IN, HIDDEN), jnp.float32, -s1, s1)
    W1_r = jax.random.uniform(ks[3], (F_IN, HIDDEN), jnp.float32, -s1, s1)
    b1 = jax.random.uniform(ks[4], (HIDDEN,), jnp.float32, -s1, s1)
    W2_l = jax.random.uniform(ks[5], (HIDDEN, HIDDEN), jnp.float32, -s2, s2)
    W2_r = jax.random.uniform(ks[6], (HIDDEN, HIDDEN), jnp.float32, -s2, s2)
    b2 = jax.random.uniform(ks[7], (HIDDEN,), jnp.float32, -s2, s2)
    return {"x": x, "edge_index": edge_index, "W1_l": W1_l, "W1_r": W1_r, "b1": b1,
            "W2_l": W2_l, "W2_r": W2_r, "b2": b2}


def _sage_conv(x, edge_index, W_l, W_r, b):
    # PyG SAGEConv with mean aggregation:
    #   out = lin_l(mean_{j in N(i)} x_j) + lin_r(x_i)
    src = edge_index[0]
    dst = edge_index[1]
    msgs = jnp.take(x, src, axis=0)  # gather source node features per edge
    agg = jax.ops.segment_sum(msgs, dst, num_segments=x.shape[0])
    deg = jax.ops.segment_sum(jnp.ones((edge_index.shape[1],), dtype=x.dtype), dst,
                              num_segments=x.shape[0])
    mean = agg / jnp.clip(deg, 1.0, None)[:, None]
    return mean @ W_l + b + x @ W_r


def reference(x, edge_index, W1_l, W1_r, b1, W2_l, W2_r, b2):
    h = _sage_conv(x, edge_index, W1_l, W1_r, b1)
    h = jax.nn.relu(h)
    h = _sage_conv(h, edge_index, W2_l, W2_r, b2)
    h = jax.nn.relu(h)
    return h

if __name__ == "__main__":
    import jax
    _d = setup_inputs()
    print(jax.jit(kernel)(*tuple(_d.values())))

</pallas_src>

<mosaic_0001>
#map = affine_map<(d0, d1) -> (0, 0)>
#map1 = affine_map<(d0, d1) -> (0, 0, 0, 0, 0)>
module attributes {stable_mosaic.version = 14 : i64} {
  func.func @sage_sc_segsum(%arg0: i32, %arg1: i32, %arg2: memref<10000x128xf32, #tpu.memory_space<hbm>>, %arg3: memref<2x16x80x2x128xi32, #tpu.memory_space<hbm>>, %arg4: memref<20480x128xf32, #tpu.memory_space<hbm>>, %arg5: memref<2x128xi32, #tpu.memory_space<vmem>>, %arg6: memref<2x128xi32, #tpu.memory_space<vmem>>, %arg7: memref<128x128xf32, #tpu.memory_space<vmem>>, %arg8: memref<128x128xf32, #tpu.memory_space<vmem>>, %arg9: memref<10240x128xf32, #tpu.memory_space<vmem_shared>>, %arg10: memref<!tpu.dma_semaphore, #tpu.memory_space<semaphore_mem>>, %arg11: memref<!tpu.dma_semaphore, #tpu.memory_space<semaphore_mem>>, %arg12: memref<!tpu.dma_semaphore, #tpu.memory_space<semaphore_mem>>, %arg13: memref<!tpu.dma_semaphore, #tpu.memory_space<semaphore_mem>>) attributes {dimension_semantics = [#tpu.dimension_semantics<core_parallel>, #tpu.dimension_semantics<subcore_parallel>], iteration_bounds = array<i64: 2, 16>, scalar_prefetch = 0 : i64, scratch_operands = 9 : i64, tpu.core_type = #tpu.core_type<sc_vector_subcore>, window_params = [{transform_indices = #map}, {transform_indices = #map1}, {transform_indices = #map}]} {
    %mul3A = arith.constant 640 : i32
    %mul3A_0 = arith.muli %arg1, %mul3A : i32
    %broadcast_in_dim3A = arith.constant 0.000000e+00 : f32
    %broadcast_in_dim3A_1 = vector.broadcast %broadcast_in_dim3A : f32 to vector<16xf32>
    %scan3A = arith.constant 0 : i32
    %scan3A_2 = arith.constant 0 : i32
    %scan3A_3 = arith.constant 128 : i32
    %scan3A_4 = arith.addi %scan3A_2, %scan3A_3 : i32
    %scan3A_5 = arith.constant 1 : i32
    %scan3A_6 = scf.for %scan3A_62 = %scan3A_2 to %scan3A_4 step %scan3A_5 iter_args(%scan3A_63 = %scan3A) -> (i32)  : i32 {
      %swap3A = arith.index_cast %scan3A_62 : i32 to index
      %swap3A_64 = arith.constant 0 : index
      %swap3A_65 = tpu.vector_load %arg7[%swap3A, %swap3A_64] {strides = array<i32>} : memref<128x128xf32, #tpu.memory_space<vmem>>, vector<16xf32>,
      tpu.vector_store %arg7[%swap3A, %swap3A_64], %broadcast_in_dim3A_1 {strides = array<i32>} : memref<128x128xf32, #tpu.memory_space<vmem>>, vector<16xf32>,
      %swap3A_66 = arith.index_cast %scan3A_62 : i32 to index
      %swap3A_67 = arith.constant 16 : index
      %swap3A_68 = tpu.vector_load %arg7[%swap3A_66, %swap3A_67] {strides = array<i32>} : memref<128x128xf32, #tpu.memory_space<vmem>>, vector<16xf32>,
      tpu.vector_store %arg7[%swap3A_66, %swap3A_67], %broadcast_in_dim3A_1 {strides = array<i32>} : memref<128x128xf32, #tpu.memory_space<vmem>>, vector<16xf32>,
      %swap3A_69 = arith.index_cast %scan3A_62 : i32 to index
      %swap3A_70 = arith.constant 32 : index
      %swap3A_71 = tpu.vector_load %arg7[%swap3A_69, %swap3A_70] {strides = array<i32>} : memref<128x128xf32, #tpu.memory_space<vmem>>, vector<16xf32>,
      tpu.vector_store %arg7[%swap3A_69, %swap3A_70], %broadcast_in_dim3A_1 {strides = array<i32>} : memref<128x128xf32, #tpu.memory_space<vmem>>, vector<16xf32>,
      %swap3A_72 = arith.index_cast %scan3A_62 : i32 to index
      %swap3A_73 = arith.constant 48 : index
      %swap3A_74 = tpu.vector_load %arg7[%swap3A_72, %swap3A_73] {strides = array<i32>} : memref<128x128xf32, #tpu.memory_space<vmem>>, vector<16xf32>,
      tpu.vector_store %arg7[%swap3A_72, %swap3A_73], %broadcast_in_dim3A_1 {strides = array<i32>} : memref<128x128xf32, #tpu.memory_space<vmem>>, vector<16xf32>,
      %swap3A_75 = arith.index_cast %scan3A_62 : i32 to index
      %swap3A_76 = arith.constant 64 : index
      %swap3A_77 = tpu.vector_load %arg7[%swap3A_75, %swap3A_76] {strides = array<i32>} : memref<128x128xf32, #tpu.memory_space<vmem>>, vector<16xf32>,
      tpu.vector_store %arg7[%swap3A_75, %swap3A_76], %broadcast_in_dim3A_1 {strides = array<i32>} : memref<128x128xf32, #tpu.memory_space<vmem>>, vector<16xf32>,
      %swap3A_78 = arith.index_cast %scan3A_62 : i32 to index
      %swap3A_79 = arith.constant 80 : index
      %swap3A_80 = tpu.vector_load %arg7[%swap3A_78, %swap3A_79] {strides = array<i32>} : memref<128x128xf32, #tpu.memory_space<vmem>>, vector<16xf32>,
      tpu.vector_store %arg7[%swap3A_78, %swap3A_79], %broadcast_in_dim3A_1 {strides = array<i32>} : memref<128x128xf32, #tpu.memory_space<vmem>>, vector<16xf32>,
      %swap3A_81 = arith.index_cast %scan3A_62 : i32 to index
      %swap3A_82 = arith.constant 96 : index
      %swap3A_83 = tpu.vector_load %arg7[%swap3A_81, %swap3A_82] {strides = array<i32>} : memref<128x128xf32, #tpu.memory_space<vmem>>, vector<16xf32>,
      tpu.vector_store %arg7[%swap3A_81, %swap3A_82], %broadcast_in_dim3A_1 {strides = array<i32>} : memref<128x128xf32, #tpu.memory_space<vmem>>, vector<16xf32>,
      %swap3A_84 = arith.index_cast %scan3A_62 : i32 to index
      %swap3A_85 = arith.constant 112 : index
      %swap3A_86 = tpu.vector_load %arg7[%swap3A_84, %swap3A_85] {strides = array<i32>} : memref<128x128xf32, #tpu.memory_space<vmem>>, vector<16xf32>,
      tpu.vector_store %arg7[%swap3A_84, %swap3A_85], %broadcast_in_dim3A_1 {strides = array<i32>} : memref<128x128xf32, #tpu.memory_space<vmem>>, vector<16xf32>,
      %scan3A_87 = arith.constant 0 : i32
      scf.yield %scan3A_87 : i32
    }
    %scan3A_7 = arith.constant 128 : i32
    %add3A = arith.constant 0 : i32
    %add3A_8 = arith.addi %mul3A_0, %add3A : i32
    "tpu.region"() ({
      %run_scoped3A = tpu.sem_alloc : memref<!tpu.dma_semaphore, #tpu.memory_space<semaphore_mem>>
      %dma_start3A_62 = arith.constant 0 : i32
      %dma_start3A_63 = tpu.memref_slice %arg9[%add3A_8, %dma_start3A_62] : memref<10240x128xf32, #tpu.memory_space<vmem_shared>> -> memref<128x128xf32, #tpu.memory_space<vmem_shared>>
      %dma_start3A_64 = arith.constant 0 : i32
      %dma_start3A_65 = tpu.memref_slice %arg9[%add3A_8, %dma_start3A_64] : memref<10240x128xf32, #tpu.memory_space<vmem_shared>> -> memref<128x128xf32, #tpu.memory_space<vmem_shared>>
      tpu.enqueue_dma source(%arg7 : memref<128x128xf32, #tpu.memory_space<vmem>>) target(%dma_start3A_65 : memref<128x128xf32, #tpu.memory_space<vmem_shared>>) target_semaphore(%run_scoped3A : memref<!tpu.dma_semaphore, #tpu.memory_space<semaphore_mem>>)
      %dma_wait3A_66 = arith.constant 0 : i32
      %dma_wait3A_67 = tpu.memref_slice %arg9[%add3A_8, %dma_wait3A_66] : memref<10240x128xf32, #tpu.memory_space<vmem_shared>> -> memref<128x128xf32, #tpu.memory_space<vmem_shared>>
      %dma_wait3A_68 = arith.constant 0 : i32
      %dma_wait3A_69 = tpu.memref_slice %arg9[%add3A_8, %dma_wait3A_68] : memref<10240x128xf32, #tpu.memory_space<vmem_shared>> -> memref<128x128xf32, #tpu.memory_space<vmem_shared>>
      tpu.wait_dma2 semaphore(%run_scoped3A : memref<!tpu.dma_semaphore, #tpu.memory_space<semaphore_mem>>) src(%arg7 : memref<128x128xf32, #tpu.memory_space<vmem>>) dst(%dma_wait3A_69 : memref<128x128xf32, #tpu.memory_space<vmem_shared>>)
      tpu.yield
    }) : () -> ()
    %add3A_9 = arith.constant 128 : i32
    %add3A_10 = arith.addi %mul3A_0, %add3A_9 : i32
    "tpu.region"() ({
      %run_scoped3A = tpu.sem_alloc : memref<!tpu.dma_semaphore, #tpu.memory_space<semaphore_mem>>
      %dma_start3A_62 = arith.constant 0 : i32
      %dma_start3A_63 = tpu.memref_slice %arg9[%add3A_10, %dma_start3A_62] : memref<10240x128xf32, #tpu.memory_space<vmem_shared>> -> memref<128x128xf32, #tpu.memory_space<vmem_shared>>
      %dma_start3A_64 = arith.constant 0 : i32
      %dma_start3A_65 = tpu.memref_slice %arg9[%add3A_10, %dma_start3A_64] : memref<10240x128xf32, #tpu.memory_space<vmem_shared>> -> memref<128x128xf32, #tpu.memory_space<vmem_shared>>
      tpu.enqueue_dma source(%arg7 : memref<128x128xf32, #tpu.memory_space<vmem>>) target(%dma_start3A_65 : memref<128x128xf32, #tpu.memory_space<vmem_shared>>) target_semaphore(%run_scoped3A : memref<!tpu.dma_semaphore, #tpu.memory_space<semaphore_mem>>)
      %dma_wait3A_66 = arith.constant 0 : i32
      %dma_wait3A_67 = tpu.memref_slice %arg9[%add3A_10, %dma_wait3A_66] : memref<10240x128xf32, #tpu.memory_space<vmem_shared>> -> memref<128x128xf32, #tpu.memory_space<vmem_shared>>
      %dma_wait3A_68 = arith.constant 0 : i32
      %dma_wait3A_69 = tpu.memref_slice %arg9[%add3A_10, %dma_wait3A_68] : memref<10240x128xf32, #tpu.memory_space<vmem_shared>> -> memref<128x128xf32, #tpu.memory_space<vmem_shared>>
      tpu.wait_dma2 semaphore(%run_scoped3A : memref<!tpu.dma_semaphore, #tpu.memory_space<semaphore_mem>>) src(%arg7 : memref<128x128xf32, #tpu.memory_space<vmem>>) dst(%dma_wait3A_69 : memref<128x128xf32, #tpu.memory_space<vmem_shared>>)
      tpu.yield
    }) : () -> ()
    %add3A_11 = arith.constant 256 : i32
    %add3A_12 = arith.addi %mul3A_0, %add3A_11 : i32
    "tpu.region"() ({
      %run_scoped3A = tpu.sem_alloc : memref<!tpu.dma_semaphore, #tpu.memory_space<semaphore_mem>>
      %dma_start3A_62 = arith.constant 0 : i32
      %dma_start3A_63 = tpu.memref_slice %arg9[%add3A_12, %dma_start3A_62] : memref<10240x128xf32, #tpu.memory_space<vmem_shared>> -> memref<128x128xf32, #tpu.memory_space<vmem_shared>>
      %dma_start3A_64 = arith.constant 0 : i32
      %dma_start3A_65 = tpu.memref_slice %arg9[%add3A_12, %dma_start3A_64] : memref<10240x128xf32, #tpu.memory_space<vmem_shared>> -> memref<128x128xf32, #tpu.memory_space<vmem_shared>>
      tpu.enqueue_dma source(%arg7 : memref<128x128xf32, #tpu.memory_space<vmem>>) target(%dma_start3A_65 : memref<128x128xf32, #tpu.memory_space<vmem_shared>>) target_semaphore(%run_scoped3A : memref<!tpu.dma_semaphore, #tpu.memory_space<semaphore_mem>>)
      %dma_wait3A_66 = arith.constant 0 : i32
      %dma_wait3A_67 = tpu.memref_slice %arg9[%add3A_12, %dma_wait3A_66] : memref<10240x128xf32, #tpu.memory_space<vmem_shared>> -> memref<128x128xf32, #tpu.memory_space<vmem_shared>>
      %dma_wait3A_68 = arith.constant 0 : i32
      %dma_wait3A_69 = tpu.memref_slice %arg9[%add3A_12, %dma_wait3A_68] : memref<10240x128xf32, #tpu.memory_space<vmem_shared>> -> memref<128x128xf32, #tpu.memory_space<vmem_shared>>
      tpu.wait_dma2 semaphore(%run_scoped3A : memref<!tpu.dma_semaphore, #tpu.memory_space<semaphore_mem>>) src(%arg7 : memref<128x128xf32, #tpu.memory_space<vmem>>) dst(%dma_wait3A_69 : memref<128x128xf32, #tpu.memory_space<vmem_shared>>)
      tpu.yield
    }) : () -> ()
    %add3A_13 = arith.constant 384 : i32
    %add3A_14 = arith.addi %mul3A_0, %add3A_13 : i32
    "tpu.region"() ({
      %run_scoped3A = tpu.sem_alloc : memref<!tpu.dma_semaphore, #tpu.memory_space<semaphore_mem>>
      %dma_start3A_62 = arith.constant 0 : i32
      %dma_start3A_63 = tpu.memref_slice %arg9[%add3A_14, %dma_start3A_62] : memref<10240x128xf32, #tpu.memory_space<vmem_shared>> -> memref<128x128xf32, #tpu.memory_space<vmem_shared>>
      %dma_start3A_64 = arith.constant 0 : i32
      %dma_start3A_65 = tpu.memref_slice %arg9[%add3A_14, %dma_start3A_64] : memref<10240x128xf32, #tpu.memory_space<vmem_shared>> -> memref<128x128xf32, #tpu.memory_space<vmem_shared>>
      tpu.enqueue_dma source(%arg7 : memref<128x128xf32, #tpu.memory_space<vmem>>) target(%dma_start3A_65 : memref<128x128xf32, #tpu.memory_space<vmem_shared>>) target_semaphore(%run_scoped3A : memref<!tpu.dma_semaphore, #tpu.memory_space<semaphore_mem>>)
      %dma_wait3A_66 = arith.constant 0 : i32
      %dma_wait3A_67 = tpu.memref_slice %arg9[%add3A_14, %dma_wait3A_66] : memref<10240x128xf32, #tpu.memory_space<vmem_shared>> -> memref<128x128xf32, #tpu.memory_space<vmem_shared>>
      %dma_wait3A_68 = arith.constant 0 : i32
      %dma_wait3A_69 = tpu.memref_slice %arg9[%add3A_14, %dma_wait3A_68] : memref<10240x128xf32, #tpu.memory_space<vmem_shared>> -> memref<128x128xf32, #tpu.memory_space<vmem_shared>>
      tpu.wait_dma2 semaphore(%run_scoped3A : memref<!tpu.dma_semaphore, #tpu.memory_space<semaphore_mem>>) src(%arg7 : memref<128x128xf32, #tpu.memory_space<vmem>>) dst(%dma_wait3A_69 : memref<128x128xf32, #tpu.memory_space<vmem_shared>>)
      tpu.yield
    }) : () -> ()
    %add3A_15 = arith.constant 512 : i32
    %add3A_16 = arith.addi %mul3A_0, %add3A_15 : i32
    "tpu.region"() ({
      %run_scoped3A = tpu.sem_alloc : memref<!tpu.dma_semaphore, #tpu.memory_space<semaphore_mem>>
      %dma_start3A_62 = arith.constant 0 : i32
      %dma_start3A_63 = tpu.memref_slice %arg9[%add3A_16, %dma_start3A_62] : memref<10240x128xf32, #tpu.memory_space<vmem_shared>> -> memref<128x128xf32, #tpu.memory_space<vmem_shared>>
      %dma_start3A_64 = arith.constant 0 : i32
      %dma_start3A_65 = tpu.memref_slice %arg9[%add3A_16, %dma_start3A_64] : memref<10240x128xf32, #tpu.memory_space<vmem_shared>> -> memref<128x128xf32, #tpu.memory_space<vmem_shared>>
      tpu.enqueue_dma source(%arg7 : memref<128x128xf32, #tpu.memory_space<vmem>>) target(%dma_start3A_65 : memref<128x128xf32, #tpu.memory_space<vmem_shared>>) target_semaphore(%run_scoped3A : memref<!tpu.dma_semaphore, #tpu.memory_space<semaphore_mem>>)
      %dma_wait3A_66 = arith.constant 0 : i32
      %dma_wait3A_67 = tpu.memref_slice %arg9[%add3A_16, %dma_wait3A_66] : memref<10240x128xf32, #tpu.memory_space<vmem_shared>> -> memref<128x128xf32, #tpu.memory_space<vmem_shared>>
      %dma_wait3A_68 = arith.constant 0 : i32
      %dma_wait3A_69 = tpu.memref_slice %arg9[%add3A_16, %dma_wait3A_68] : memref<10240x128xf32, #tpu.memory_space<vmem_shared>> -> memref<128x128xf32, #tpu.memory_space<vmem_shared>>
      tpu.wait_dma2 semaphore(%run_scoped3A : memref<!tpu.dma_semaphore, #tpu.memory_space<semaphore_mem>>) src(%arg7 : memref<128x128xf32, #tpu.memory_space<vmem>>) dst(%dma_wait3A_69 : memref<128x128xf32, #tpu.memory_space<vmem_shared>>)
      tpu.yield
    }) : () -> ()
    %barrier3A = arith.constant 0 : index
    tpu.barrier barrier_id(%barrier3A)
    %broadcast_in_dim3A_17 = arith.constant 1.000000e+00 : f32
    %broadcast_in_dim3A_18 = vector.broadcast %broadcast_in_dim3A_17 : f32 to vector<16xf32>
    %dma_start3A = arith.constant 0 : i32
    %dma_start3A_19 = arith.constant 0 : i32
    %dma_start3A_20 = arith.constant 0 : i32
    %dma_start3A_21 = tpu.memref_slice %arg3[%arg0, %arg1, %dma_start3A, %dma_start3A_19, %dma_start3A_20] : memref<2x16x80x2x128xi32, #tpu.memory_space<hbm>> -> memref<1x1x1x2x128xi32, #tpu.memory_space<hbm>>
    %dma_start3A_22 = tpu.memref_squeeze %dma_start3A_21 : memref<1x1x1x2x128xi32, #tpu.memory_space<hbm>> -> memref<2x128xi32, #tpu.memory_space<hbm>>
    %dma_start3A_23 = arith.constant 0 : i32
    %dma_start3A_24 = arith.constant 0 : i32
    %dma_start3A_25 = tpu.memref_slice %arg3[%arg0, %arg1, %dma_start3A, %dma_start3A_23, %dma_start3A_24] : memref<2x16x80x2x128xi32, #tpu.memory_space<hbm>> -> memref<1x1x1x2x128xi32, #tpu.memory_space<hbm>>
    %dma_start3A_26 = tpu.memref_squeeze %dma_start3A_25 : memref<1x1x1x2x128xi32, #tpu.memory_space<hbm>> -> memref<2x128xi32, #tpu.memory_space<hbm>>
    tpu.enqueue_dma source(%dma_start3A_26 : memref<2x128xi32, #tpu.memory_space<hbm>>) target(%arg5 : memref<2x128xi32, #tpu.memory_space<vmem>>) target_semaphore(%arg12 : memref<!tpu.dma_semaphore, #tpu.memory_space<semaphore_mem>>)
    %dma_start3A_27 = arith.constant 1 : i32
    %dma_start3A_28 = arith.constant 0 : i32
    %dma_start3A_29 = arith.constant 0 : i32
    %dma_start3A_30 = tpu.memref_slice %arg3[%arg0, %arg1, %dma_start3A_27, %dma_start3A_28, %dma_start3A_29] : memref<2x16x80x2x128xi32, #tpu.memory_space<hbm>> -> memref<1x1x1x2x128xi32, #tpu.memory_space<hbm>>
    %dma_start3A_31 = tpu.memref_squeeze %dma_start3A_30 : memref<1x1x1x2x128xi32, #tpu.memory_space<hbm>> -> memref<2x128xi32, #tpu.memory_space<hbm>>
    %dma_start3A_32 = arith.constant 0 : i32
    %dma_start3A_33 = arith.constant 0 : i32
    %dma_start3A_34 = tpu.memref_slice %arg3[%arg0, %arg1, %dma_start3A_27, %dma_start3A_32, %dma_start3A_33] : memref<2x16x80x2x128xi32, #tpu.memory_space<hbm>> -> memref<1x1x1x2x128xi32, #tpu.memory_space<hbm>>
    %dma_start3A_35 = tpu.memref_squeeze %dma_start3A_34 : memref<1x1x1x2x128xi32, #tpu.memory_space<hbm>> -> memref<2x128xi32, #tpu.memory_space<hbm>>
    tpu.enqueue_dma source(%dma_start3A_35 : memref<2x128xi32, #tpu.memory_space<hbm>>) target(%arg6 : memref<2x128xi32, #tpu.memory_space<vmem>>) target_semaphore(%arg13 : memref<!tpu.dma_semaphore, #tpu.memory_space<semaphore_mem>>)
    %dma_wait3A = arith.constant 0 : i32
    %dma_wait3A_36 = arith.constant 0 : i32
    %dma_wait3A_37 = arith.constant 0 : i32
    %dma_wait3A_38 = tpu.memref_slice %arg3[%arg0, %arg1, %dma_wait3A, %dma_wait3A_36, %dma_wait3A_37] : memref<2x16x80x2x128xi32, #tpu.memory_space<hbm>> -> memref<1x1x1x2x128xi32, #tpu.memory_space<hbm>>
    %dma_wait3A_39 = tpu.memref_squeeze %dma_wait3A_38 : memref<1x1x1x2x128xi32, #tpu.memory_space<hbm>> -> memref<2x128xi32, #tpu.memory_space<hbm>>
    %dma_wait3A_40 = arith.constant 0 : i32
    %dma_wait3A_41 = arith.constant 0 : i32
    %dma_wait3A_42 = tpu.memref_slice %arg3[%arg0, %arg1, %dma_wait3A, %dma_wait3A_40, %dma_wait3A_41] : memref<2x16x80x2x128xi32, #tpu.memory_space<hbm>> -> memref<1x1x1x2x128xi32, #tpu.memory_space<hbm>>
    %dma_wait3A_43 = tpu.memref_squeeze %dma_wait3A_42 : memref<1x1x1x2x128xi32, #tpu.memory_space<hbm>> -> memref<2x128xi32, #tpu.memory_space<hbm>>
    tpu.wait_dma2 semaphore(%arg12 : memref<!tpu.dma_semaphore, #tpu.memory_space<semaphore_mem>>) src(%dma_wait3A_43 : memref<2x128xi32, #tpu.memory_space<hbm>>) dst(%arg5 : memref<2x128xi32, #tpu.memory_space<vmem>>)
    %dma_start3A_44 = arith.constant 0 : i32
    %dma_start3A_45 = arith.constant 0 : i32
    %dma_start3A_46 = tpu.memref_slice %arg5[%dma_start3A_44, %dma_start3A_45] : memref<2x128xi32, #tpu.memory_space<vmem>> -> memref<1x128xi32, #tpu.memory_space<vmem>>
    %dma_start3A_47 = tpu.memref_squeeze %dma_start3A_46 : memref<1x128xi32, #tpu.memory_space<vmem>> -> memref<128xi32, #tpu.memory_space<vmem>>
    %dma_start3A_48 = arith.constant 0 : i32
    %dma_start3A_49 = arith.constant 0 : i32
    %dma_start3A_50 = tpu.memref_slice %arg2[%dma_start3A_48, %dma_start3A_49] : memref<10000x128xf32, #tpu.memory_space<hbm>> -> memref<10000x128xf32, #tpu.memory_space<hbm>>
    tpu.enqueue_indirect_dma source(%dma_start3A_50 : memref<10000x128xf32, #tpu.memory_space<hbm>>) target(%arg7 : memref<128x128xf32, #tpu.memory_space<vmem>>) offsets(%dma_start3A_47 : memref<128xi32, #tpu.memory_space<vmem>>) semaphore(%arg10 : memref<!tpu.dma_semaphore, #tpu.memory_space<semaphore_mem>>)
    %scan3A_51 = arith.constant 0 : i32
    %scan3A_52 = arith.constant 0 : i32
    %scan3A_53 = arith.constant 40 : i32
    %scan3A_54 = arith.addi %scan3A_52, %scan3A_53 : i32
    %scan3A_55 = arith.constant 1 : i32
    %scan3A_56 = scf.for %scan3A_62 = %scan3A_52 to %scan3A_54 step %scan3A_55 iter_args(%scan3A_63 = %scan3A_51) -> (i32)  : i32 {
      %mul3A_64 = arith.constant 2 : i32
      %mul3A_65 = arith.muli %scan3A_62, %mul3A_64 : i32
      %dma_wait3A_66 = arith.constant 0 : i32
      %dma_wait3A_67 = arith.constant 0 : i32
      %dma_wait3A_68 = arith.constant 0 : i32
      %dma_wait3A_69 = tpu.memref_slice %arg3[%arg0, %arg1, %dma_wait3A_66, %dma_wait3A_67, %dma_wait3A_68] : memref<2x16x80x2x128xi32, #tpu.memory_space<hbm>> -> memref<1x1x1x2x128xi32, #tpu.memory_space<hbm>>
      %dma_wait3A_70 = tpu.memref_squeeze %dma_wait3A_69 : memref<1x1x1x2x128xi32, #tpu.memory_space<hbm>> -> memref<2x128xi32, #tpu.memory_space<hbm>>
      %dma_wait3A_71 = arith.constant 0 : i32
      %dma_wait3A_72 = arith.constant 0 : i32
      %dma_wait3A_73 = tpu.memref_slice %arg3[%arg0, %arg1, %dma_wait3A_66, %dma_wait3A_71, %dma_wait3A_72] : memref<2x16x80x2x128xi32, #tpu.memory_space<hbm>> -> memref<1x1x1x2x128xi32, #tpu.memory_space<hbm>>
      %dma_wait3A_74 = tpu.memref_squeeze %dma_wait3A_73 : memref<1x1x1x2x128xi32, #tpu.memory_space<hbm>> -> memref<2x128xi32, #tpu.memory_space<hbm>>
      tpu.wait_dma2 semaphore(%arg13 : memref<!tpu.dma_semaphore, #tpu.memory_space<semaphore_mem>>) src(%dma_wait3A_74 : memref<2x128xi32, #tpu.memory_space<hbm>>) dst(%arg6 : memref<2x128xi32, #tpu.memory_space<vmem>>)
      %dma_start3A_75 = arith.constant 0 : i32
      %dma_start3A_76 = arith.constant 0 : i32
      %dma_start3A_77 = tpu.memref_slice %arg6[%dma_start3A_75, %dma_start3A_76] : memref<2x128xi32, #tpu.memory_space<vmem>> -> memref<1x128xi32, #tpu.memory_space<vmem>>
      %dma_start3A_78 = tpu.memref_squeeze %dma_start3A_77 : memref<1x128xi32, #tpu.memory_space<vmem>> -> memref<128xi32, #tpu.memory_space<vmem>>
      %dma_start3A_79 = arith.constant 0 : i32
      %dma_start3A_80 = arith.constant 0 : i32
      %dma_start3A_81 = tpu.memref_slice %arg2[%dma_start3A_79, %dma_start3A_80] : memref<10000x128xf32, #tpu.memory_space<hbm>> -> memref<10000x128xf32, #tpu.memory_space<hbm>>
      tpu.enqueue_indirect_dma source(%dma_start3A_81 : memref<10000x128xf32, #tpu.memory_space<hbm>>) target(%arg8 : memref<128x128xf32, #tpu.memory_space<vmem>>) offsets(%dma_start3A_78 : memref<128xi32, #tpu.memory_space<vmem>>) semaphore(%arg11 : memref<!tpu.dma_semaphore, #tpu.memory_space<semaphore_mem>>)
      %dma_wait3A_82 = arith.constant 0 : i32
      %dma_wait3A_83 = arith.constant 0 : i32
      %dma_wait3A_84 = tpu.memref_slice %arg5[%dma_wait3A_82, %dma_wait3A_83] : memref<2x128xi32, #tpu.memory_space<vmem>> -> memref<1x128xi32, #tpu.memory_space<vmem>>
      %dma_wait3A_85 = tpu.memref_squeeze %dma_wait3A_84 : memref<1x128xi32, #tpu.memory_space<vmem>> -> memref<128xi32, #tpu.memory_space<vmem>>
      %dma_wait3A_86 = arith.constant 0 : i32
      %dma_wait3A_87 = arith.constant 0 : i32
      %dma_wait3A_88 = tpu.memref_slice %arg2[%dma_wait3A_86, %dma_wait3A_87] : memref<10000x128xf32, #tpu.memory_space<hbm>> -> memref<10000x128xf32, #tpu.memory_space<hbm>>
      tpu.wait_indirect_dma semaphore(%arg10 : memref<!tpu.dma_semaphore, #tpu.memory_space<semaphore_mem>>) src(%dma_wait3A_88 : memref<10000x128xf32, #tpu.memory_space<hbm>>) dst(%arg7 : memref<128x128xf32, #tpu.memory_space<vmem>>)
      %run_scoped3A = arith.constant 1 : i32
      "tpu.region"() ({
        %run_scoped3A_109 = tpu.sem_alloc : memref<!tpu.dma_semaphore, #tpu.memory_space<semaphore_mem>>
        %dma_start3A_110 = arith.constant 0 : i32
        %dma_start3A_111 = tpu.memref_slice %arg5[%run_scoped3A, %dma_start3A_110] : memref<2x128xi32, #tpu.memory_space<vmem>> -> memref<1x128xi32, #tpu.memory_space<vmem>>
        %dma_start3A_112 = tpu.memref_squeeze %dma_start3A_111 : memref<1x128xi32, #tpu.memory_space<vmem>> -> memref<128xi32, #tpu.memory_space<vmem>>
        %dma_start3A_113 = arith.constant 0 : i32
        %dma_start3A_114 = arith.constant 0 : i32
        %dma_start3A_115 = tpu.memref_slice %arg9[%dma_start3A_113, %dma_start3A_114] : memref<10240x128xf32, #tpu.memory_space<vmem_shared>> -> memref<10240x128xf32, #tpu.memory_space<vmem_shared>>
        tpu.enqueue_indirect_dma source(%arg7 : memref<128x128xf32, #tpu.memory_space<vmem>>) target(%dma_start3A_115 : memref<10240x128xf32, #tpu.memory_space<vmem_shared>>) offsets(%dma_start3A_112 : memref<128xi32, #tpu.memory_space<vmem>>) semaphore(%run_scoped3A_109 : memref<!tpu.dma_semaphore, #tpu.memory_space<semaphore_mem>>) {add = true}
        %dma_wait3A_116 = arith.constant 0 : i32
        %dma_wait3A_117 = tpu.memref_slice %arg5[%run_scoped3A, %dma_wait3A_116] : memref<2x128xi32, #tpu.memory_space<vmem>> -> memref<1x128xi32, #tpu.memory_space<vmem>>
        %dma_wait3A_118 = tpu.memref_squeeze %dma_wait3A_117 : memref<1x128xi32, #tpu.memory_space<vmem>> -> memref<128xi32, #tpu.memory_space<vmem>>
        %dma_wait3A_119 = arith.constant 0 : i32
        %dma_wait3A_120 = arith.constant 0 : i32
        %dma_wait3A_121 = tpu.memref_slice %arg9[%dma_wait3A_119, %dma_wait3A_120] : memref<10240x128xf32, #tpu.memory_space<vmem_shared>> -> memref<10240x128xf32, #tpu.memory_space<vmem_shared>>
        tpu.wait_indirect_dma semaphore(%run_scoped3A_109 : memref<!tpu.dma_semaphore, #tpu.memory_space<semaphore_mem>>) src(%arg7 : memref<128x128xf32, #tpu.memory_space<vmem>>) dst(%dma_wait3A_121 : memref<10240x128xf32, #tpu.memory_space<vmem_shared>>)
        tpu.yield
      }) : () -> ()
      %add3A_89 = arith.constant 2 : i32
      %add3A_90 = arith.addi %mul3A_65, %add3A_89 : i32
      %lt3A = arith.constant 80 : i32
      %lt3A_91 = arith.cmpi slt, %add3A_90, %lt3A : i32
      %convert_element_type3A = arith.extui %lt3A_91 : i1 to i32
      %cond3A = arith.constant 0 : i32
      %cond3A_92 = arith.cmpi ne, %convert_element_type3A, %cond3A : i32
      scf.if %cond3A_92 {
        %add3A_109 = arith.constant 2 : i32
        %add3A_110 = arith.addi %mul3A_65, %add3A_109 : i32
        %dma_start3A_111 = arith.constant 0 : i32
        %dma_start3A_112 = arith.constant 0 : i32
        %dma_start3A_113 = tpu.memref_slice %arg3[%arg0, %arg1, %add3A_110, %dma_start3A_111, %dma_start3A_112] : memref<2x16x80x2x128xi32, #tpu.memory_space<hbm>> -> memref<1x1x1x2x128xi32, #tpu.memory_space<hbm>>
        %dma_start3A_114 = tpu.memref_squeeze %dma_start3A_113 : memref<1x1x1x2x128xi32, #tpu.memory_space<hbm>> -> memref<2x128xi32, #tpu.memory_space<hbm>>
        %dma_start3A_115 = arith.constant 0 : i32
        %dma_start3A_116 = arith.constant 0 : i32
        %dma_start3A_117 = tpu.memref_slice %arg3[%arg0, %arg1, %add3A_110, %dma_start3A_115, %dma_start3A_116] : memref<2x16x80x2x128xi32, #tpu.memory_space<hbm>> -> memref<1x1x1x2x128xi32, #tpu.memory_space<hbm>>
        %dma_start3A_118 = tpu.memref_squeeze %dma_start3A_117 : memref<1x1x1x2x128xi32, #tpu.memory_space<hbm>> -> memref<2x128xi32, #tpu.memory_space<hbm>>
        tpu.enqueue_dma source(%dma_start3A_118 : memref<2x128xi32, #tpu.memory_space<hbm>>) target(%arg5 : memref<2x128xi32, #tpu.memory_space<vmem>>) target_semaphore(%arg12 : memref<!tpu.dma_semaphore, #tpu.memory_space<semaphore_mem>>)
        %dma_wait3A_119 = arith.constant 0 : i32
        %dma_wait3A_120 = arith.constant 0 : i32
        %dma_wait3A_121 = arith.constant 0 : i32
        %dma_wait3A_122 = tpu.memref_slice %arg3[%arg0, %arg1, %dma_wait3A_119, %dma_wait3A_120, %dma_wait3A_121] : memref<2x16x80x2x128xi32, #tpu.memory_space<hbm>> -> memref<1x1x1x2x128xi32, #tpu.memory_space<hbm>>
        %dma_wait3A_123 = tpu.memref_squeeze %dma_wait3A_122 : memref<1x1x1x2x128xi32, #tpu.memory_space<hbm>> -> memref<2x128xi32, #tpu.memory_space<hbm>>
        %dma_wait3A_124 = arith.constant 0 : i32
        %dma_wait3A_125 = arith.constant 0 : i32
        %dma_wait3A_126 = tpu.memref_slice %arg3[%arg0, %arg1, %dma_wait3A_119, %dma_wait3A_124, %dma_wait3A_125] : memref<2x16x80x2x128xi32, #tpu.memory_space<hbm>> -> memref<1x1x1x2x128xi32, #tpu.memory_space<hbm>>
        %dma_wait3A_127 = tpu.memref_squeeze %dma_wait3A_126 : memref<1x1x1x2x128xi32, #tpu.memory_space<hbm>> -> memref<2x128xi32, #tpu.memory_space<hbm>>
        tpu.wait_dma2 semaphore(%arg12 : memref<!tpu.dma_semaphore, #tpu.memory_space<semaphore_mem>>) src(%dma_wait3A_127 : memref<2x128xi32, #tpu.memory_space<hbm>>) dst(%arg5 : memref<2x128xi32, #tpu.memory_space<vmem>>)
        %dma_start3A_128 = arith.constant 0 : i32
        %dma_start3A_129 = arith.constant 0 : i32
        %dma_start3A_130 = tpu.memref_slice %arg5[%dma_start3A_128, %dma_start3A_129] : memref<2x128xi32, #tpu.memory_space<vmem>> -> memref<1x128xi32, #tpu.memory_space<vmem>>
        %dma_start3A_131 = tpu.memref_squeeze %dma_start3A_130 : memref<1x128xi32, #tpu.memory_space<vmem>> -> memref<128xi32, #tpu.memory_space<vmem>>
        %dma_start3A_132 = arith.constant 0 : i32
        %dma_start3A_133 = arith.constant 0 : i32
        %dma_start3A_134 = tpu.memref_slice %arg2[%dma_start3A_132, %dma_start3A_133] : memref<10000x128xf32, #tpu.memory_space<hbm>> -> memref<10000x128xf32, #tpu.memory_space<hbm>>
        tpu.enqueue_indirect_dma source(%dma_start3A_134 : memref<10000x128xf32, #tpu.memory_space<hbm>>) target(%arg7 : memref<128x128xf32, #tpu.memory_space<vmem>>) offsets(%dma_start3A_131 : memref<128xi32, #tpu.memory_space<vmem>>) semaphore(%arg10 : memref<!tpu.dma_semaphore, #tpu.memory_space<semaphore_mem>>)
      } else {
      }
      %dma_wait3A_93 = arith.constant 0 : i32
      %dma_wait3A_94 = arith.constant 0 : i32
      %dma_wait3A_95 = tpu.memref_slice %arg6[%dma_wait3A_93, %dma_wait3A_94] : memref<2x128xi32, #tpu.memory_space<vmem>> -> memref<1x128xi32, #tpu.memory_space<vmem>>
      %dma_wait3A_96 = tpu.memref_squeeze %dma_wait3A_95 : memref<1x128xi32, #tpu.memory_space<vmem>> -> memref<128xi32, #tpu.memory_space<vmem>>
      %dma_wait3A_97 = arith.constant 0 : i32
      %dma_wait3A_98 = arith.constant 0 : i32
      %dma_wait3A_99 = tpu.memref_slice %arg2[%dma_wait3A_97, %dma_wait3A_98] : memref<10000x128xf32, #tpu.memory_space<hbm>> -> memref<10000x128xf32, #tpu.memory_space<hbm>>
      tpu.wait_indirect_dma semaphore(%arg11 : memref<!tpu.dma_semaphore, #tpu.memory_space<semaphore_mem>>) src(%dma_wait3A_99 : memref<10000x128xf32, #tpu.memory_space<hbm>>) dst(%arg8 : memref<128x128xf32, #tpu.memory_space<vmem>>)
      %run_scoped3A_100 = arith.constant 1 : i32
      "tpu.region"() ({
        %run_scoped3A_109 = tpu.sem_alloc : memref<!tpu.dma_semaphore, #tpu.memory_space<semaphore_mem>>
        %dma_start3A_110 = arith.constant 0 : i32
        %dma_start3A_111 = tpu.memref_slice %arg6[%run_scoped3A_100, %dma_start3A_110] : memref<2x128xi32, #tpu.memory_space<vmem>> -> memref<1x128xi32, #tpu.memory_space<vmem>>
        %dma_start3A_112 = tpu.memref_squeeze %dma_start3A_111 : memref<1x128xi32, #tpu.memory_space<vmem>> -> memref<128xi32, #tpu.memory_space<vmem>>
        %dma_start3A_113 = arith.constant 0 : i32
        %dma_start3A_114 = arith.constant 0 : i32
        %dma_start3A_115 = tpu.memref_slice %arg9[%dma_start3A_113, %dma_start3A_114] : memref<10240x128xf32, #tpu.memory_space<vmem_shared>> -> memref<10240x128xf32, #tpu.memory_space<vmem_shared>>
        tpu.enqueue_indirect_dma source(%arg8 : memref<128x128xf32, #tpu.memory_space<vmem>>) target(%dma_start3A_115 : memref<10240x128xf32, #tpu.memory_space<vmem_shared>>) offsets(%dma_start3A_112 : memref<128xi32, #tpu.memory_space<vmem>>) semaphore(%run_scoped3A_109 : memref<!tpu.dma_semaphore, #tpu.memory_space<semaphore_mem>>) {add = true}
        %dma_wait3A_116 = arith.constant 0 : i32
        %dma_wait3A_117 = tpu.memref_slice %arg6[%run_scoped3A_100, %dma_wait3A_116] : memref<2x128xi32, #tpu.memory_space<vmem>> -> memref<1x128xi32, #tpu.memory_space<vmem>>
        %dma_wait3A_118 = tpu.memref_squeeze %dma_wait3A_117 : memref<1x128xi32, #tpu.memory_space<vmem>> -> memref<128xi32, #tpu.memory_space<vmem>>
        %dma_wait3A_119 = arith.constant 0 : i32
        %dma_wait3A_120 = arith.constant 0 : i32
        %dma_wait3A_121 = tpu.memref_slice %arg9[%dma_wait3A_119, %dma_wait3A_120] : memref<10240x128xf32, #tpu.memory_space<vmem_shared>> -> memref<10240x128xf32, #tpu.memory_space<vmem_shared>>
        tpu.wait_indirect_dma semaphore(%run_scoped3A_109 : memref<!tpu.dma_semaphore, #tpu.memory_space<semaphore_mem>>) src(%arg8 : memref<128x128xf32, #tpu.memory_space<vmem>>) dst(%dma_wait3A_121 : memref<10240x128xf32, #tpu.memory_space<vmem_shared>>)
        tpu.yield
      }) : () -> ()
      %add3A_101 = arith.constant 3 : i32
      %add3A_102 = arith.addi %mul3A_65, %add3A_101 : i32
      %lt3A_103 = arith.constant 80 : i32
      %lt3A_104 = arith.cmpi slt, %add3A_102, %lt3A_103 : i32
      %convert_element_type3A_105 = arith.extui %lt3A_104 : i1 to i32
      %cond3A_106 = arith.constant 0 : i32
      %cond3A_107 = arith.cmpi ne, %convert_element_type3A_105, %cond3A_106 : i32
      scf.if %cond3A_107 {
        %add3A_109 = arith.constant 3 : i32
        %add3A_110 = arith.addi %mul3A_65, %add3A_109 : i32
        %dma_start3A_111 = arith.constant 0 : i32
        %dma_start3A_112 = arith.constant 0 : i32
        %dma_start3A_113 = tpu.memref_slice %arg3[%arg0, %arg1, %add3A_110, %dma_start3A_111, %dma_start3A_112] : memref<2x16x80x2x128xi32, #tpu.memory_space<hbm>> -> memref<1x1x1x2x128xi32, #tpu.memory_space<hbm>>
        %dma_start3A_114 = tpu.memref_squeeze %dma_start3A_113 : memref<1x1x1x2x128xi32, #tpu.memory_space<hbm>> -> memref<2x128xi32, #tpu.memory_space<hbm>>
        %dma_start3A_115 = arith.constant 0 : i32
        %dma_start3A_116 = arith.constant 0 : i32
        %dma_start3A_117 = tpu.memref_slice %arg3[%arg0, %arg1, %add3A_110, %dma_start3A_115, %dma_start3A_116] : memref<2x16x80x2x128xi32, #tpu.memory_space<hbm>> -> memref<1x1x1x2x128xi32, #tpu.memory_space<hbm>>
        %dma_start3A_118 = tpu.memref_squeeze %dma_start3A_117 : memref<1x1x1x2x128xi32, #tpu.memory_space<hbm>> -> memref<2x128xi32, #tpu.memory_space<hbm>>
        tpu.enqueue_dma source(%dma_start3A_118 : memref<2x128xi32, #tpu.memory_space<hbm>>) target(%arg6 : memref<2x128xi32, #tpu.memory_space<vmem>>) target_semaphore(%arg13 : memref<!tpu.dma_semaphore, #tpu.memory_space<semaphore_mem>>)
      } else {
      }
      %scan3A_108 = arith.constant 0 : i32
      scf.yield %scan3A_108 : i32
    }
    %scan3A_57 = arith.constant 40 : i32
    %barrier3A_58 = arith.constant 0 : index
    tpu.barrier barrier_id(%barrier3A_58)
    %mul3A_59 = arith.constant 10240 : i32
    %mul3A_60 = arith.muli %arg0, %mul3A_59 : i32
    %add3A_61 = arith.addi %mul3A_60, %mul3A_0 : i32
    "tpu.region"() ({
      %run_scoped3A = tpu.sem_alloc : memref<!tpu.dma_semaphore, #tpu.memory_space<semaphore_mem>>
      %dma_start3A_62 = arith.constant 0 : i32
      %dma_start3A_63 = tpu.memref_slice %arg4[%add3A_61, %dma_start3A_62] : memref<20480x128xf32, #tpu.memory_space<hbm>> -> memref<640x128xf32, #tpu.memory_space<hbm>>
      %dma_start3A_64 = arith.constant 0 : i32
      %dma_start3A_65 = tpu.memref_slice %arg9[%mul3A_0, %dma_start3A_64] : memref<10240x128xf32, #tpu.memory_space<vmem_shared>> -> memref<640x128xf32, #tpu.memory_space<vmem_shared>>
      tpu.enqueue_dma source(%dma_start3A_65 : memref<640x128xf32, #tpu.memory_space<vmem_shared>>) target(%dma_start3A_63 : memref<640x128xf32, #tpu.memory_space<hbm>>) target_semaphore(%run_scoped3A : memref<!tpu.dma_semaphore, #tpu.memory_space<semaphore_mem>>)
      %dma_wait3A_66 = arith.constant 0 : i32
      %dma_wait3A_67 = tpu.memref_slice %arg4[%add3A_61, %dma_wait3A_66] : memref<20480x128xf32, #tpu.memory_space<hbm>> -> memref<640x128xf32, #tpu.memory_space<hbm>>
      %dma_wait3A_68 = arith.constant 0 : i32
      %dma_wait3A_69 = tpu.memref_slice %arg9[%mul3A_0, %dma_wait3A_68] : memref<10240x128xf32, #tpu.memory_space<vmem_shared>> -> memref<640x128xf32, #tpu.memory_space<vmem_shared>>
      tpu.wait_dma2 semaphore(%run_scoped3A : memref<!tpu.dma_semaphore, #tpu.memory_space<semaphore_mem>>) src(%dma_wait3A_69 : memref<640x128xf32, #tpu.memory_space<vmem_shared>>) dst(%dma_wait3A_67 : memref<640x128xf32, #tpu.memory_space<hbm>>)
      tpu.yield
    }) : () -> ()
    return
  }
}

#map = affine_map<(d0, d1) -> (0, 0)>
#map1 = affine_map<(d0, d1) -> (0, 0, 0, 0, 0)>
#map2 = affine_map<(d0, d1) -> (0)>
module attributes {stable_mosaic.version = 14 : i64} {
  func.func @sage_sc_segsum_deg(%arg0: i32, %arg1: i32, %arg2: memref<10000x128xf32, #tpu.memory_space<hbm>>, %arg3: memref<2x16x80x2x128xi32, #tpu.memory_space<hbm>>, %arg4: memref<20480x128xf32, #tpu.memory_space<hbm>>, %arg5: memref<20480xf32, #tpu.memory_space<hbm>>, %arg6: memref<327680xf32, #tpu.memory_space<hbm>>, %arg7: memref<2x128xi32, #tpu.memory_space<vmem>>, %arg8: memref<2x128xi32, #tpu.memory_space<vmem>>, %arg9: memref<128x128xf32, #tpu.memory_space<vmem>>, %arg10: memref<128x128xf32, #tpu.memory_space<vmem>>, %arg11: memref<10240xf32, #tpu.memory_space<vmem>>, %arg12: memref<640xf32, #tpu.memory_space<vmem>>, %arg13: memref<10240x128xf32, #tpu.memory_space<vmem_shared>>, %arg14: memref<!tpu.dma_semaphore, #tpu.memory_space<semaphore_mem>>, %arg15: memref<!tpu.dma_semaphore, #tpu.memory_space<semaphore_mem>>, %arg16: memref<!tpu.dma_semaphore, #tpu.memory_space<semaphore_mem>>, %arg17: memref<!tpu.dma_semaphore, #tpu.memory_space<semaphore_mem>>) attributes {dimension_semantics = [#tpu.dimension_semantics<core_parallel>, #tpu.dimension_semantics<subcore_parallel>], iteration_bounds = array<i64: 2, 16>, scalar_prefetch = 0 : i64, scratch_operands = 11 : i64, tpu.core_type = #tpu.core_type<sc_vector_subcore>, window_params = [{transform_indices = #map}, {transform_indices = #map1}, {transform_indices = #map}, {transform_indices = #map2}, {transform_indices = #map2}]} {
    %mul3A = arith.constant 640 : i32
    %mul3A_0 = arith.muli %arg1, %mul3A : i32
    %broadcast_in_dim3A = arith.constant 0.000000e+00 : f32
    %broadcast_in_dim3A_1 = vector.broadcast %broadcast_in_dim3A : f32 to vector<16xf32>
    %scan3A = arith.constant 0 : i32
    %scan3A_2 = arith.constant 0 : i32
    %scan3A_3 = arith.constant 128 : i32
    %scan3A_4 = arith.addi %scan3A_2, %scan3A_3 : i32
    %scan3A_5 = arith.constant 1 : i32
    %scan3A_6 = scf.for %scan3A_232 = %scan3A_2 to %scan3A_4 step %scan3A_5 iter_args(%scan3A_233 = %scan3A) -> (i32)  : i32 {
      %swap3A = arith.index_cast %scan3A_232 : i32 to index
      %swap3A_234 = arith.constant 0 : index
      %swap3A_235 = tpu.vector_load %arg9[%swap3A, %swap3A_234] {strides = array<i32>} : memref<128x128xf32, #tpu.memory_space<vmem>>, vector<16xf32>,
      tpu.vector_store %arg9[%swap3A, %swap3A_234], %broadcast_in_dim3A_1 {strides = array<i32>} : memref<128x128xf32, #tpu.memory_space<vmem>>, vector<16xf32>,
      %swap3A_236 = arith.index_cast %scan3A_232 : i32 to index
      %swap3A_237 = arith.constant 16 : index
      %swap3A_238 = tpu.vector_load %arg9[%swap3A_236, %swap3A_237] {strides = array<i32>} : memref<128x128xf32, #tpu.memory_space<vmem>>, vector<16xf32>,
      tpu.vector_store %arg9[%swap3A_236, %swap3A_237], %broadcast_in_dim3A_1 {strides = array<i32>} : memref<128x128xf32, #tpu.memory_space<vmem>>, vector<16xf32>,
      %swap3A_239 = arith.index_cast %scan3A_232 : i32 to index
      %swap3A_240 = arith.constant 32 : index
      %swap3A_241 = tpu.vector_load %arg9[%swap3A_239, %swap3A_240] {strides = array<i32>} : memref<128x128xf32, #tpu.memory_space<vmem>>, vector<16xf32>,
      tpu.vector_store %arg9[%swap3A_239, %swap3A_240], %broadcast_in_dim3A_1 {strides = array<i32>} : memref<128x128xf32, #tpu.memory_space<vmem>>, vector<16xf32>,
      %swap3A_242 = arith.index_cast %scan3A_232 : i32 to index
      %swap3A_243 = arith.constant 48 : index
      %swap3A_244 = tpu.vector_load %arg9[%swap3A_242, %swap3A_243] {strides = array<i32>} : memref<128x128xf32, #tpu.memory_space<vmem>>, vector<16xf32>,
      tpu.vector_store %arg9[%swap3A_242, %swap3A_243], %broadcast_in_dim3A_1 {strides = array<i32>} : memref<128x128xf32, #tpu.memory_space<vmem>>, vector<16xf32>,
      %swap3A_245 = arith.index_cast %scan3A_232 : i32 to index
      %swap3A_246 = arith.constant 64 : index
      %swap3A_247 = tpu.vector_load %arg9[%swap3A_245, %swap3A_246] {strides = array<i32>} : memref<128x128xf32, #tpu.memory_space<vmem>>, vector<16xf32>,
      tpu.vector_store %arg9[%swap3A_245, %swap3A_246], %broadcast_in_dim3A_1 {strides = array<i32>} : memref<128x128xf32, #tpu.memory_space<vmem>>, vector<16xf32>,
      %swap3A_248 = arith.index_cast %scan3A_232 : i32 to index
      %swap3A_249 = arith.constant 80 : index
      %swap3A_250 = tpu.vector_load %arg9[%swap3A_248, %swap3A_249] {strides = array<i32>} : memref<128x128xf32, #tpu.memory_space<vmem>>, vector<16xf32>,
      tpu.vector_store %arg9[%swap3A_248, %swap3A_249], %broadcast_in_dim3A_1 {strides = array<i32>} : memref<128x128xf32, #tpu.memory_space<vmem>>, vector<16xf32>,
      %swap3A_251 = arith.index_cast %scan3A_232 : i32 to index
      %swap3A_252 = arith.constant 96 : index
      %swap3A_253 = tpu.vector_load %arg9[%swap3A_251, %swap3A_252] {strides = array<i32>} : memref<128x128xf32, #tpu.memory_space<vmem>>, vector<16xf32>,
      tpu.vector_store %arg9[%swap3A_251, %swap3A_252], %broadcast_in_dim3A_1 {strides = array<i32>} : memref<128x128xf32, #tpu.memory_space<vmem>>, vector<16xf32>,
      %swap3A_254 = arith.index_cast %scan3A_232 : i32 to index
      %swap3A_255 = arith.constant 112 : index
      %swap3A_256 = tpu.vector_load %arg9[%swap3A_254, %swap3A_255] {strides = array<i32>} : memref<128x128xf32, #tpu.memory_space<vmem>>, vector<16xf32>,
      tpu.vector_store %arg9[%swap3A_254, %swap3A_255], %broadcast_in_dim3A_1 {strides = array<i32>} : memref<128x128xf32, #tpu.memory_space<vmem>>, vector<16xf32>,
      %scan3A_257 = arith.constant 0 : i32
      scf.yield %scan3A_257 : i32
    }
    %scan3A_7 = arith.constant 128 : i32
    %add3A = arith.constant 0 : i32
    %add3A_8 = arith.addi %mul3A_0, %add3A : i32
    "tpu.region"() ({
      %run_scoped3A = tpu.sem_alloc : memref<!tpu.dma_semaphore, #tpu.memory_space<semaphore_mem>>
      %dma_start3A_232 = arith.constant 0 : i32
      %dma_start3A_233 = tpu.memref_slice %arg13[%add3A_8, %dma_start3A_232] : memref<10240x128xf32, #tpu.memory_space<vmem_shared>> -> memref<128x128xf32, #tpu.memory_space<vmem_shared>>
      %dma_start3A_234 = arith.constant 0 : i32
      %dma_start3A_235 = tpu.memref_slice %arg13[%add3A_8, %dma_start3A_234] : memref<10240x128xf32, #tpu.memory_space<vmem_shared>> -> memref<128x128xf32, #tpu.memory_space<vmem_shared>>
      tpu.enqueue_dma source(%arg9 : memref<128x128xf32, #tpu.memory_space<vmem>>) target(%dma_start3A_235 : memref<128x128xf32, #tpu.memory_space<vmem_shared>>) target_semaphore(%run_scoped3A : memref<!tpu.dma_semaphore, #tpu.memory_space<semaphore_mem>>)
      %dma_wait3A_236 = arith.constant 0 : i32
      %dma_wait3A_237 = tpu.memref_slice %arg13[%add3A_8, %dma_wait3A_236] : memref<10240x128xf32, #tpu.memory_space<vmem_shared>> -> memref<128x128xf32, #tpu.memory_space<vmem_shared>>
      %dma_wait3A_238 = arith.constant 0 : i32
      %dma_wait3A_239 = tpu.memref_slice %arg13[%add3A_8, %dma_wait3A_238] : memref<10240x128xf32, #tpu.memory_space<vmem_shared>> -> memref<128x128xf32, #tpu.memory_space<vmem_shared>>
      tpu.wait_dma2 semaphore(%run_scoped3A : memref<!tpu.dma_semaphore, #tpu.memory_space<semaphore_mem>>) src(%arg9 : memref<128x128xf32, #tpu.memory_space<vmem>>) dst(%dma_wait3A_239 : memref<128x128xf32, #tpu.memory_space<vmem_shared>>)
      tpu.yield
    }) : () -> ()
    %add3A_9 = arith.constant 128 : i32
    %add3A_10 = arith.addi %mul3A_0, %add3A_9 : i32
    "tpu.region"() ({
      %run_scoped3A = tpu.sem_alloc : memref<!tpu.dma_semaphore, #tpu.memory_space<semaphore_mem>>
      %dma_start3A_232 = arith.constant 0 : i32
      %dma_start3A_233 = tpu.memref_slice %arg13[%add3A_10, %dma_start3A_232] : memref<10240x128xf32, #tpu.memory_space<vmem_shared>> -> memref<128x128xf32, #tpu.memory_space<vmem_shared>>
      %dma_start3A_234 = arith.constant 0 : i32
      %dma_start3A_235 = tpu.memref_slice %arg13[%add3A_10, %dma_start3A_234] : memref<10240x128xf32, #tpu.memory_space<vmem_shared>> -> memref<128x128xf32, #tpu.memory_space<vmem_shared>>
      tpu.enqueue_dma source(%arg9 : memref<128x128xf32, #tpu.memory_space<vmem>>) target(%dma_start3A_235 : memref<128x128xf32, #tpu.memory_space<vmem_shared>>) target_semaphore(%run_scoped3A : memref<!tpu.dma_semaphore, #tpu.memory_space<semaphore_mem>>)
      %dma_wait3A_236 = arith.constant 0 : i32
      %dma_wait3A_237 = tpu.memref_slice %arg13[%add3A_10, %dma_wait3A_236] : memref<10240x128xf32, #tpu.memory_space<vmem_shared>> -> memref<128x128xf32, #tpu.memory_space<vmem_shared>>
      %dma_wait3A_238 = arith.constant 0 : i32
      %dma_wait3A_239 = tpu.memref_slice %arg13[%add3A_10, %dma_wait3A_238] : memref<10240x128xf32, #tpu.memory_space<vmem_shared>> -> memref<128x128xf32, #tpu.memory_space<vmem_shared>>
      tpu.wait_dma2 semaphore(%run_scoped3A : memref<!tpu.dma_semaphore, #tpu.memory_space<semaphore_mem>>) src(%arg9 : memref<128x128xf32, #tpu.memory_space<vmem>>) dst(%dma_wait3A_239 : memref<128x128xf32, #tpu.memory_space<vmem_shared>>)
      tpu.yield
    }) : () -> ()
    %add3A_11 = arith.constant 256 : i32
    %add3A_12 = arith.addi %mul3A_0, %add3A_11 : i32
    "tpu.region"() ({
      %run_scoped3A = tpu.sem_alloc : memref<!tpu.dma_semaphore, #tpu.memory_space<semaphore_mem>>
      %dma_start3A_232 = arith.constant 0 : i32
      %dma_start3A_233 = tpu.memref_slice %arg13[%add3A_12, %dma_start3A_232] : memref<10240x128xf32, #tpu.memory_space<vmem_shared>> -> memref<128x128xf32, #tpu.memory_space<vmem_shared>>
      %dma_start3A_234 = arith.constant 0 : i32
      %dma_start3A_235 = tpu.memref_slice %arg13[%add3A_12, %dma_start3A_234] : memref<10240x128xf32, #tpu.memory_space<vmem_shared>> -> memref<128x128xf32, #tpu.memory_space<vmem_shared>>
      tpu.enqueue_dma source(%arg9 : memref<128x128xf32, #tpu.memory_space<vmem>>) target(%dma_start3A_235 : memref<128x128xf32, #tpu.memory_space<vmem_shared>>) target_semaphore(%run_scoped3A : memref<!tpu.dma_semaphore, #tpu.memory_space<semaphore_mem>>)
      %dma_wait3A_236 = arith.constant 0 : i32
      %dma_wait3A_237 = tpu.memref_slice %arg13[%add3A_12, %dma_wait3A_236] : memref<10240x128xf32, #tpu.memory_space<vmem_shared>> -> memref<128x128xf32, #tpu.memory_space<vmem_shared>>
      %dma_wait3A_238 = arith.constant 0 : i32
      %dma_wait3A_239 = tpu.memref_slice %arg13[%add3A_12, %dma_wait3A_238] : memref<10240x128xf32, #tpu.memory_space<vmem_shared>> -> memref<128x128xf32, #tpu.memory_space<vmem_shared>>
      tpu.wait_dma2 semaphore(%run_scoped3A : memref<!tpu.dma_semaphore, #tpu.memory_space<semaphore_mem>>) src(%arg9 : memref<128x128xf32, #tpu.memory_space<vmem>>) dst(%dma_wait3A_239 : memref<128x128xf32, #tpu.memory_space<vmem_shared>>)
      tpu.yield
    }) : () -> ()
    %add3A_13 = arith.constant 384 : i32
    %add3A_14 = arith.addi %mul3A_0, %add3A_13 : i32
    "tpu.region"() ({
      %run_scoped3A = tpu.sem_alloc : memref<!tpu.dma_semaphore, #tpu.memory_space<semaphore_mem>>
      %dma_start3A_232 = arith.constant 0 : i32
      %dma_start3A_233 = tpu.memref_slice %arg13[%add3A_14, %dma_start3A_232] : memref<10240x128xf32, #tpu.memory_space<vmem_shared>> -> memref<128x128xf32, #tpu.memory_space<vmem_shared>>
      %dma_start3A_234 = arith.constant 0 : i32
      %dma_start3A_235 = tpu.memref_slice %arg13[%add3A_14, %dma_start3A_234] : memref<10240x128xf32, #tpu.memory_space<vmem_shared>> -> memref<128x128xf32, #tpu.memory_space<vmem_shared>>
      tpu.enqueue_dma source(%arg9 : memref<128x128xf32, #tpu.memory_space<vmem>>) target(%dma_start3A_235 : memref<128x128xf32, #tpu.memory_space<vmem_shared>>) target_semaphore(%run_scoped3A : memref<!tpu.dma_semaphore, #tpu.memory_space<semaphore_mem>>)
      %dma_wait3A_236 = arith.constant 0 : i32
      %dma_wait3A_237 = tpu.memref_slice %arg13[%add3A_14, %dma_wait3A_236] : memref<10240x128xf32, #tpu.memory_space<vmem_shared>> -> memref<128x128xf32, #tpu.memory_space<vmem_shared>>
      %dma_wait3A_238 = arith.constant 0 : i32
      %dma_wait3A_239 = tpu.memref_slice %arg13[%add3A_14, %dma_wait3A_238] : memref<10240x128xf32, #tpu.memory_space<vmem_shared>> -> memref<128x128xf32, #tpu.memory_space<vmem_shared>>
      tpu.wait_dma2 semaphore(%run_scoped3A : memref<!tpu.dma_semaphore, #tpu.memory_space<semaphore_mem>>) src(%arg9 : memref<128x128xf32, #tpu.memory_space<vmem>>) dst(%dma_wait3A_239 : memref<128x128xf32, #tpu.memory_space<vmem_shared>>)
      tpu.yield
    }) : () -> ()
    %add3A_15 = arith.constant 512 : i32
    %add3A_16 = arith.addi %mul3A_0, %add3A_15 : i32
    "tpu.region"() ({
      %run_scoped3A = tpu.sem_alloc : memref<!tpu.dma_semaphore, #tpu.memory_space<semaphore_mem>>
      %dma_start3A_232 = arith.constant 0 : i32
      %dma_start3A_233 = tpu.memref_slice %arg13[%add3A_16, %dma_start3A_232] : memref<10240x128xf32, #tpu.memory_space<vmem_shared>> -> memref<128x128xf32, #tpu.memory_space<vmem_shared>>
      %dma_start3A_234 = arith.constant 0 : i32
      %dma_start3A_235 = tpu.memref_slice %arg13[%add3A_16, %dma_start3A_234] : memref<10240x128xf32, #tpu.memory_space<vmem_shared>> -> memref<128x128xf32, #tpu.memory_space<vmem_shared>>
      tpu.enqueue_dma source(%arg9 : memref<128x128xf32, #tpu.memory_space<vmem>>) target(%dma_start3A_235 : memref<128x128xf32, #tpu.memory_space<vmem_shared>>) target_semaphore(%run_scoped3A : memref<!tpu.dma_semaphore, #tpu.memory_space<semaphore_mem>>)
      %dma_wait3A_236 = arith.constant 0 : i32
      %dma_wait3A_237 = tpu.memref_slice %arg13[%add3A_16, %dma_wait3A_236] : memref<10240x128xf32, #tpu.memory_space<vmem_shared>> -> memref<128x128xf32, #tpu.memory_space<vmem_shared>>
      %dma_wait3A_238 = arith.constant 0 : i32
      %dma_wait3A_239 = tpu.memref_slice %arg13[%add3A_16, %dma_wait3A_238] : memref<10240x128xf32, #tpu.memory_space<vmem_shared>> -> memref<128x128xf32, #tpu.memory_space<vmem_shared>>
      tpu.wait_dma2 semaphore(%run_scoped3A : memref<!tpu.dma_semaphore, #tpu.memory_space<semaphore_mem>>) src(%arg9 : memref<128x128xf32, #tpu.memory_space<vmem>>) dst(%dma_wait3A_239 : memref<128x128xf32, #tpu.memory_space<vmem_shared>>)
      tpu.yield
    }) : () -> ()
    %scan3A_17 = arith.constant 0 : i32
    %scan3A_18 = arith.constant 0 : i32
    %scan3A_19 = arith.constant 640 : i32
    %scan3A_20 = arith.addi %scan3A_18, %scan3A_19 : i32
    %scan3A_21 = arith.constant 1 : i32
    %scan3A_22 = scf.for %scan3A_232 = %scan3A_18 to %scan3A_20 step %scan3A_21 iter_args(%scan3A_233 = %scan3A_17) -> (i32)  : i32 {
      %mul3A_234 = arith.constant 16 : i32
      %mul3A_235 = arith.muli %scan3A_232, %mul3A_234 : i32
      %swap3A = arith.index_cast %mul3A_235 : i32 to index
      %swap3A_236 = tpu.vector_load %arg11[%swap3A] {strides = array<i32>} : memref<10240xf32, #tpu.memory_space<vmem>>, vector<16xf32>,
      tpu.vector_store %arg11[%swap3A], %broadcast_in_dim3A_1 {strides = array<i32>} : memref<10240xf32, #tpu.memory_space<vmem>>, vector<16xf32>,
      %scan3A_237 = arith.constant 0 : i32
      scf.yield %scan3A_237 : i32
    }
    %scan3A_23 = arith.constant 640 : i32
    %barrier3A = arith.constant 0 : index
    tpu.barrier barrier_id(%barrier3A)
    %broadcast_in_dim3A_24 = arith.constant 1.000000e+00 : f32
    %broadcast_in_dim3A_25 = vector.broadcast %broadcast_in_dim3A_24 : f32 to vector<16xf32>
    %dma_start3A = arith.constant 0 : i32
    %dma_start3A_26 = arith.constant 0 : i32
    %dma_start3A_27 = arith.constant 0 : i32
    %dma_start3A_28 = tpu.memref_slice %arg3[%arg0, %arg1, %dma_start3A, %dma_start3A_26, %dma_start3A_27] : memref<2x16x80x2x128xi32, #tpu.memory_space<hbm>> -> memref<1x1x1x2x128xi32, #tpu.memory_space<hbm>>
    %dma_start3A_29 = tpu.memref_squeeze %dma_start3A_28 : memref<1x1x1x2x128xi32, #tpu.memory_space<hbm>> -> memref<2x128xi32, #tpu.memory_space<hbm>>
    %dma_start3A_30 = arith.constant 0 : i32
    %dma_start3A_31 = arith.constant 0 : i32
    %dma_start3A_32 = tpu.memref_slice %arg3[%arg0, %arg1, %dma_start3A, %dma_start3A_30, %dma_start3A_31] : memref<2x16x80x2x128xi32, #tpu.memory_space<hbm>> -> memref<1x1x1x2x128xi32, #tpu.memory_space<hbm>>
    %dma_start3A_33 = tpu.memref_squeeze %dma_start3A_32 : memref<1x1x1x2x128xi32, #tpu.memory_space<hbm>> -> memref<2x128xi32, #tpu.memory_space<hbm>>
    tpu.enqueue_dma source(%dma_start3A_33 : memref<2x128xi32, #tpu.memory_space<hbm>>) target(%arg7 : memref<2x128xi32, #tpu.memory_space<vmem>>) target_semaphore(%arg16 : memref<!tpu.dma_semaphore, #tpu.memory_space<semaphore_mem>>)
    %dma_start3A_34 = arith.constant 1 : i32
    %dma_start3A_35 = arith.constant 0 : i32
    %dma_start3A_36 = arith.constant 0 : i32
    %dma_start3A_37 = tpu.memref_slice %arg3[%arg0, %arg1, %dma_start3A_34, %dma_start3A_35, %dma_start3A_36] : memref<2x16x80x2x128xi32, #tpu.memory_space<hbm>> -> memref<1x1x1x2x128xi32, #tpu.memory_space<hbm>>
    %dma_start3A_38 = tpu.memref_squeeze %dma_start3A_37 : memref<1x1x1x2x128xi32, #tpu.memory_space<hbm>> -> memref<2x128xi32, #tpu.memory_space<hbm>>
    %dma_start3A_39 = arith.constant 0 : i32
    %dma_start3A_40 = arith.constant 0 : i32
    %dma_start3A_41 = tpu.memref_slice %arg3[%arg0, %arg1, %dma_start3A_34, %dma_start3A_39, %dma_start3A_40] : memref<2x16x80x2x128xi32, #tpu.memory_space<hbm>> -> memref<1x1x1x2x128xi32, #tpu.memory_space<hbm>>
    %dma_start3A_42 = tpu.memref_squeeze %dma_start3A_41 : memref<1x1x1x2x128xi32, #tpu.memory_space<hbm>> -> memref<2x128xi32, #tpu.memory_space<hbm>>
    tpu.enqueue_dma source(%dma_start3A_42 : memref<2x128xi32, #tpu.memory_space<hbm>>) target(%arg8 : memref<2x128xi32, #tpu.memory_space<vmem>>) target_semaphore(%arg17 : memref<!tpu.dma_semaphore, #tpu.memory_space<semaphore_mem>>)
    %dma_wait3A = arith.constant 0 : i32
    %dma_wait3A_43 = arith.constant 0 : i32
    %dma_wait3A_44 = arith.constant 0 : i32
    %dma_wait3A_45 = tpu.memref_slice %arg3[%arg0, %arg1, %dma_wait3A, %dma_wait3A_43, %dma_wait3A_44] : memref<2x16x80x2x128xi32, #tpu.memory_space<hbm>> -> memref<1x1x1x2x128xi32, #tpu.memory_space<hbm>>
    %dma_wait3A_46 = tpu.memref_squeeze %dma_wait3A_45 : memref<1x1x1x2x128xi32, #tpu.memory_space<hbm>> -> memref<2x128xi32, #tpu.memory_space<hbm>>
    %dma_wait3A_47 = arith.constant 0 : i32
    %dma_wait3A_48 = arith.constant 0 : i32
    %dma_wait3A_49 = tpu.memref_slice %arg3[%arg0, %arg1, %dma_wait3A, %dma_wait3A_47, %dma_wait3A_48] : memref<2x16x80x2x128xi32, #tpu.memory_space<hbm>> -> memref<1x1x1x2x128xi32, #tpu.memory_space<hbm>>
    %dma_wait3A_50 = tpu.memref_squeeze %dma_wait3A_49 : memref<1x1x1x2x128xi32, #tpu.memory_space<hbm>> -> memref<2x128xi32, #tpu.memory_space<hbm>>
    tpu.wait_dma2 semaphore(%arg16 : memref<!tpu.dma_semaphore, #tpu.memory_space<semaphore_mem>>) src(%dma_wait3A_50 : memref<2x128xi32, #tpu.memory_space<hbm>>) dst(%arg7 : memref<2x128xi32, #tpu.memory_space<vmem>>)
    %dma_start3A_51 = arith.constant 0 : i32
    %dma_start3A_52 = arith.constant 0 : i32
    %dma_start3A_53 = tpu.memref_slice %arg7[%dma_start3A_51, %dma_start3A_52] : memref<2x128xi32, #tpu.memory_space<vmem>> -> memref<1x128xi32, #tpu.memory_space<vmem>>
    %dma_start3A_54 = tpu.memref_squeeze %dma_start3A_53 : memref<1x128xi32, #tpu.memory_space<vmem>> -> memref<128xi32, #tpu.memory_space<vmem>>
    %dma_start3A_55 = arith.constant 0 : i32
    %dma_start3A_56 = arith.constant 0 : i32
    %dma_start3A_57 = tpu.memref_slice %arg2[%dma_start3A_55, %dma_start3A_56] : memref<10000x128xf32, #tpu.memory_space<hbm>> -> memref<10000x128xf32, #tpu.memory_space<hbm>>
    tpu.enqueue_indirect_dma source(%dma_start3A_57 : memref<10000x128xf32, #tpu.memory_space<hbm>>) target(%arg9 : memref<128x128xf32, #tpu.memory_space<vmem>>) offsets(%dma_start3A_54 : memref<128xi32, #tpu.memory_space<vmem>>) semaphore(%arg14 : memref<!tpu.dma_semaphore, #tpu.memory_space<semaphore_mem>>)
    %scan3A_58 = arith.constant 0 : i32
    %scan3A_59 = arith.constant 0 : i32
    %scan3A_60 = arith.constant 40 : i32
    %scan3A_61 = arith.addi %scan3A_59, %scan3A_60 : i32
    %scan3A_62 = arith.constant 1 : i32
    %scan3A_63 = scf.for %scan3A_232 = %scan3A_59 to %scan3A_61 step %scan3A_62 iter_args(%scan3A_233 = %scan3A_58) -> (i32)  : i32 {
      %mul3A_234 = arith.constant 2 : i32
      %mul3A_235 = arith.muli %scan3A_232, %mul3A_234 : i32
      %dma_wait3A_236 = arith.constant 0 : i32
      %dma_wait3A_237 = arith.constant 0 : i32
      %dma_wait3A_238 = arith.constant 0 : i32
      %dma_wait3A_239 = tpu.memref_slice %arg3[%arg0, %arg1, %dma_wait3A_236, %dma_wait3A_237, %dma_wait3A_238] : memref<2x16x80x2x128xi32, #tpu.memory_space<hbm>> -> memref<1x1x1x2x128xi32, #tpu.memory_space<hbm>>
      %dma_wait3A_240 = tpu.memref_squeeze %dma_wait3A_239 : memref<1x1x1x2x128xi32, #tpu.memory_space<hbm>> -> memref<2x128xi32, #tpu.memory_space<hbm>>
      %dma_wait3A_241 = arith.constant 0 : i32
      %dma_wait3A_242 = arith.constant 0 : i32
      %dma_wait3A_243 = tpu.memref_slice %arg3[%arg0, %arg1, %dma_wait3A_236, %dma_wait3A_241, %dma_wait3A_242] : memref<2x16x80x2x128xi32, #tpu.memory_space<hbm>> -> memref<1x1x1x2x128xi32, #tpu.memory_space<hbm>>
      %dma_wait3A_244 = tpu.memref_squeeze %dma_wait3A_243 : memref<1x1x1x2x128xi32, #tpu.memory_space<hbm>> -> memref<2x128xi32, #tpu.memory_space<hbm>>
      tpu.wait_dma2 semaphore(%arg17 : memref<!tpu.dma_semaphore, #tpu.memory_space<semaphore_mem>>) src(%dma_wait3A_244 : memref<2x128xi32, #tpu.memory_space<hbm>>) dst(%arg8 : memref<2x128xi32, #tpu.memory_space<vmem>>)
      %dma_start3A_245 = arith.constant 0 : i32
      %dma_start3A_246 = arith.constant 0 : i32
      %dma_start3A_247 = tpu.memref_slice %arg8[%dma_start3A_245, %dma_start3A_246] : memref<2x128xi32, #tpu.memory_space<vmem>> -> memref<1x128xi32, #tpu.memory_space<vmem>>
      %dma_start3A_248 = tpu.memref_squeeze %dma_start3A_247 : memref<1x128xi32, #tpu.memory_space<vmem>> -> memref<128xi32, #tpu.memory_space<vmem>>
      %dma_start3A_249 = arith.constant 0 : i32
      %dma_start3A_250 = arith.constant 0 : i32
      %dma_start3A_251 = tpu.memref_slice %arg2[%dma_start3A_249, %dma_start3A_250] : memref<10000x128xf32, #tpu.memory_space<hbm>> -> memref<10000x128xf32, #tpu.memory_space<hbm>>
      tpu.enqueue_indirect_dma source(%dma_start3A_251 : memref<10000x128xf32, #tpu.memory_space<hbm>>) target(%arg10 : memref<128x128xf32, #tpu.memory_space<vmem>>) offsets(%dma_start3A_248 : memref<128xi32, #tpu.memory_space<vmem>>) semaphore(%arg15 : memref<!tpu.dma_semaphore, #tpu.memory_space<semaphore_mem>>)
      %dma_wait3A_252 = arith.constant 0 : i32
      %dma_wait3A_253 = arith.constant 0 : i32
      %dma_wait3A_254 = tpu.memref_slice %arg7[%dma_wait3A_252, %dma_wait3A_253] : memref<2x128xi32, #tpu.memory_space<vmem>> -> memref<1x128xi32, #tpu.memory_space<vmem>>
      %dma_wait3A_255 = tpu.memref_squeeze %dma_wait3A_254 : memref<1x128xi32, #tpu.memory_space<vmem>> -> memref<128xi32, #tpu.memory_space<vmem>>
      %dma_wait3A_256 = arith.constant 0 : i32
      %dma_wait3A_257 = arith.constant 0 : i32
      %dma_wait3A_258 = tpu.memref_slice %arg2[%dma_wait3A_256, %dma_wait3A_257] : memref<10000x128xf32, #tpu.memory_space<hbm>> -> memref<10000x128xf32, #tpu.memory_space<hbm>>
      tpu.wait_indirect_dma semaphore(%arg14 : memref<!tpu.dma_semaphore, #tpu.memory_space<semaphore_mem>>) src(%dma_wait3A_258 : memref<10000x128xf32, #tpu.memory_space<hbm>>) dst(%arg9 : memref<128x128xf32, #tpu.memory_space<vmem>>)
      %run_scoped3A = arith.constant 1 : i32
      "tpu.region"() ({
        %run_scoped3A_293 = tpu.sem_alloc : memref<!tpu.dma_semaphore, #tpu.memory_space<semaphore_mem>>
        %dma_start3A_294 = arith.constant 0 : i32
        %dma_start3A_295 = tpu.memref_slice %arg7[%run_scoped3A, %dma_start3A_294] : memref<2x128xi32, #tpu.memory_space<vmem>> -> memref<1x128xi32, #tpu.memory_space<vmem>>
        %dma_start3A_296 = tpu.memref_squeeze %dma_start3A_295 : memref<1x128xi32, #tpu.memory_space<vmem>> -> memref<128xi32, #tpu.memory_space<vmem>>
        %dma_start3A_297 = arith.constant 0 : i32
        %dma_start3A_298 = arith.constant 0 : i32
        %dma_start3A_299 = tpu.memref_slice %arg13[%dma_start3A_297, %dma_start3A_298] : memref<10240x128xf32, #tpu.memory_space<vmem_shared>> -> memref<10240x128xf32, #tpu.memory_space<vmem_shared>>
        tpu.enqueue_indirect_dma source(%arg9 : memref<128x128xf32, #tpu.memory_space<vmem>>) target(%dma_start3A_299 : memref<10240x128xf32, #tpu.memory_space<vmem_shared>>) offsets(%dma_start3A_296 : memref<128xi32, #tpu.memory_space<vmem>>) semaphore(%run_scoped3A_293 : memref<!tpu.dma_semaphore, #tpu.memory_space<semaphore_mem>>) {add = true}
        %dma_wait3A_300 = arith.constant 0 : i32
        %dma_wait3A_301 = tpu.memref_slice %arg7[%run_scoped3A, %dma_wait3A_300] : memref<2x128xi32, #tpu.memory_space<vmem>> -> memref<1x128xi32, #tpu.memory_space<vmem>>
        %dma_wait3A_302 = tpu.memref_squeeze %dma_wait3A_301 : memref<1x128xi32, #tpu.memory_space<vmem>> -> memref<128xi32, #tpu.memory_space<vmem>>
        %dma_wait3A_303 = arith.constant 0 : i32
        %dma_wait3A_304 = arith.constant 0 : i32
        %dma_wait3A_305 = tpu.memref_slice %arg13[%dma_wait3A_303, %dma_wait3A_304] : memref<10240x128xf32, #tpu.memory_space<vmem_shared>> -> memref<10240x128xf32, #tpu.memory_space<vmem_shared>>
        tpu.wait_indirect_dma semaphore(%run_scoped3A_293 : memref<!tpu.dma_semaphore, #tpu.memory_space<semaphore_mem>>) src(%arg9 : memref<128x128xf32, #tpu.memory_space<vmem>>) dst(%dma_wait3A_305 : memref<10240x128xf32, #tpu.memory_space<vmem_shared>>)
        tpu.yield
      }) : () -> ()
      %scan3A_259 = arith.constant 0 : i32
      %scan3A_260 = arith.constant 0 : i32
      %scan3A_261 = arith.constant 8 : i32
      %scan3A_262 = arith.addi %scan3A_260, %scan3A_261 : i32
      %scan3A_263 = arith.constant 1 : i32
      %scan3A_264 = scf.for %scan3A_293 = %scan3A_260 to %scan3A_262 step %scan3A_263 iter_args(%scan3A_294 = %scan3A_259) -> (i32)  : i32 {
        %mul3A_295 = arith.constant 16 : i32
        %mul3A_296 = arith.muli %scan3A_293, %mul3A_295 : i32
        %get3A = arith.constant 1 : i32
        %get3A_297 = arith.index_cast %get3A : i32 to index
        %get3A_298 = arith.index_cast %mul3A_296 : i32 to index
        %get3A_299 = tpu.vector_load %arg7[%get3A_297, %get3A_298] {strides = array<i32>} : memref<2x128xi32, #tpu.memory_space<vmem>>, vector<16xi32>,
        tpu.vector_store_idx %arg11[%get3A_299], %broadcast_in_dim3A_25 {add = true} : memref<10240xf32, #tpu.memory_space<vmem>>[vector<16xi32>], vector<16xf32>,
        %scan3A_300 = arith.constant 0 : i32
        scf.yield %scan3A_300 : i32
      }
      %scan3A_265 = arith.constant 8 : i32
      %add3A_266 = arith.constant 2 : i32
      %add3A_267 = arith.addi %mul3A_235, %add3A_266 : i32
      %lt3A = arith.constant 80 : i32
      %lt3A_268 = arith.cmpi slt, %add3A_267, %lt3A : i32
      %convert_element_type3A = arith.extui %lt3A_268 : i1 to i32
      %cond3A = arith.constant 0 : i32
      %cond3A_269 = arith.cmpi ne, %convert_element_type3A, %cond3A : i32
      scf.if %cond3A_269 {
        %add3A_293 = arith.constant 2 : i32
        %add3A_294 = arith.addi %mul3A_235, %add3A_293 : i32
        %dma_start3A_295 = arith.constant 0 : i32
        %dma_start3A_296 = arith.constant 0 : i32
        %dma_start3A_297 = tpu.memref_slice %arg3[%arg0, %arg1, %add3A_294, %dma_start3A_295, %dma_start3A_296] : memref<2x16x80x2x128xi32, #tpu.memory_space<hbm>> -> memref<1x1x1x2x128xi32, #tpu.memory_space<hbm>>
        %dma_start3A_298 = tpu.memref_squeeze %dma_start3A_297 : memref<1x1x1x2x128xi32, #tpu.memory_space<hbm>> -> memref<2x128xi32, #tpu.memory_space<hbm>>
        %dma_start3A_299 = arith.constant 0 : i32
        %dma_start3A_300 = arith.constant 0 : i32
        %dma_start3A_301 = tpu.memref_slice %arg3[%arg0, %arg1, %add3A_294, %dma_start3A_299, %dma_start3A_300] : memref<2x16x80x2x128xi32, #tpu.memory_space<hbm>> -> memref<1x1x1x2x128xi32, #tpu.memory_space<hbm>>
        %dma_start3A_302 = tpu.memref_squeeze %dma_start3A_301 : memref<1x1x1x2x128xi32, #tpu.memory_space<hbm>> -> memref<2x128xi32, #tpu.memory_space<hbm>>
        tpu.enqueue_dma source(%dma_start3A_302 : memref<2x128xi32, #tpu.memory_space<hbm>>) target(%arg7 : memref<2x128xi32, #tpu.memory_space<vmem>>) target_semaphore(%arg16 : memref<!tpu.dma_semaphore, #tpu.memory_space<semaphore_mem>>)
        %dma_wait3A_303 = arith.constant 0 : i32
        %dma_wait3A_304 = arith.constant 0 : i32
        %dma_wait3A_305 = arith.constant 0 : i32
        %dma_wait3A_306 = tpu.memref_slice %arg3[%arg0, %arg1, %dma_wait3A_303, %dma_wait3A_304, %dma_wait3A_305] : memref<2x16x80x2x128xi32, #tpu.memory_space<hbm>> -> memref<1x1x1x2x128xi32, #tpu.memory_space<hbm>>
        %dma_wait3A_307 = tpu.memref_squeeze %dma_wait3A_306 : memref<1x1x1x2x128xi32, #tpu.memory_space<hbm>> -> memref<2x128xi32, #tpu.memory_space<hbm>>
        %dma_wait3A_308 = arith.constant 0 : i32
        %dma_wait3A_309 = arith.constant 0 : i32
        %dma_wait3A_310 = tpu.memref_slice %arg3[%arg0, %arg1, %dma_wait3A_303, %dma_wait3A_308, %dma_wait3A_309] : memref<2x16x80x2x128xi32, #tpu.memory_space<hbm>> -> memref<1x1x1x2x128xi32, #tpu.memory_space<hbm>>
        %dma_wait3A_311 = tpu.memref_squeeze %dma_wait3A_310 : memref<1x1x1x2x128xi32, #tpu.memory_space<hbm>> -> memref<2x128xi32, #tpu.memory_space<hbm>>
        tpu.wait_dma2 semaphore(%arg16 : memref<!tpu.dma_semaphore, #tpu.memory_space<semaphore_mem>>) src(%dma_wait3A_311 : memref<2x128xi32, #tpu.memory_space<hbm>>) dst(%arg7 : memref<2x128xi32, #tpu.memory_space<vmem>>)
        %dma_start3A_312 = arith.constant 0 : i32
        %dma_start3A_313 = arith.constant 0 : i32
        %dma_start3A_314 = tpu.memref_slice %arg7[%dma_start3A_312, %dma_start3A_313] : memref<2x128xi32, #tpu.memory_space<vmem>> -> memref<1x128xi32, #tpu.memory_space<vmem>>
        %dma_start3A_315 = tpu.memref_squeeze %dma_start3A_314 : memref<1x128xi32, #tpu.memory_space<vmem>> -> memref<128xi32, #tpu.memory_space<vmem>>
        %dma_start3A_316 = arith.constant 0 : i32
        %dma_start3A_317 = arith.constant 0 : i32
        %dma_start3A_318 = tpu.memref_slice %arg2[%dma_start3A_316, %dma_start3A_317] : memref<10000x128xf32, #tpu.memory_space<hbm>> -> memref<10000x128xf32, #tpu.memory_space<hbm>>
        tpu.enqueue_indirect_dma source(%dma_start3A_318 : memref<10000x128xf32, #tpu.memory_space<hbm>>) target(%arg9 : memref<128x128xf32, #tpu.memory_space<vmem>>) offsets(%dma_start3A_315 : memref<128xi32, #tpu.memory_space<vmem>>) semaphore(%arg14 : memref<!tpu.dma_semaphore, #tpu.memory_space<semaphore_mem>>)
      } else {
      }
      %dma_wait3A_270 = arith.constant 0 : i32
      %dma_wait3A_271 = arith.constant 0 : i32
      %dma_wait3A_272 = tpu.memref_slice %arg8[%dma_wait3A_270, %dma_wait3A_271] : memref<2x128xi32, #tpu.memory_space<vmem>> -> memref<1x128xi32, #tpu.memory_space<vmem>>
      %dma_wait3A_273 = tpu.memref_squeeze %dma_wait3A_272 : memref<1x128xi32, #tpu.memory_space<vmem>> -> memref<128xi32, #tpu.memory_space<vmem>>
      %dma_wait3A_274 = arith.constant 0 : i32
      %dma_wait3A_275 = arith.constant 0 : i32
      %dma_wait3A_276 = tpu.memref_slice %arg2[%dma_wait3A_274, %dma_wait3A_275] : memref<10000x128xf32, #tpu.memory_space<hbm>> -> memref<10000x128xf32, #tpu.memory_space<hbm>>
      tpu.wait_indirect_dma semaphore(%arg15 : memref<!tpu.dma_semaphore, #tpu.memory_space<semaphore_mem>>) src(%dma_wait3A_276 : memref<10000x128xf32, #tpu.memory_space<hbm>>) dst(%arg10 : memref<128x128xf32, #tpu.memory_space<vmem>>)
      %run_scoped3A_277 = arith.constant 1 : i32
      "tpu.region"() ({
        %run_scoped3A_293 = tpu.sem_alloc : memref<!tpu.dma_semaphore, #tpu.memory_space<semaphore_mem>>
        %dma_start3A_294 = arith.constant 0 : i32
        %dma_start3A_295 = tpu.memref_slice %arg8[%run_scoped3A_277, %dma_start3A_294] : memref<2x128xi32, #tpu.memory_space<vmem>> -> memref<1x128xi32, #tpu.memory_space<vmem>>
        %dma_start3A_296 = tpu.memref_squeeze %dma_start3A_295 : memref<1x128xi32, #tpu.memory_space<vmem>> -> memref<128xi32, #tpu.memory_space<vmem>>
        %dma_start3A_297 = arith.constant 0 : i32
        %dma_start3A_298 = arith.constant 0 : i32
        %dma_start3A_299 = tpu.memref_slice %arg13[%dma_start3A_297, %dma_start3A_298] : memref<10240x128xf32, #tpu.memory_space<vmem_shared>> -> memref<10240x128xf32, #tpu.memory_space<vmem_shared>>
        tpu.enqueue_indirect_dma source(%arg10 : memref<128x128xf32, #tpu.memory_space<vmem>>) target(%dma_start3A_299 : memref<10240x128xf32, #tpu.memory_space<vmem_shared>>) offsets(%dma_start3A_296 : memref<128xi32, #tpu.memory_space<vmem>>) semaphore(%run_scoped3A_293 : memref<!tpu.dma_semaphore, #tpu.memory_space<semaphore_mem>>) {add = true}
        %dma_wait3A_300 = arith.constant 0 : i32
        %dma_wait3A_301 = tpu.memref_slice %arg8[%run_scoped3A_277, %dma_wait3A_300] : memref<2x128xi32, #tpu.memory_space<vmem>> -> memref<1x128xi32, #tpu.memory_space<vmem>>
        %dma_wait3A_302 = tpu.memref_squeeze %dma_wait3A_301 : memref<1x128xi32, #tpu.memory_space<vmem>> -> memref<128xi32, #tpu.memory_space<vmem>>
        %dma_wait3A_303 = arith.constant 0 : i32
        %dma_wait3A_304 = arith.constant 0 : i32
        %dma_wait3A_305 = tpu.memref_slice %arg13[%dma_wait3A_303, %dma_wait3A_304] : memref<10240x128xf32, #tpu.memory_space<vmem_shared>> -> memref<10240x128xf32, #tpu.memory_space<vmem_shared>>
        tpu.wait_indirect_dma semaphore(%run_scoped3A_293 : memref<!tpu.dma_semaphore, #tpu.memory_space<semaphore_mem>>) src(%arg10 : memref<128x128xf32, #tpu.memory_space<vmem>>) dst(%dma_wait3A_305 : memref<10240x128xf32, #tpu.memory_space<vmem_shared>>)
        tpu.yield
      }) : () -> ()
      %scan3A_278 = arith.constant 0 : i32
      %scan3A_279 = arith.constant 0 : i32
      %scan3A_280 = arith.constant 8 : i32
      %scan3A_281 = arith.addi %scan3A_279, %scan3A_280 : i32
      %scan3A_282 = arith.constant 1 : i32
      %scan3A_283 = scf.for %scan3A_293 = %scan3A_279 to %scan3A_281 step %scan3A_282 iter_args(%scan3A_294 = %scan3A_278) -> (i32)  : i32 {
        %mul3A_295 = arith.constant 16 : i32
        %mul3A_296 = arith.muli %scan3A_293, %mul3A_295 : i32
        %get3A = arith.constant 1 : i32
        %get3A_297 = arith.index_cast %get3A : i32 to index
        %get3A_298 = arith.index_cast %mul3A_296 : i32 to index
        %get3A_299 = tpu.vector_load %arg8[%get3A_297, %get3A_298] {strides = array<i32>} : memref<2x128xi32, #tpu.memory_space<vmem>>, vector<16xi32>,
        tpu.vector_store_idx %arg11[%get3A_299], %broadcast_in_dim3A_25 {add = true} : memref<10240xf32, #tpu.memory_space<vmem>>[vector<16xi32>], vector<16xf32>,
        %scan3A_300 = arith.constant 0 : i32
        scf.yield %scan3A_300 : i32
      }
      %scan3A_284 = arith.constant 8 : i32
      %add3A_285 = arith.constant 3 : i32
      %add3A_286 = arith.addi %mul3A_235, %add3A_285 : i32
      %lt3A_287 = arith.constant 80 : i32
      %lt3A_288 = arith.cmpi slt, %add3A_286, %lt3A_287 : i32
      %convert_element_type3A_289 = arith.extui %lt3A_288 : i1 to i32
      %cond3A_290 = arith.constant 0 : i32
      %cond3A_291 = arith.cmpi ne, %convert_element_type3A_289, %cond3A_290 : i32
      scf.if %cond3A_291 {
        %add3A_293 = arith.constant 3 : i32
        %add3A_294 = arith.addi %mul3A_235, %add3A_293 : i32
        %dma_start3A_295 = arith.constant 0 : i32
        %dma_start3A_296 = arith.constant 0 : i32
        %dma_start3A_297 = tpu.memref_slice %arg3[%arg0, %arg1, %add3A_294, %dma_start3A_295, %dma_start3A_296] : memref<2x16x80x2x128xi32, #tpu.memory_space<hbm>> -> memref<1x1x1x2x128xi32, #tpu.memory_space<hbm>>
        %dma_start3A_298 = tpu.memref_squeeze %dma_start3A_297 : memref<1x1x1x2x128xi32, #tpu.memory_space<hbm>> -> memref<2x128xi32, #tpu.memory_space<hbm>>
        %dma_start3A_299 = arith.constant 0 : i32
        %dma_start3A_300 = arith.constant 0 : i32
        %dma_start3A_301 = tpu.memref_slice %arg3[%arg0, %arg1, %add3A_294, %dma_start3A_299, %dma_start3A_300] : memref<2x16x80x2x128xi32, #tpu.memory_space<hbm>> -> memref<1x1x1x2x128xi32, #tpu.memory_space<hbm>>
        %dma_start3A_302 = tpu.memref_squeeze %dma_start3A_301 : memref<1x1x1x2x128xi32, #tpu.memory_space<hbm>> -> memref<2x128xi32, #tpu.memory_space<hbm>>
        tpu.enqueue_dma source(%dma_start3A_302 : memref<2x128xi32, #tpu.memory_space<hbm>>) target(%arg8 : memref<2x128xi32, #tpu.memory_space<vmem>>) target_semaphore(%arg17 : memref<!tpu.dma_semaphore, #tpu.memory_space<semaphore_mem>>)
      } else {
      }
      %scan3A_292 = arith.constant 0 : i32
      scf.yield %scan3A_292 : i32
    }
    %scan3A_64 = arith.constant 40 : i32
    %mul3A_65 = arith.constant 16 : i32
    %mul3A_66 = arith.muli %arg0, %mul3A_65 : i32
    %add3A_67 = arith.addi %mul3A_66, %arg1 : i32
    %mul3A_68 = arith.constant 10240 : i32
    %mul3A_69 = arith.muli %add3A_67, %mul3A_68 : i32
    "tpu.region"() ({
      %run_scoped3A = tpu.sem_alloc : memref<!tpu.dma_semaphore, #tpu.memory_space<semaphore_mem>>
      %dma_start3A_232 = tpu.memref_slice %arg6[%mul3A_69] : memref<327680xf32, #tpu.memory_space<hbm>> -> memref<10240xf32, #tpu.memory_space<hbm>>
      %dma_start3A_233 = tpu.memref_slice %arg6[%mul3A_69] : memref<327680xf32, #tpu.memory_space<hbm>> -> memref<10240xf32, #tpu.memory_space<hbm>>
      tpu.enqueue_dma source(%arg11 : memref<10240xf32, #tpu.memory_space<vmem>>) target(%dma_start3A_233 : memref<10240xf32, #tpu.memory_space<hbm>>) target_semaphore(%run_scoped3A : memref<!tpu.dma_semaphore, #tpu.memory_space<semaphore_mem>>)
      %dma_wait3A_234 = tpu.memref_slice %arg6[%mul3A_69] : memref<327680xf32, #tpu.memory_space<hbm>> -> memref<10240xf32, #tpu.memory_space<hbm>>
      %dma_wait3A_235 = tpu.memref_slice %arg6[%mul3A_69] : memref<327680xf32, #tpu.memory_space<hbm>> -> memref<10240xf32, #tpu.memory_space<hbm>>
      tpu.wait_dma2 semaphore(%run_scoped3A : memref<!tpu.dma_semaphore, #tpu.memory_space<semaphore_mem>>) src(%arg11 : memref<10240xf32, #tpu.memory_space<vmem>>) dst(%dma_wait3A_235 : memref<10240xf32, #tpu.memory_space<hbm>>)
      tpu.yield
    }) : () -> ()
    %barrier3A_70 = arith.constant 0 : index
    tpu.barrier barrier_id(%barrier3A_70)
    %mul3A_71 = arith.constant 10240 : i32
    %mul3A_72 = arith.muli %arg0, %mul3A_71 : i32
    %add3A_73 = arith.addi %mul3A_72, %mul3A_0 : i32
    "tpu.region"() ({
      %run_scoped3A = tpu.sem_alloc : memref<!tpu.dma_semaphore, #tpu.memory_space<semaphore_mem>>
      %dma_start3A_232 = arith.constant 0 : i32
      %dma_start3A_233 = tpu.memref_slice %arg4[%add3A_73, %dma_start3A_232] : memref<20480x128xf32, #tpu.memory_space<hbm>> -> memref<640x128xf32, #tpu.memory_space<hbm>>
      %dma_start3A_234 = arith.constant 0 : i32
      %dma_start3A_235 = tpu.memref_slice %arg13[%mul3A_0, %dma_start3A_234] : memref<10240x128xf32, #tpu.memory_space<vmem_shared>> -> memref<640x128xf32, #tpu.memory_space<vmem_shared>>
      tpu.enqueue_dma source(%dma_start3A_235 : memref<640x128xf32, #tpu.memory_space<vmem_shared>>) target(%dma_start3A_233 : memref<640x128xf32, #tpu.memory_space<hbm>>) target_semaphore(%run_scoped3A : memref<!tpu.dma_semaphore, #tpu.memory_space<semaphore_mem>>)
      %dma_wait3A_236 = arith.constant 0 : i32
      %dma_wait3A_237 = tpu.memref_slice %arg4[%add3A_73, %dma_wait3A_236] : memref<20480x128xf32, #tpu.memory_space<hbm>> -> memref<640x128xf32, #tpu.memory_space<hbm>>
      %dma_wait3A_238 = arith.constant 0 : i32
      %dma_wait3A_239 = tpu.memref_slice %arg13[%mul3A_0, %dma_wait3A_238] : memref<10240x128xf32, #tpu.memory_space<vmem_shared>> -> memref<640x128xf32, #tpu.memory_space<vmem_shared>>
      tpu.wait_dma2 semaphore(%run_scoped3A : memref<!tpu.dma_semaphore, #tpu.memory_space<semaphore_mem>>) src(%dma_wait3A_239 : memref<640x128xf32, #tpu.memory_space<vmem_shared>>) dst(%dma_wait3A_237 : memref<640x128xf32, #tpu.memory_space<hbm>>)
      tpu.yield
    }) : () -> ()
    %mul3A_74 = arith.constant 16 : i32
    %mul3A_75 = arith.muli %arg0, %mul3A_74 : i32
    %mul3A_76 = arith.constant 10240 : i32
    %mul3A_77 = arith.muli %mul3A_75, %mul3A_76 : i32
    %add3A_78 = arith.addi %mul3A_77, %mul3A_0 : i32
    "tpu.region"() ({
      %run_scoped3A = tpu.sem_alloc : memref<!tpu.dma_semaphore, #tpu.memory_space<semaphore_mem>>
      %dma_start3A_232 = arith.constant 0 : i32
      %dma_start3A_233 = tpu.memref_slice %arg11[%dma_start3A_232] : memref<10240xf32, #tpu.memory_space<vmem>> -> memref<640xf32, #tpu.memory_space<vmem>>
      %dma_start3A_234 = tpu.memref_slice %arg6[%add3A_78] : memref<327680xf32, #tpu.memory_space<hbm>> -> memref<640xf32, #tpu.memory_space<hbm>>
      %dma_start3A_235 = arith.constant 0 : i32
      %dma_start3A_236 = tpu.memref_slice %arg11[%dma_start3A_235] : memref<10240xf32, #tpu.memory_space<vmem>> -> memref<640xf32, #tpu.memory_space<vmem>>
      %dma_start3A_237 = tpu.memref_slice %arg6[%add3A_78] : memref<327680xf32, #tpu.memory_space<hbm>> -> memref<640xf32, #tpu.memory_space<hbm>>
      tpu.enqueue_dma source(%dma_start3A_237 : memref<640xf32, #tpu.memory_space<hbm>>) target(%dma_start3A_236 : memref<640xf32, #tpu.memory_space<vmem>>) target_semaphore(%run_scoped3A : memref<!tpu.dma_semaphore, #tpu.memory_space<semaphore_mem>>)
      %dma_wait3A_238 = arith.constant 0 : i32
      %dma_wait3A_239 = tpu.memref_slice %arg11[%dma_wait3A_238] : memref<10240xf32, #tpu.memory_space<vmem>> -> memref<640xf32, #tpu.memory_space<vmem>>
      %dma_wait3A_240 = tpu.memref_slice %arg6[%add3A_78] : memref<327680xf32, #tpu.memory_space<hbm>> -> memref<640xf32, #tpu.memory_space<hbm>>
      %dma_wait3A_241 = arith.constant 0 : i32
      %dma_wait3A_242 = tpu.memref_slice %arg11[%dma_wait3A_241] : memref<10240xf32, #tpu.memory_space<vmem>> -> memref<640xf32, #tpu.memory_space<vmem>>
      %dma_wait3A_243 = tpu.memref_slice %arg6[%add3A_78] : memref<327680xf32, #tpu.memory_space<hbm>> -> memref<640xf32, #tpu.memory_space<hbm>>
      tpu.wait_dma2 semaphore(%run_scoped3A : memref<!tpu.dma_semaphore, #tpu.memory_space<semaphore_mem>>) src(%dma_wait3A_243 : memref<640xf32, #tpu.memory_space<hbm>>) dst(%dma_wait3A_242 : memref<640xf32, #tpu.memory_space<vmem>>)
      tpu.yield
    }) : () -> ()
    %add3A_79 = arith.constant 10240 : i32
    %add3A_80 = arith.addi %mul3A_77, %add3A_79 : i32
    %add3A_81 = arith.addi %add3A_80, %mul3A_0 : i32
    "tpu.region"() ({
      %run_scoped3A = tpu.sem_alloc : memref<!tpu.dma_semaphore, #tpu.memory_space<semaphore_mem>>
      %dma_start3A_232 = tpu.memref_slice %arg6[%add3A_81] : memref<327680xf32, #tpu.memory_space<hbm>> -> memref<640xf32, #tpu.memory_space<hbm>>
      %dma_start3A_233 = tpu.memref_slice %arg6[%add3A_81] : memref<327680xf32, #tpu.memory_space<hbm>> -> memref<640xf32, #tpu.memory_space<hbm>>
      tpu.enqueue_dma source(%dma_start3A_233 : memref<640xf32, #tpu.memory_space<hbm>>) target(%arg12 : memref<640xf32, #tpu.memory_space<vmem>>) target_semaphore(%run_scoped3A : memref<!tpu.dma_semaphore, #tpu.memory_space<semaphore_mem>>)
      %dma_wait3A_234 = tpu.memref_slice %arg6[%add3A_81] : memref<327680xf32, #tpu.memory_space<hbm>> -> memref<640xf32, #tpu.memory_space<hbm>>
      %dma_wait3A_235 = tpu.memref_slice %arg6[%add3A_81] : memref<327680xf32, #tpu.memory_space<hbm>> -> memref<640xf32, #tpu.memory_space<hbm>>
      tpu.wait_dma2 semaphore(%run_scoped3A : memref<!tpu.dma_semaphore, #tpu.memory_space<semaphore_mem>>) src(%dma_wait3A_235 : memref<640xf32, #tpu.memory_space<hbm>>) dst(%arg12 : memref<640xf32, #tpu.memory_space<vmem>>)
      tpu.yield
    }) : () -> ()
    %scan3A_82 = arith.constant 0 : i32
    %scan3A_83 = arith.constant 0 : i32
    %scan3A_84 = arith.constant 40 : i32
    %scan3A_85 = arith.addi %scan3A_83, %scan3A_84 : i32
    %scan3A_86 = arith.constant 1 : i32
    %scan3A_87 = scf.for %scan3A_232 = %scan3A_83 to %scan3A_85 step %scan3A_86 iter_args(%scan3A_233 = %scan3A_82) -> (i32)  : i32 {
      %mul3A_234 = arith.constant 16 : i32
      %mul3A_235 = arith.muli %scan3A_232, %mul3A_234 : i32
      %get3A = arith.index_cast %mul3A_235 : i32 to index
      %get3A_236 = tpu.vector_load %arg11[%get3A] {strides = array<i32>} : memref<10240xf32, #tpu.memory_space<vmem>>, vector<16xf32>,
      %mul3A_237 = arith.constant 16 : i32
      %mul3A_238 = arith.muli %scan3A_232, %mul3A_237 : i32
      %get3A_239 = arith.index_cast %mul3A_238 : i32 to index
      %get3A_240 = tpu.vector_load %arg12[%get3A_239] {strides = array<i32>} : memref<640xf32, #tpu.memory_space<vmem>>, vector<16xf32>,
      %add3A_241 = arith.addf %get3A_236, %get3A_240 : vector<16xf32>
      %mul3A_242 = arith.constant 16 : i32
      %mul3A_243 = arith.muli %scan3A_232, %mul3A_242 : i32
      %swap3A = arith.index_cast %mul3A_243 : i32 to index
      %swap3A_244 = tpu.vector_load %arg11[%swap3A] {strides = array<i32>} : memref<10240xf32, #tpu.memory_space<vmem>>, vector<16xf32>,
      tpu.vector_store %arg11[%swap3A], %add3A_241 {strides = array<i32>} : memref<10240xf32, #tpu.memory_space<vmem>>, vector<16xf32>,
      %scan3A_245 = arith.constant 0 : i32
      scf.yield %scan3A_245 : i32
    }
    %scan3A_88 = arith.constant 40 : i32
    %add3A_89 = arith.constant 20480 : i32
    %add3A_90 = arith.addi %mul3A_77, %add3A_89 : i32
    %add3A_91 = arith.addi %add3A_90, %mul3A_0 : i32
    "tpu.region"() ({
      %run_scoped3A = tpu.sem_alloc : memref<!tpu.dma_semaphore, #tpu.memory_space<semaphore_mem>>
      %dma_start3A_232 = tpu.memref_slice %arg6[%add3A_91] : memref<327680xf32, #tpu.memory_space<hbm>> -> memref<640xf32, #tpu.memory_space<hbm>>
      %dma_start3A_233 = tpu.memref_slice %arg6[%add3A_91] : memref<327680xf32, #tpu.memory_space<hbm>> -> memref<640xf32, #tpu.memory_space<hbm>>
      tpu.enqueue_dma source(%dma_start3A_233 : memref<640xf32, #tpu.memory_space<hbm>>) target(%arg12 : memref<640xf32, #tpu.memory_space<vmem>>) target_semaphore(%run_scoped3A : memref<!tpu.dma_semaphore, #tpu.memory_space<semaphore_mem>>)
      %dma_wait3A_234 = tpu.memref_slice %arg6[%add3A_91] : memref<327680xf32, #tpu.memory_space<hbm>> -> memref<640xf32, #tpu.memory_space<hbm>>
      %dma_wait3A_235 = tpu.memref_slice %arg6[%add3A_91] : memref<327680xf32, #tpu.memory_space<hbm>> -> memref<640xf32, #tpu.memory_space<hbm>>
      tpu.wait_dma2 semaphore(%run_scoped3A : memref<!tpu.dma_semaphore, #tpu.memory_space<semaphore_mem>>) src(%dma_wait3A_235 : memref<640xf32, #tpu.memory_space<hbm>>) dst(%arg12 : memref<640xf32, #tpu.memory_space<vmem>>)
      tpu.yield
    }) : () -> ()
    %scan3A_92 = arith.constant 0 : i32
    %scan3A_93 = arith.constant 0 : i32
    %scan3A_94 = arith.constant 40 : i32
    %scan3A_95 = arith.addi %scan3A_93, %scan3A_94 : i32
    %scan3A_96 = arith.constant 1 : i32
    %scan3A_97 = scf.for %scan3A_232 = %scan3A_93 to %scan3A_95 step %scan3A_96 iter_args(%scan3A_233 = %scan3A_92) -> (i32)  : i32 {
      %mul3A_234 = arith.constant 16 : i32
      %mul3A_235 = arith.muli %scan3A_232, %mul3A_234 : i32
      %get3A = arith.index_cast %mul3A_235 : i32 to index
      %get3A_236 = tpu.vector_load %arg11[%get3A] {strides = array<i32>} : memref<10240xf32, #tpu.memory_space<vmem>>, vector<16xf32>,
      %mul3A_237 = arith.constant 16 : i32
      %mul3A_238 = arith.muli %scan3A_232, %mul3A_237 : i32
      %get3A_239 = arith.index_cast %mul3A_238 : i32 to index
      %get3A_240 = tpu.vector_load %arg12[%get3A_239] {strides = array<i32>} : memref<640xf32, #tpu.memory_space<vmem>>, vector<16xf32>,
      %add3A_241 = arith.addf %get3A_236, %get3A_240 : vector<16xf32>
      %mul3A_242 = arith.constant 16 : i32
      %mul3A_243 = arith.muli %scan3A_232, %mul3A_242 : i32
      %swap3A = arith.index_cast %mul3A_243 : i32 to index
      %swap3A_244 = tpu.vector_load %arg11[%swap3A] {strides = array<i32>} : memref<10240xf32, #tpu.memory_space<vmem>>, vector<16xf32>,
      tpu.vector_store %arg11[%swap3A], %add3A_241 {strides = array<i32>} : memref<10240xf32, #tpu.memory_space<vmem>>, vector<16xf32>,
      %scan3A_245 = arith.constant 0 : i32
      scf.yield %scan3A_245 : i32
    }
    %scan3A_98 = arith.constant 40 : i32
    %add3A_99 = arith.constant 30720 : i32
    %add3A_100 = arith.addi %mul3A_77, %add3A_99 : i32
    %add3A_101 = arith.addi %add3A_100, %mul3A_0 : i32
    "tpu.region"() ({
      %run_scoped3A = tpu.sem_alloc : memref<!tpu.dma_semaphore, #tpu.memory_space<semaphore_mem>>
      %dma_start3A_232 = tpu.memref_slice %arg6[%add3A_101] : memref<327680xf32, #tpu.memory_space<hbm>> -> memref<640xf32, #tpu.memory_space<hbm>>
      %dma_start3A_233 = tpu.memref_slice %arg6[%add3A_101] : memref<327680xf32, #tpu.memory_space<hbm>> -> memref<640xf32, #tpu.memory_space<hbm>>
      tpu.enqueue_dma source(%dma_start3A_233 : memref<640xf32, #tpu.memory_space<hbm>>) target(%arg12 : memref<640xf32, #tpu.memory_space<vmem>>) target_semaphore(%run_scoped3A : memref<!tpu.dma_semaphore, #tpu.memory_space<semaphore_mem>>)
      %dma_wait3A_234 = tpu.memref_slice %arg6[%add3A_101] : memref<327680xf32, #tpu.memory_space<hbm>> -> memref<640xf32, #tpu.memory_space<hbm>>
      %dma_wait3A_235 = tpu.memref_slice %arg6[%add3A_101] : memref<327680xf32, #tpu.memory_space<hbm>> -> memref<640xf32, #tpu.memory_space<hbm>>
      tpu.wait_dma2 semaphore(%run_scoped3A : memref<!tpu.dma_semaphore, #tpu.memory_space<semaphore_mem>>) src(%dma_wait3A_235 : memref<640xf32, #tpu.memory_space<hbm>>) dst(%arg12 : memref<640xf32, #tpu.memory_space<vmem>>)
      tpu.yield
    }) : () -> ()
    %scan3A_102 = arith.constant 0 : i32
    %scan3A_103 = arith.constant 0 : i32
    %scan3A_104 = arith.constant 40 : i32
    %scan3A_105 = arith.addi %scan3A_103, %scan3A_104 : i32
    %scan3A_106 = arith.constant 1 : i32
    %scan3A_107 = scf.for %scan3A_232 = %scan3A_103 to %scan3A_105 step %scan3A_106 iter_args(%scan3A_233 = %scan3A_102) -> (i32)  : i32 {
      %mul3A_234 = arith.constant 16 : i32
      %mul3A_235 = arith.muli %scan3A_232, %mul3A_234 : i32
      %get3A = arith.index_cast %mul3A_235 : i32 to index
      %get3A_236 = tpu.vector_load %arg11[%get3A] {strides = array<i32>} : memref<10240xf32, #tpu.memory_space<vmem>>, vector<16xf32>,
      %mul3A_237 = arith.constant 16 : i32
      %mul3A_238 = arith.muli %scan3A_232, %mul3A_237 : i32
      %get3A_239 = arith.index_cast %mul3A_238 : i32 to index
      %get3A_240 = tpu.vector_load %arg12[%get3A_239] {strides = array<i32>} : memref<640xf32, #tpu.memory_space<vmem>>, vector<16xf32>,
      %add3A_241 = arith.addf %get3A_236, %get3A_240 : vector<16xf32>
      %mul3A_242 = arith.constant 16 : i32
      %mul3A_243 = arith.muli %scan3A_232, %mul3A_242 : i32
      %swap3A = arith.index_cast %mul3A_243 : i32 to index
      %swap3A_244 = tpu.vector_load %arg11[%swap3A] {strides = array<i32>} : memref<10240xf32, #tpu.memory_space<vmem>>, vector<16xf32>,
      tpu.vector_store %arg11[%swap3A], %add3A_241 {strides = array<i32>} : memref<10240xf32, #tpu.memory_space<vmem>>, vector<16xf32>,
      %scan3A_245 = arith.constant 0 : i32
      scf.yield %scan3A_245 : i32
    }
    %scan3A_108 = arith.constant 40 : i32
    %add3A_109 = arith.constant 40960 : i32
    %add3A_110 = arith.addi %mul3A_77, %add3A_109 : i32
    %add3A_111 = arith.addi %add3A_110, %mul3A_0 : i32
    "tpu.region"() ({
      %run_scoped3A = tpu.sem_alloc : memref<!tpu.dma_semaphore, #tpu.memory_space<semaphore_mem>>
      %dma_start3A_232 = tpu.memref_slice %arg6[%add3A_111] : memref<327680xf32, #tpu.memory_space<hbm>> -> memref<640xf32, #tpu.memory_space<hbm>>
      %dma_start3A_233 = tpu.memref_slice %arg6[%add3A_111] : memref<327680xf32, #tpu.memory_space<hbm>> -> memref<640xf32, #tpu.memory_space<hbm>>
      tpu.enqueue_dma source(%dma_start3A_233 : memref<640xf32, #tpu.memory_space<hbm>>) target(%arg12 : memref<640xf32, #tpu.memory_space<vmem>>) target_semaphore(%run_scoped3A : memref<!tpu.dma_semaphore, #tpu.memory_space<semaphore_mem>>)
      %dma_wait3A_234 = tpu.memref_slice %arg6[%add3A_111] : memref<327680xf32, #tpu.memory_space<hbm>> -> memref<640xf32, #tpu.memory_space<hbm>>
      %dma_wait3A_235 = tpu.memref_slice %arg6[%add3A_111] : memref<327680xf32, #tpu.memory_space<hbm>> -> memref<640xf32, #tpu.memory_space<hbm>>
      tpu.wait_dma2 semaphore(%run_scoped3A : memref<!tpu.dma_semaphore, #tpu.memory_space<semaphore_mem>>) src(%dma_wait3A_235 : memref<640xf32, #tpu.memory_space<hbm>>) dst(%arg12 : memref<640xf32, #tpu.memory_space<vmem>>)
      tpu.yield
    }) : () -> ()
    %scan3A_112 = arith.constant 0 : i32
    %scan3A_113 = arith.constant 0 : i32
    %scan3A_114 = arith.constant 40 : i32
    %scan3A_115 = arith.addi %scan3A_113, %scan3A_114 : i32
    %scan3A_116 = arith.constant 1 : i32
    %scan3A_117 = scf.for %scan3A_232 = %scan3A_113 to %scan3A_115 step %scan3A_116 iter_args(%scan3A_233 = %scan3A_112) -> (i32)  : i32 {
      %mul3A_234 = arith.constant 16 : i32
      %mul3A_235 = arith.muli %scan3A_232, %mul3A_234 : i32
      %get3A = arith.index_cast %mul3A_235 : i32 to index
      %get3A_236 = tpu.vector_load %arg11[%get3A] {strides = array<i32>} : memref<10240xf32, #tpu.memory_space<vmem>>, vector<16xf32>,
      %mul3A_237 = arith.constant 16 : i32
      %mul3A_238 = arith.muli %scan3A_232, %mul3A_237 : i32
      %get3A_239 = arith.index_cast %mul3A_238 : i32 to index
      %get3A_240 = tpu.vector_load %arg12[%get3A_239] {strides = array<i32>} : memref<640xf32, #tpu.memory_space<vmem>>, vector<16xf32>,
      %add3A_241 = arith.addf %get3A_236, %get3A_240 : vector<16xf32>
      %mul3A_242 = arith.constant 16 : i32
      %mul3A_243 = arith.muli %scan3A_232, %mul3A_242 : i32
      %swap3A = arith.index_cast %mul3A_243 : i32 to index
      %swap3A_244 = tpu.vector_load %arg11[%swap3A] {strides = array<i32>} : memref<10240xf32, #tpu.memory_space<vmem>>, vector<16xf32>,
      tpu.vector_store %arg11[%swap3A], %add3A_241 {strides = array<i32>} : memref<10240xf32, #tpu.memory_space<vmem>>, vector<16xf32>,
      %scan3A_245 = arith.constant 0 : i32
      scf.yield %scan3A_245 : i32
    }
    %scan3A_118 = arith.constant 40 : i32
    %add3A_119 = arith.constant 51200 : i32
    %add3A_120 = arith.addi %mul3A_77, %add3A_119 : i32
    %add3A_121 = arith.addi %add3A_120, %mul3A_0 : i32
    "tpu.region"() ({
      %run_scoped3A = tpu.sem_alloc : memref<!tpu.dma_semaphore, #tpu.memory_space<semaphore_mem>>
      %dma_start3A_232 = tpu.memref_slice %arg6[%add3A_121] : memref<327680xf32, #tpu.memory_space<hbm>> -> memref<640xf32, #tpu.memory_space<hbm>>
      %dma_start3A_233 = tpu.memref_slice %arg6[%add3A_121] : memref<327680xf32, #tpu.memory_space<hbm>> -> memref<640xf32, #tpu.memory_space<hbm>>
      tpu.enqueue_dma source(%dma_start3A_233 : memref<640xf32, #tpu.memory_space<hbm>>) target(%arg12 : memref<640xf32, #tpu.memory_space<vmem>>) target_semaphore(%run_scoped3A : memref<!tpu.dma_semaphore, #tpu.memory_space<semaphore_mem>>)
      %dma_wait3A_234 = tpu.memref_slice %arg6[%add3A_121] : memref<327680xf32, #tpu.memory_space<hbm>> -> memref<640xf32, #tpu.memory_space<hbm>>
      %dma_wait3A_235 = tpu.memref_slice %arg6[%add3A_121] : memref<327680xf32, #tpu.memory_space<hbm>> -> memref<640xf32, #tpu.memory_space<hbm>>
      tpu.wait_dma2 semaphore(%run_scoped3A : memref<!tpu.dma_semaphore, #tpu.memory_space<semaphore_mem>>) src(%dma_wait3A_235 : memref<640xf32, #tpu.memory_space<hbm>>) dst(%arg12 : memref<640xf32, #tpu.memory_space<vmem>>)
      tpu.yield
    }) : () -> ()
    %scan3A_122 = arith.constant 0 : i32
    %scan3A_123 = arith.constant 0 : i32
    %scan3A_124 = arith.constant 40 : i32
    %scan3A_125 = arith.addi %scan3A_123, %scan3A_124 : i32
    %scan3A_126 = arith.constant 1 : i32
    %scan3A_127 = scf.for %scan3A_232 = %scan3A_123 to %scan3A_125 step %scan3A_126 iter_args(%scan3A_233 = %scan3A_122) -> (i32)  : i32 {
      %mul3A_234 = arith.constant 16 : i32
      %mul3A_235 = arith.muli %scan3A_232, %mul3A_234 : i32
      %get3A = arith.index_cast %mul3A_235 : i32 to index
      %get3A_236 = tpu.vector_load %arg11[%get3A] {strides = array<i32>} : memref<10240xf32, #tpu.memory_space<vmem>>, vector<16xf32>,
      %mul3A_237 = arith.constant 16 : i32
      %mul3A_238 = arith.muli %scan3A_232, %mul3A_237 : i32
      %get3A_239 = arith.index_cast %mul3A_238 : i32 to index
      %get3A_240 = tpu.vector_load %arg12[%get3A_239] {strides = array<i32>} : memref<640xf32, #tpu.memory_space<vmem>>, vector<16xf32>,
      %add3A_241 = arith.addf %get3A_236, %get3A_240 : vector<16xf32>
      %mul3A_242 = arith.constant 16 : i32
      %mul3A_243 = arith.muli %scan3A_232, %mul3A_242 : i32
      %swap3A = arith.index_cast %mul3A_243 : i32 to index
      %swap3A_244 = tpu.vector_load %arg11[%swap3A] {strides = array<i32>} : memref<10240xf32, #tpu.memory_space<vmem>>, vector<16xf32>,
      tpu.vector_store %arg11[%swap3A], %add3A_241 {strides = array<i32>} : memref<10240xf32, #tpu.memory_space<vmem>>, vector<16xf32>,
      %scan3A_245 = arith.constant 0 : i32
      scf.yield %scan3A_245 : i32
    }
    %scan3A_128 = arith.constant 40 : i32
    %add3A_129 = arith.constant 61440 : i32
    %add3A_130 = arith.addi %mul3A_77, %add3A_129 : i32
    %add3A_131 = arith.addi %add3A_130, %mul3A_0 : i32
    "tpu.region"() ({
      %run_scoped3A = tpu.sem_alloc : memref<!tpu.dma_semaphore, #tpu.memory_space<semaphore_mem>>
      %dma_start3A_232 = tpu.memref_slice %arg6[%add3A_131] : memref<327680xf32, #tpu.memory_space<hbm>> -> memref<640xf32, #tpu.memory_space<hbm>>
      %dma_start3A_233 = tpu.memref_slice %arg6[%add3A_131] : memref<327680xf32, #tpu.memory_space<hbm>> -> memref<640xf32, #tpu.memory_space<hbm>>
      tpu.enqueue_dma source(%dma_start3A_233 : memref<640xf32, #tpu.memory_space<hbm>>) target(%arg12 : memref<640xf32, #tpu.memory_space<vmem>>) target_semaphore(%run_scoped3A : memref<!tpu.dma_semaphore, #tpu.memory_space<semaphore_mem>>)
      %dma_wait3A_234 = tpu.memref_slice %arg6[%add3A_131] : memref<327680xf32, #tpu.memory_space<hbm>> -> memref<640xf32, #tpu.memory_space<hbm>>
      %dma_wait3A_235 = tpu.memref_slice %arg6[%add3A_131] : memref<327680xf32, #tpu.memory_space<hbm>> -> memref<640xf32, #tpu.memory_space<hbm>>
      tpu.wait_dma2 semaphore(%run_scoped3A : memref<!tpu.dma_semaphore, #tpu.memory_space<semaphore_mem>>) src(%dma_wait3A_235 : memref<640xf32, #tpu.memory_space<hbm>>) dst(%arg12 : memref<640xf32, #tpu.memory_space<vmem>>)
      tpu.yield
    }) : () -> ()
    %scan3A_132 = arith.constant 0 : i32
    %scan3A_133 = arith.constant 0 : i32
    %scan3A_134 = arith.constant 40 : i32
    %scan3A_135 = arith.addi %scan3A_133, %scan3A_134 : i32
    %scan3A_136 = arith.constant 1 : i32
    %scan3A_137 = scf.for %scan3A_232 = %scan3A_133 to %scan3A_135 step %scan3A_136 iter_args(%scan3A_233 = %scan3A_132) -> (i32)  : i32 {
      %mul3A_234 = arith.constant 16 : i32
      %mul3A_235 = arith.muli %scan3A_232, %mul3A_234 : i32
      %get3A = arith.index_cast %mul3A_235 : i32 to index
      %get3A_236 = tpu.vector_load %arg11[%get3A] {strides = array<i32>} : memref<10240xf32, #tpu.memory_space<vmem>>, vector<16xf32>,
      %mul3A_237 = arith.constant 16 : i32
      %mul3A_238 = arith.muli %scan3A_232, %mul3A_237 : i32
      %get3A_239 = arith.index_cast %mul3A_238 : i32 to index
      %get3A_240 = tpu.vector_load %arg12[%get3A_239] {strides = array<i32>} : memref<640xf32, #tpu.memory_space<vmem>>, vector<16xf32>,
      %add3A_241 = arith.addf %get3A_236, %get3A_240 : vector<16xf32>
      %mul3A_242 = arith.constant 16 : i32
      %mul3A_243 = arith.muli %scan3A_232, %mul3A_242 : i32
      %swap3A = arith.index_cast %mul3A_243 : i32 to index
      %swap3A_244 = tpu.vector_load %arg11[%swap3A] {strides = array<i32>} : memref<10240xf32, #tpu.memory_space<vmem>>, vector<16xf32>,
      tpu.vector_store %arg11[%swap3A], %add3A_241 {strides = array<i32>} : memref<10240xf32, #tpu.memory_space<vmem>>, vector<16xf32>,
      %scan3A_245 = arith.constant 0 : i32
      scf.yield %scan3A_245 : i32
    }
    %scan3A_138 = arith.constant 40 : i32
    %add3A_139 = arith.constant 71680 : i32
    %add3A_140 = arith.addi %mul3A_77, %add3A_139 : i32
    %add3A_141 = arith.addi %add3A_140, %mul3A_0 : i32
    "tpu.region"() ({
      %run_scoped3A = tpu.sem_alloc : memref<!tpu.dma_semaphore, #tpu.memory_space<semaphore_mem>>
      %dma_start3A_232 = tpu.memref_slice %arg6[%add3A_141] : memref<327680xf32, #tpu.memory_space<hbm>> -> memref<640xf32, #tpu.memory_space<hbm>>
      %dma_start3A_233 = tpu.memref_slice %arg6[%add3A_141] : memref<327680xf32, #tpu.memory_space<hbm>> -> memref<640xf32, #tpu.memory_space<hbm>>
      tpu.enqueue_dma source(%dma_start3A_233 : memref<640xf32, #tpu.memory_space<hbm>>) target(%arg12 : memref<640xf32, #tpu.memory_space<vmem>>) target_semaphore(%run_scoped3A : memref<!tpu.dma_semaphore, #tpu.memory_space<semaphore_mem>>)
      %dma_wait3A_234 = tpu.memref_slice %arg6[%add3A_141] : memref<327680xf32, #tpu.memory_space<hbm>> -> memref<640xf32, #tpu.memory_space<hbm>>
      %dma_wait3A_235 = tpu.memref_slice %arg6[%add3A_141] : memref<327680xf32, #tpu.memory_space<hbm>> -> memref<640xf32, #tpu.memory_space<hbm>>
      tpu.wait_dma2 semaphore(%run_scoped3A : memref<!tpu.dma_semaphore, #tpu.memory_space<semaphore_mem>>) src(%dma_wait3A_235 : memref<640xf32, #tpu.memory_space<hbm>>) dst(%arg12 : memref<640xf32, #tpu.memory_space<vmem>>)
      tpu.yield
    }) : () -> ()
    %scan3A_142 = arith.constant 0 : i32
    %scan3A_143 = arith.constant 0 : i32
    %scan3A_144 = arith.constant 40 : i32
    %scan3A_145 = arith.addi %scan3A_143, %scan3A_144 : i32
    %scan3A_146 = arith.constant 1 : i32
    %scan3A_147 = scf.for %scan3A_232 = %scan3A_143 to %scan3A_145 step %scan3A_146 iter_args(%scan3A_233 = %scan3A_142) -> (i32)  : i32 {
      %mul3A_234 = arith.constant 16 : i32
      %mul3A_235 = arith.muli %scan3A_232, %mul3A_234 : i32
      %get3A = arith.index_cast %mul3A_235 : i32 to index
      %get3A_236 = tpu.vector_load %arg11[%get3A] {strides = array<i32>} : memref<10240xf32, #tpu.memory_space<vmem>>, vector<16xf32>,
      %mul3A_237 = arith.constant 16 : i32
      %mul3A_238 = arith.muli %scan3A_232, %mul3A_237 : i32
      %get3A_239 = arith.index_cast %mul3A_238 : i32 to index
      %get3A_240 = tpu.vector_load %arg12[%get3A_239] {strides = array<i32>} : memref<640xf32, #tpu.memory_space<vmem>>, vector<16xf32>,
      %add3A_241 = arith.addf %get3A_236, %get3A_240 : vector<16xf32>
      %mul3A_242 = arith.constant 16 : i32
      %mul3A_243 = arith.muli %scan3A_232, %mul3A_242 : i32
      %swap3A = arith.index_cast %mul3A_243 : i32 to index
      %swap3A_244 = tpu.vector_load %arg11[%swap3A] {strides = array<i32>} : memref<10240xf32, #tpu.memory_space<vmem>>, vector<16xf32>,
      tpu.vector_store %arg11[%swap3A], %add3A_241 {strides = array<i32>} : memref<10240xf32, #tpu.memory_space<vmem>>, vector<16xf32>,
      %scan3A_245 = arith.constant 0 : i32
      scf.yield %scan3A_245 : i32
    }
    %scan3A_148 = arith.constant 40 : i32
    %add3A_149 = arith.constant 81920 : i32
    %add3A_150 = arith.addi %mul3A_77, %add3A_149 : i32
    %add3A_151 = arith.addi %add3A_150, %mul3A_0 : i32
    "tpu.region"() ({
      %run_scoped3A = tpu.sem_alloc : memref<!tpu.dma_semaphore, #tpu.memory_space<semaphore_mem>>
      %dma_start3A_232 = tpu.memref_slice %arg6[%add3A_151] : memref<327680xf32, #tpu.memory_space<hbm>> -> memref<640xf32, #tpu.memory_space<hbm>>
      %dma_start3A_233 = tpu.memref_slice %arg6[%add3A_151] : memref<327680xf32, #tpu.memory_space<hbm>> -> memref<640xf32, #tpu.memory_space<hbm>>
      tpu.enqueue_dma source(%dma_start3A_233 : memref<640xf32, #tpu.memory_space<hbm>>) target(%arg12 : memref<640xf32, #tpu.memory_space<vmem>>) target_semaphore(%run_scoped3A : memref<!tpu.dma_semaphore, #tpu.memory_space<semaphore_mem>>)
      %dma_wait3A_234 = tpu.memref_slice %arg6[%add3A_151] : memref<327680xf32, #tpu.memory_space<hbm>> -> memref<640xf32, #tpu.memory_space<hbm>>
      %dma_wait3A_235 = tpu.memref_slice %arg6[%add3A_151] : memref<327680xf32, #tpu.memory_space<hbm>> -> memref<640xf32, #tpu.memory_space<hbm>>
      tpu.wait_dma2 semaphore(%run_scoped3A : memref<!tpu.dma_semaphore, #tpu.memory_space<semaphore_mem>>) src(%dma_wait3A_235 : memref<640xf32, #tpu.memory_space<hbm>>) dst(%arg12 : memref<640xf32, #tpu.memory_space<vmem>>)
      tpu.yield
    }) : () -> ()
    %scan3A_152 = arith.constant 0 : i32
    %scan3A_153 = arith.constant 0 : i32
    %scan3A_154 = arith.constant 40 : i32
    %scan3A_155 = arith.addi %scan3A_153, %scan3A_154 : i32
    %scan3A_156 = arith.constant 1 : i32
    %scan3A_157 = scf.for %scan3A_232 = %scan3A_153 to %scan3A_155 step %scan3A_156 iter_args(%scan3A_233 = %scan3A_152) -> (i32)  : i32 {
      %mul3A_234 = arith.constant 16 : i32
      %mul3A_235 = arith.muli %scan3A_232, %mul3A_234 : i32
      %get3A = arith.index_cast %mul3A_235 : i32 to index
      %get3A_236 = tpu.vector_load %arg11[%get3A] {strides = array<i32>} : memref<10240xf32, #tpu.memory_space<vmem>>, vector<16xf32>,
      %mul3A_237 = arith.constant 16 : i32
      %mul3A_238 = arith.muli %scan3A_232, %mul3A_237 : i32
      %get3A_239 = arith.index_cast %mul3A_238 : i32 to index
      %get3A_240 = tpu.vector_load %arg12[%get3A_239] {strides = array<i32>} : memref<640xf32, #tpu.memory_space<vmem>>, vector<16xf32>,
      %add3A_241 = arith.addf %get3A_236, %get3A_240 : vector<16xf32>
      %mul3A_242 = arith.constant 16 : i32
      %mul3A_243 = arith.muli %scan3A_232, %mul3A_242 : i32
      %swap3A = arith.index_cast %mul3A_243 : i32 to index
      %swap3A_244 = tpu.vector_load %arg11[%swap3A] {strides = array<i32>} : memref<10240xf32, #tpu.memory_space<vmem>>, vector<16xf32>,
      tpu.vector_store %arg11[%swap3A], %add3A_241 {strides = array<i32>} : memref<10240xf32, #tpu.memory_space<vmem>>, vector<16xf32>,
      %scan3A_245 = arith.constant 0 : i32
      scf.yield %scan3A_245 : i32
    }
    %scan3A_158 = arith.constant 40 : i32
    %add3A_159 = arith.constant 92160 : i32
    %add3A_160 = arith.addi %mul3A_77, %add3A_159 : i32
    %add3A_161 = arith.addi %add3A_160, %mul3A_0 : i32
    "tpu.region"() ({
      %run_scoped3A = tpu.sem_alloc : memref<!tpu.dma_semaphore, #tpu.memory_space<semaphore_mem>>
      %dma_start3A_232 = tpu.memref_slice %arg6[%add3A_161] : memref<327680xf32, #tpu.memory_space<hbm>> -> memref<640xf32, #tpu.memory_space<hbm>>
      %dma_start3A_233 = tpu.memref_slice %arg6[%add3A_161] : memref<327680xf32, #tpu.memory_space<hbm>> -> memref<640xf32, #tpu.memory_space<hbm>>
      tpu.enqueue_dma source(%dma_start3A_233 : memref<640xf32, #tpu.memory_space<hbm>>) target(%arg12 : memref<640xf32, #tpu.memory_space<vmem>>) target_semaphore(%run_scoped3A : memref<!tpu.dma_semaphore, #tpu.memory_space<semaphore_mem>>)
      %dma_wait3A_234 = tpu.memref_slice %arg6[%add3A_161] : memref<327680xf32, #tpu.memory_space<hbm>> -> memref<640xf32, #tpu.memory_space<hbm>>
      %dma_wait3A_235 = tpu.memref_slice %arg6[%add3A_161] : memref<327680xf32, #tpu.memory_space<hbm>> -> memref<640xf32, #tpu.memory_space<hbm>>
      tpu.wait_dma2 semaphore(%run_scoped3A : memref<!tpu.dma_semaphore, #tpu.memory_space<semaphore_mem>>) src(%dma_wait3A_235 : memref<640xf32, #tpu.memory_space<hbm>>) dst(%arg12 : memref<640xf32, #tpu.memory_space<vmem>>)
      tpu.yield
    }) : () -> ()
    %scan3A_162 = arith.constant 0 : i32
    %scan3A_163 = arith.constant 0 : i32
    %scan3A_164 = arith.constant 40 : i32
    %scan3A_165 = arith.addi %scan3A_163, %scan3A_164 : i32
    %scan3A_166 = arith.constant 1 : i32
    %scan3A_167 = scf.for %scan3A_232 = %scan3A_163 to %scan3A_165 step %scan3A_166 iter_args(%scan3A_233 = %scan3A_162) -> (i32)  : i32 {
      %mul3A_234 = arith.constant 16 : i32
      %mul3A_235 = arith.muli %scan3A_232, %mul3A_234 : i32
      %get3A = arith.index_cast %mul3A_235 : i32 to index
      %get3A_236 = tpu.vector_load %arg11[%get3A] {strides = array<i32>} : memref<10240xf32, #tpu.memory_space<vmem>>, vector<16xf32>,
      %mul3A_237 = arith.constant 16 : i32
      %mul3A_238 = arith.muli %scan3A_232, %mul3A_237 : i32
      %get3A_239 = arith.index_cast %mul3A_238 : i32 to index
      %get3A_240 = tpu.vector_load %arg12[%get3A_239] {strides = array<i32>} : memref<640xf32, #tpu.memory_space<vmem>>, vector<16xf32>,
      %add3A_241 = arith.addf %get3A_236, %get3A_240 : vector<16xf32>
      %mul3A_242 = arith.constant 16 : i32
      %mul3A_243 = arith.muli %scan3A_232, %mul3A_242 : i32
      %swap3A = arith.index_cast %mul3A_243 : i32 to index
      %swap3A_244 = tpu.vector_load %arg11[%swap3A] {strides = array<i32>} : memref<10240xf32, #tpu.memory_space<vmem>>, vector<16xf32>,
      tpu.vector_store %arg11[%swap3A], %add3A_241 {strides = array<i32>} : memref<10240xf32, #tpu.memory_space<vmem>>, vector<16xf32>,
      %scan3A_245 = arith.constant 0 : i32
      scf.yield %scan3A_245 : i32
    }
    %scan3A_168 = arith.constant 40 : i32
    %add3A_169 = arith.constant 102400 : i32
    %add3A_170 = arith.addi %mul3A_77, %add3A_169 : i32
    %add3A_171 = arith.addi %add3A_170, %mul3A_0 : i32
    "tpu.region"() ({
      %run_scoped3A = tpu.sem_alloc : memref<!tpu.dma_semaphore, #tpu.memory_space<semaphore_mem>>
      %dma_start3A_232 = tpu.memref_slice %arg6[%add3A_171] : memref<327680xf32, #tpu.memory_space<hbm>> -> memref<640xf32, #tpu.memory_space<hbm>>
      %dma_start3A_233 = tpu.memref_slice %arg6[%add3A_171] : memref<327680xf32, #tpu.memory_space<hbm>> -> memref<640xf32, #tpu.memory_space<hbm>>
      tpu.enqueue_dma source(%dma_start3A_233 : memref<640xf32, #tpu.memory_space<hbm>>) target(%arg12 : memref<640xf32, #tpu.memory_space<vmem>>) target_semaphore(%run_scoped3A : memref<!tpu.dma_semaphore, #tpu.memory_space<semaphore_mem>>)
      %dma_wait3A_234 = tpu.memref_slice %arg6[%add3A_171] : memref<327680xf32, #tpu.memory_space<hbm>> -> memref<640xf32, #tpu.memory_space<hbm>>
      %dma_wait3A_235 = tpu.memref_slice %arg6[%add3A_171] : memref<327680xf32, #tpu.memory_space<hbm>> -> memref<640xf32, #tpu.memory_space<hbm>>
      tpu.wait_dma2 semaphore(%run_scoped3A : memref<!tpu.dma_semaphore, #tpu.memory_space<semaphore_mem>>) src(%dma_wait3A_235 : memref<640xf32, #tpu.memory_space<hbm>>) dst(%arg12 : memref<640xf32, #tpu.memory_space<vmem>>)
      tpu.yield
    }) : () -> ()
    %scan3A_172 = arith.constant 0 : i32
    %scan3A_173 = arith.constant 0 : i32
    %scan3A_174 = arith.constant 40 : i32
    %scan3A_175 = arith.addi %scan3A_173, %scan3A_174 : i32
    %scan3A_176 = arith.constant 1 : i32
    %scan3A_177 = scf.for %scan3A_232 = %scan3A_173 to %scan3A_175 step %scan3A_176 iter_args(%scan3A_233 = %scan3A_172) -> (i32)  : i32 {
      %mul3A_234 = arith.constant 16 : i32
      %mul3A_235 = arith.muli %scan3A_232, %mul3A_234 : i32
      %get3A = arith.index_cast %mul3A_235 : i32 to index
      %get3A_236 = tpu.vector_load %arg11[%get3A] {strides = array<i32>} : memref<10240xf32, #tpu.memory_space<vmem>>, vector<16xf32>,
      %mul3A_237 = arith.constant 16 : i32
      %mul3A_238 = arith.muli %scan3A_232, %mul3A_237 : i32
      %get3A_239 = arith.index_cast %mul3A_238 : i32 to index
      %get3A_240 = tpu.vector_load %arg12[%get3A_239] {strides = array<i32>} : memref<640xf32, #tpu.memory_space<vmem>>, vector<16xf32>,
      %add3A_241 = arith.addf %get3A_236, %get3A_240 : vector<16xf32>
      %mul3A_242 = arith.constant 16 : i32
      %mul3A_243 = arith.muli %scan3A_232, %mul3A_242 : i32
      %swap3A = arith.index_cast %mul3A_243 : i32 to index
      %swap3A_244 = tpu.vector_load %arg11[%swap3A] {strides = array<i32>} : memref<10240xf32, #tpu.memory_space<vmem>>, vector<16xf32>,
      tpu.vector_store %arg11[%swap3A], %add3A_241 {strides = array<i32>} : memref<10240xf32, #tpu.memory_space<vmem>>, vector<16xf32>,
      %scan3A_245 = arith.constant 0 : i32
      scf.yield %scan3A_245 : i32
    }
    %scan3A_178 = arith.constant 40 : i32
    %add3A_179 = arith.constant 112640 : i32
    %add3A_180 = arith.addi %mul3A_77, %add3A_179 : i32
    %add3A_181 = arith.addi %add3A_180, %mul3A_0 : i32
    "tpu.region"() ({
      %run_scoped3A = tpu.sem_alloc : memref<!tpu.dma_semaphore, #tpu.memory_space<semaphore_mem>>
      %dma_start3A_232 = tpu.memref_slice %arg6[%add3A_181] : memref<327680xf32, #tpu.memory_space<hbm>> -> memref<640xf32, #tpu.memory_space<hbm>>
      %dma_start3A_233 = tpu.memref_slice %arg6[%add3A_181] : memref<327680xf32, #tpu.memory_space<hbm>> -> memref<640xf32, #tpu.memory_space<hbm>>
      tpu.enqueue_dma source(%dma_start3A_233 : memref<640xf32, #tpu.memory_space<hbm>>) target(%arg12 : memref<640xf32, #tpu.memory_space<vmem>>) target_semaphore(%run_scoped3A : memref<!tpu.dma_semaphore, #tpu.memory_space<semaphore_mem>>)
      %dma_wait3A_234 = tpu.memref_slice %arg6[%add3A_181] : memref<327680xf32, #tpu.memory_space<hbm>> -> memref<640xf32, #tpu.memory_space<hbm>>
      %dma_wait3A_235 = tpu.memref_slice %arg6[%add3A_181] : memref<327680xf32, #tpu.memory_space<hbm>> -> memref<640xf32, #tpu.memory_space<hbm>>
      tpu.wait_dma2 semaphore(%run_scoped3A : memref<!tpu.dma_semaphore, #tpu.memory_space<semaphore_mem>>) src(%dma_wait3A_235 : memref<640xf32, #tpu.memory_space<hbm>>) dst(%arg12 : memref<640xf32, #tpu.memory_space<vmem>>)
      tpu.yield
    }) : () -> ()
    %scan3A_182 = arith.constant 0 : i32
    %scan3A_183 = arith.constant 0 : i32
    %scan3A_184 = arith.constant 40 : i32
    %scan3A_185 = arith.addi %scan3A_183, %scan3A_184 : i32
    %scan3A_186 = arith.constant 1 : i32
    %scan3A_187 = scf.for %scan3A_232 = %scan3A_183 to %scan3A_185 step %scan3A_186 iter_args(%scan3A_233 = %scan3A_182) -> (i32)  : i32 {
      %mul3A_234 = arith.constant 16 : i32
      %mul3A_235 = arith.muli %scan3A_232, %mul3A_234 : i32
      %get3A = arith.index_cast %mul3A_235 : i32 to index
      %get3A_236 = tpu.vector_load %arg11[%get3A] {strides = array<i32>} : memref<10240xf32, #tpu.memory_space<vmem>>, vector<16xf32>,
      %mul3A_237 = arith.constant 16 : i32
      %mul3A_238 = arith.muli %scan3A_232, %mul3A_237 : i32
      %get3A_239 = arith.index_cast %mul3A_238 : i32 to index
      %get3A_240 = tpu.vector_load %arg12[%get3A_239] {strides = array<i32>} : memref<640xf32, #tpu.memory_space<vmem>>, vector<16xf32>,
      %add3A_241 = arith.addf %get3A_236, %get3A_240 : vector<16xf32>
      %mul3A_242 = arith.constant 16 : i32
      %mul3A_243 = arith.muli %scan3A_232, %mul3A_242 : i32
      %swap3A = arith.index_cast %mul3A_243 : i32 to index
      %swap3A_244 = tpu.vector_load %arg11[%swap3A] {strides = array<i32>} : memref<10240xf32, #tpu.memory_space<vmem>>, vector<16xf32>,
      tpu.vector_store %arg11[%swap3A], %add3A_241 {strides = array<i32>} : memref<10240xf32, #tpu.memory_space<vmem>>, vector<16xf32>,
      %scan3A_245 = arith.constant 0 : i32
      scf.yield %scan3A_245 : i32
    }
    %scan3A_188 = arith.constant 40 : i32
    %add3A_189 = arith.constant 122880 : i32
    %add3A_190 = arith.addi %mul3A_77, %add3A_189 : i32
    %add3A_191 = arith.addi %add3A_190, %mul3A_0 : i32
    "tpu.region"() ({
      %run_scoped3A = tpu.sem_alloc : memref<!tpu.dma_semaphore, #tpu.memory_space<semaphore_mem>>
      %dma_start3A_232 = tpu.memref_slice %arg6[%add3A_191] : memref<327680xf32, #tpu.memory_space<hbm>> -> memref<640xf32, #tpu.memory_space<hbm>>
      %dma_start3A_233 = tpu.memref_slice %arg6[%add3A_191] : memref<327680xf32, #tpu.memory_space<hbm>> -> memref<640xf32, #tpu.memory_space<hbm>>
      tpu.enqueue_dma source(%dma_start3A_233 : memref<640xf32, #tpu.memory_space<hbm>>) target(%arg12 : memref<640xf32, #tpu.memory_space<vmem>>) target_semaphore(%run_scoped3A : memref<!tpu.dma_semaphore, #tpu.memory_space<semaphore_mem>>)
      %dma_wait3A_234 = tpu.memref_slice %arg6[%add3A_191] : memref<327680xf32, #tpu.memory_space<hbm>> -> memref<640xf32, #tpu.memory_space<hbm>>
      %dma_wait3A_235 = tpu.memref_slice %arg6[%add3A_191] : memref<327680xf32, #tpu.memory_space<hbm>> -> memref<640xf32, #tpu.memory_space<hbm>>
      tpu.wait_dma2 semaphore(%run_scoped3A : memref<!tpu.dma_semaphore, #tpu.memory_space<semaphore_mem>>) src(%dma_wait3A_235 : memref<640xf32, #tpu.memory_space<hbm>>) dst(%arg12 : memref<640xf32, #tpu.memory_space<vmem>>)
      tpu.yield
    }) : () -> ()
    %scan3A_192 = arith.constant 0 : i32
    %scan3A_193 = arith.constant 0 : i32
    %scan3A_194 = arith.constant 40 : i32
    %scan3A_195 = arith.addi %scan3A_193, %scan3A_194 : i32
    %scan3A_196 = arith.constant 1 : i32
    %scan3A_197 = scf.for %scan3A_232 = %scan3A_193 to %scan3A_195 step %scan3A_196 iter_args(%scan3A_233 = %scan3A_192) -> (i32)  : i32 {
      %mul3A_234 = arith.constant 16 : i32
      %mul3A_235 = arith.muli %scan3A_232, %mul3A_234 : i32
      %get3A = arith.index_cast %mul3A_235 : i32 to index
      %get3A_236 = tpu.vector_load %arg11[%get3A] {strides = array<i32>} : memref<10240xf32, #tpu.memory_space<vmem>>, vector<16xf32>,
      %mul3A_237 = arith.constant 16 : i32
      %mul3A_238 = arith.muli %scan3A_232, %mul3A_237 : i32
      %get3A_239 = arith.index_cast %mul3A_238 : i32 to index
      %get3A_240 = tpu.vector_load %arg12[%get3A_239] {strides = array<i32>} : memref<640xf32, #tpu.memory_space<vmem>>, vector<16xf32>,
      %add3A_241 = arith.addf %get3A_236, %get3A_240 : vector<16xf32>
      %mul3A_242 = arith.constant 16 : i32
      %mul3A_243 = arith.muli %scan3A_232, %mul3A_242 : i32
      %swap3A = arith.index_cast %mul3A_243 : i32 to index
      %swap3A_244 = tpu.vector_load %arg11[%swap3A] {strides = array<i32>} : memref<10240xf32, #tpu.memory_space<vmem>>, vector<16xf32>,
      tpu.vector_store %arg11[%swap3A], %add3A_241 {strides = array<i32>} : memref<10240xf32, #tpu.memory_space<vmem>>, vector<16xf32>,
      %scan3A_245 = arith.constant 0 : i32
      scf.yield %scan3A_245 : i32
    }
    %scan3A_198 = arith.constant 40 : i32
    %add3A_199 = arith.constant 133120 : i32
    %add3A_200 = arith.addi %mul3A_77, %add3A_199 : i32
    %add3A_201 = arith.addi %add3A_200, %mul3A_0 : i32
    "tpu.region"() ({
      %run_scoped3A = tpu.sem_alloc : memref<!tpu.dma_semaphore, #tpu.memory_space<semaphore_mem>>
      %dma_start3A_232 = tpu.memref_slice %arg6[%add3A_201] : memref<327680xf32, #tpu.memory_space<hbm>> -> memref<640xf32, #tpu.memory_space<hbm>>
      %dma_start3A_233 = tpu.memref_slice %arg6[%add3A_201] : memref<327680xf32, #tpu.memory_space<hbm>> -> memref<640xf32, #tpu.memory_space<hbm>>
      tpu.enqueue_dma source(%dma_start3A_233 : memref<640xf32, #tpu.memory_space<hbm>>) target(%arg12 : memref<640xf32, #tpu.memory_space<vmem>>) target_semaphore(%run_scoped3A : memref<!tpu.dma_semaphore, #tpu.memory_space<semaphore_mem>>)
      %dma_wait3A_234 = tpu.memref_slice %arg6[%add3A_201] : memref<327680xf32, #tpu.memory_space<hbm>> -> memref<640xf32, #tpu.memory_space<hbm>>
      %dma_wait3A_235 = tpu.memref_slice %arg6[%add3A_201] : memref<327680xf32, #tpu.memory_space<hbm>> -> memref<640xf32, #tpu.memory_space<hbm>>
      tpu.wait_dma2 semaphore(%run_scoped3A : memref<!tpu.dma_semaphore, #tpu.memory_space<semaphore_mem>>) src(%dma_wait3A_235 : memref<640xf32, #tpu.memory_space<hbm>>) dst(%arg12 : memref<640xf32, #tpu.memory_space<vmem>>)
      tpu.yield
    }) : () -> ()
    %scan3A_202 = arith.constant 0 : i32
    %scan3A_203 = arith.constant 0 : i32
    %scan3A_204 = arith.constant 40 : i32
    %scan3A_205 = arith.addi %scan3A_203, %scan3A_204 : i32
    %scan3A_206 = arith.constant 1 : i32
    %scan3A_207 = scf.for %scan3A_232 = %scan3A_203 to %scan3A_205 step %scan3A_206 iter_args(%scan3A_233 = %scan3A_202) -> (i32)  : i32 {
      %mul3A_234 = arith.constant 16 : i32
      %mul3A_235 = arith.muli %scan3A_232, %mul3A_234 : i32
      %get3A = arith.index_cast %mul3A_235 : i32 to index
      %get3A_236 = tpu.vector_load %arg11[%get3A] {strides = array<i32>} : memref<10240xf32, #tpu.memory_space<vmem>>, vector<16xf32>,
      %mul3A_237 = arith.constant 16 : i32
      %mul3A_238 = arith.muli %scan3A_232, %mul3A_237 : i32
      %get3A_239 = arith.index_cast %mul3A_238 : i32 to index
      %get3A_240 = tpu.vector_load %arg12[%get3A_239] {strides = array<i32>} : memref<640xf32, #tpu.memory_space<vmem>>, vector<16xf32>,
      %add3A_241 = arith.addf %get3A_236, %get3A_240 : vector<16xf32>
      %mul3A_242 = arith.constant 16 : i32
      %mul3A_243 = arith.muli %scan3A_232, %mul3A_242 : i32
      %swap3A = arith.index_cast %mul3A_243 : i32 to index
      %swap3A_244 = tpu.vector_load %arg11[%swap3A] {strides = array<i32>} : memref<10240xf32, #tpu.memory_space<vmem>>, vector<16xf32>,
      tpu.vector_store %arg11[%swap3A], %add3A_241 {strides = array<i32>} : memref<10240xf32, #tpu.memory_space<vmem>>, vector<16xf32>,
      %scan3A_245 = arith.constant 0 : i32
      scf.yield %scan3A_245 : i32
    }
    %scan3A_208 = arith.constant 40 : i32
    %add3A_209 = arith.constant 143360 : i32
    %add3A_210 = arith.addi %mul3A_77, %add3A_209 : i32
    %add3A_211 = arith.addi %add3A_210, %mul3A_0 : i32
    "tpu.region"() ({
      %run_scoped3A = tpu.sem_alloc : memref<!tpu.dma_semaphore, #tpu.memory_space<semaphore_mem>>
      %dma_start3A_232 = tpu.memref_slice %arg6[%add3A_211] : memref<327680xf32, #tpu.memory_space<hbm>> -> memref<640xf32, #tpu.memory_space<hbm>>
      %dma_start3A_233 = tpu.memref_slice %arg6[%add3A_211] : memref<327680xf32, #tpu.memory_space<hbm>> -> memref<640xf32, #tpu.memory_space<hbm>>
      tpu.enqueue_dma source(%dma_start3A_233 : memref<640xf32, #tpu.memory_space<hbm>>) target(%arg12 : memref<640xf32, #tpu.memory_space<vmem>>) target_semaphore(%run_scoped3A : memref<!tpu.dma_semaphore, #tpu.memory_space<semaphore_mem>>)
      %dma_wait3A_234 = tpu.memref_slice %arg6[%add3A_211] : memref<327680xf32, #tpu.memory_space<hbm>> -> memref<640xf32, #tpu.memory_space<hbm>>
      %dma_wait3A_235 = tpu.memref_slice %arg6[%add3A_211] : memref<327680xf32, #tpu.memory_space<hbm>> -> memref<640xf32, #tpu.memory_space<hbm>>
      tpu.wait_dma2 semaphore(%run_scoped3A : memref<!tpu.dma_semaphore, #tpu.memory_space<semaphore_mem>>) src(%dma_wait3A_235 : memref<640xf32, #tpu.memory_space<hbm>>) dst(%arg12 : memref<640xf32, #tpu.memory_space<vmem>>)
      tpu.yield
    }) : () -> ()
    %scan3A_212 = arith.constant 0 : i32
    %scan3A_213 = arith.constant 0 : i32
    %scan3A_214 = arith.constant 40 : i32
    %scan3A_215 = arith.addi %scan3A_213, %scan3A_214 : i32
    %scan3A_216 = arith.constant 1 : i32
    %scan3A_217 = scf.for %scan3A_232 = %scan3A_213 to %scan3A_215 step %scan3A_216 iter_args(%scan3A_233 = %scan3A_212) -> (i32)  : i32 {
      %mul3A_234 = arith.constant 16 : i32
      %mul3A_235 = arith.muli %scan3A_232, %mul3A_234 : i32
      %get3A = arith.index_cast %mul3A_235 : i32 to index
      %get3A_236 = tpu.vector_load %arg11[%get3A] {strides = array<i32>} : memref<10240xf32, #tpu.memory_space<vmem>>, vector<16xf32>,
      %mul3A_237 = arith.constant 16 : i32
      %mul3A_238 = arith.muli %scan3A_232, %mul3A_237 : i32
      %get3A_239 = arith.index_cast %mul3A_238 : i32 to index
      %get3A_240 = tpu.vector_load %arg12[%get3A_239] {strides = array<i32>} : memref<640xf32, #tpu.memory_space<vmem>>, vector<16xf32>,
      %add3A_241 = arith.addf %get3A_236, %get3A_240 : vector<16xf32>
      %mul3A_242 = arith.constant 16 : i32
      %mul3A_243 = arith.muli %scan3A_232, %mul3A_242 : i32
      %swap3A = arith.index_cast %mul3A_243 : i32 to index
      %swap3A_244 = tpu.vector_load %arg11[%swap3A] {strides = array<i32>} : memref<10240xf32, #tpu.memory_space<vmem>>, vector<16xf32>,
      tpu.vector_store %arg11[%swap3A], %add3A_241 {strides = array<i32>} : memref<10240xf32, #tpu.memory_space<vmem>>, vector<16xf32>,
      %scan3A_245 = arith.constant 0 : i32
      scf.yield %scan3A_245 : i32
    }
    %scan3A_218 = arith.constant 40 : i32
    %add3A_219 = arith.constant 153600 : i32
    %add3A_220 = arith.addi %mul3A_77, %add3A_219 : i32
    %add3A_221 = arith.addi %add3A_220, %mul3A_0 : i32
    "tpu.region"() ({
      %run_scoped3A = tpu.sem_alloc : memref<!tpu.dma_semaphore, #tpu.memory_space<semaphore_mem>>
      %dma_start3A_232 = tpu.memref_slice %arg6[%add3A_221] : memref<327680xf32, #tpu.memory_space<hbm>> -> memref<640xf32, #tpu.memory_space<hbm>>
      %dma_start3A_233 = tpu.memref_slice %arg6[%add3A_221] : memref<327680xf32, #tpu.memory_space<hbm>> -> memref<640xf32, #tpu.memory_space<hbm>>
      tpu.enqueue_dma source(%dma_start3A_233 : memref<640xf32, #tpu.memory_space<hbm>>) target(%arg12 : memref<640xf32, #tpu.memory_space<vmem>>) target_semaphore(%run_scoped3A : memref<!tpu.dma_semaphore, #tpu.memory_space<semaphore_mem>>)
      %dma_wait3A_234 = tpu.memref_slice %arg6[%add3A_221] : memref<327680xf32, #tpu.memory_space<hbm>> -> memref<640xf32, #tpu.memory_space<hbm>>
      %dma_wait3A_235 = tpu.memref_slice %arg6[%add3A_221] : memref<327680xf32, #tpu.memory_space<hbm>> -> memref<640xf32, #tpu.memory_space<hbm>>
      tpu.wait_dma2 semaphore(%run_scoped3A : memref<!tpu.dma_semaphore, #tpu.memory_space<semaphore_mem>>) src(%dma_wait3A_235 : memref<640xf32, #tpu.memory_space<hbm>>) dst(%arg12 : memref<640xf32, #tpu.memory_space<vmem>>)
      tpu.yield
    }) : () -> ()
    %scan3A_222 = arith.constant 0 : i32
    %scan3A_223 = arith.constant 0 : i32
    %scan3A_224 = arith.constant 40 : i32
    %scan3A_225 = arith.addi %scan3A_223, %scan3A_224 : i32
    %scan3A_226 = arith.constant 1 : i32
    %scan3A_227 = scf.for %scan3A_232 = %scan3A_223 to %scan3A_225 step %scan3A_226 iter_args(%scan3A_233 = %scan3A_222) -> (i32)  : i32 {
      %mul3A_234 = arith.constant 16 : i32
      %mul3A_235 = arith.muli %scan3A_232, %mul3A_234 : i32
      %get3A = arith.index_cast %mul3A_235 : i32 to index
      %get3A_236 = tpu.vector_load %arg11[%get3A] {strides = array<i32>} : memref<10240xf32, #tpu.memory_space<vmem>>, vector<16xf32>,
      %mul3A_237 = arith.constant 16 : i32
      %mul3A_238 = arith.muli %scan3A_232, %mul3A_237 : i32
      %get3A_239 = arith.index_cast %mul3A_238 : i32 to index
      %get3A_240 = tpu.vector_load %arg12[%get3A_239] {strides = array<i32>} : memref<640xf32, #tpu.memory_space<vmem>>, vector<16xf32>,
      %add3A_241 = arith.addf %get3A_236, %get3A_240 : vector<16xf32>
      %mul3A_242 = arith.constant 16 : i32
      %mul3A_243 = arith.muli %scan3A_232, %mul3A_242 : i32
      %swap3A = arith.index_cast %mul3A_243 : i32 to index
      %swap3A_244 = tpu.vector_load %arg11[%swap3A] {strides = array<i32>} : memref<10240xf32, #tpu.memory_space<vmem>>, vector<16xf32>,
      tpu.vector_store %arg11[%swap3A], %add3A_241 {strides = array<i32>} : memref<10240xf32, #tpu.memory_space<vmem>>, vector<16xf32>,
      %scan3A_245 = arith.constant 0 : i32
      scf.yield %scan3A_245 : i32
    }
    %scan3A_228 = arith.constant 40 : i32
    %mul3A_229 = arith.constant 10240 : i32
    %mul3A_230 = arith.muli %arg0, %mul3A_229 : i32
    %add3A_231 = arith.addi %mul3A_230, %mul3A_0 : i32
    "tpu.region"() ({
      %run_scoped3A = tpu.sem_alloc : memref<!tpu.dma_semaphore, #tpu.memory_space<semaphore_mem>>
      %dma_start3A_232 = arith.constant 0 : i32
      %dma_start3A_233 = tpu.memref_slice %arg11[%dma_start3A_232] : memref<10240xf32, #tpu.memory_space<vmem>> -> memref<640xf32, #tpu.memory_space<vmem>>
      %dma_start3A_234 = tpu.memref_slice %arg5[%add3A_231] : memref<20480xf32, #tpu.memory_space<hbm>> -> memref<640xf32, #tpu.memory_space<hbm>>
      %dma_start3A_235 = tpu.memref_slice %arg5[%add3A_231] : memref<20480xf32, #tpu.memory_space<hbm>> -> memref<640xf32, #tpu.memory_space<hbm>>
      %dma_start3A_236 = arith.constant 0 : i32
      %dma_start3A_237 = tpu.memref_slice %arg11[%dma_start3A_236] : memref<10240xf32, #tpu.memory_space<vmem>> -> memref<640xf32, #tpu.memory_space<vmem>>
      tpu.enqueue_dma source(%dma_start3A_237 : memref<640xf32, #tpu.memory_space<vmem>>) target(%dma_start3A_235 : memref<640xf32, #tpu.memory_space<hbm>>) target_semaphore(%run_scoped3A : memref<!tpu.dma_semaphore, #tpu.memory_space<semaphore_mem>>)
      %dma_wait3A_238 = arith.constant 0 : i32
      %dma_wait3A_239 = tpu.memref_slice %arg11[%dma_wait3A_238] : memref<10240xf32, #tpu.memory_space<vmem>> -> memref<640xf32, #tpu.memory_space<vmem>>
      %dma_wait3A_240 = tpu.memref_slice %arg5[%add3A_231] : memref<20480xf32, #tpu.memory_space<hbm>> -> memref<640xf32, #tpu.memory_space<hbm>>
      %dma_wait3A_241 = tpu.memref_slice %arg5[%add3A_231] : memref<20480xf32, #tpu.memory_space<hbm>> -> memref<640xf32, #tpu.memory_space<hbm>>
      %dma_wait3A_242 = arith.constant 0 : i32
      %dma_wait3A_243 = tpu.memref_slice %arg11[%dma_wait3A_242] : memref<10240xf32, #tpu.memory_space<vmem>> -> memref<640xf32, #tpu.memory_space<vmem>>
      tpu.wait_dma2 semaphore(%run_scoped3A : memref<!tpu.dma_semaphore, #tpu.memory_space<semaphore_mem>>) src(%dma_wait3A_243 : memref<640xf32, #tpu.memory_space<vmem>>) dst(%dma_wait3A_241 : memref<640xf32, #tpu.memory_space<hbm>>)
      tpu.yield
    }) : () -> ()
    return
  }
}

module attributes {stable_mosaic.version = 14 : i64} {
  func.func @sage_dense(%arg0: i32, %arg1: memref<2x1024x128xf32, #tpu.memory_space<vmem>>, %arg2: memref<2x1024x1xf32, #tpu.memory_space<vmem>>, %arg3: memref<1024x128xf32, #tpu.memory_space<vmem>>, %arg4: memref<128x128xf32, #tpu.memory_space<vmem>>, %arg5: memref<128x128xf32, #tpu.memory_space<vmem>>, %arg6: memref<1x128xf32, #tpu.memory_space<vmem>>, %arg7: memref<1024x128xf32, #tpu.memory_space<vmem>>) attributes {dimension_semantics = [#tpu.dimension_semantics<arbitrary>], iteration_bounds = array<i64: 10>, scalar_prefetch = 0 : i64, scratch_operands = 0 : i64, tpu.core_type = #tpu.core_type<tc>, window_params = [{transform_indices = @transform_0, window_bounds = array<i64: 2, 1024, 128>}, {transform_indices = @transform_1, window_bounds = array<i64: 2, 1024, 1>}, {transform_indices = @transform_2, window_bounds = array<i64: 1024, 128>}, {pipeline_mode = #tpu.pipeline_mode<synchronous>, transform_indices = @transform_3, window_bounds = array<i64: 128, 128>}, {pipeline_mode = #tpu.pipeline_mode<synchronous>, transform_indices = @transform_4, window_bounds = array<i64: 128, 128>}, {pipeline_mode = #tpu.pipeline_mode<synchronous>, transform_indices = @transform_5, window_bounds = array<i64: 1, 128>}, {transform_indices = @transform_6, window_bounds = array<i64: 1024, 128>}]} {
    %get3A = arith.constant 0 : index
    %get3A_0 = arith.constant 0 : index
    %get3A_1 = arith.constant 0 : index
    %get3A_2 = vector.load %arg1[%get3A, %get3A_0, %get3A_1] : memref<2x1024x128xf32, #tpu.memory_space<vmem>>, vector<1x1024x128xf32>
    %get3A_3 = vector.shape_cast %get3A_2 : vector<1x1024x128xf32> to vector<1024x128xf32>
    %get3A_4 = arith.constant 1 : index
    %get3A_5 = arith.constant 0 : index
    %get3A_6 = arith.constant 0 : index
    %get3A_7 = vector.load %arg1[%get3A_4, %get3A_5, %get3A_6] : memref<2x1024x128xf32, #tpu.memory_space<vmem>>, vector<1x1024x128xf32>
    %get3A_8 = vector.shape_cast %get3A_7 : vector<1x1024x128xf32> to vector<1024x128xf32>
    %add3A = arith.addf %get3A_3, %get3A_8 : vector<1024x128xf32>
    %get3A_9 = arith.constant 0 : index
    %get3A_10 = arith.constant 0 : index
    %get3A_11 = arith.constant 0 : index
    %get3A_12 = vector.load %arg2[%get3A_9, %get3A_10, %get3A_11] : memref<2x1024x1xf32, #tpu.memory_space<vmem>>, vector<1x1024x1xf32>
    %get3A_13 = vector.shape_cast %get3A_12 : vector<1x1024x1xf32> to vector<1024x1xf32>
    %get3A_14 = arith.constant 1 : index
    %get3A_15 = arith.constant 0 : index
    %get3A_16 = arith.constant 0 : index
    %get3A_17 = vector.load %arg2[%get3A_14, %get3A_15, %get3A_16] : memref<2x1024x1xf32, #tpu.memory_space<vmem>>, vector<1x1024x1xf32>
    %get3A_18 = vector.shape_cast %get3A_17 : vector<1x1024x1xf32> to vector<1024x1xf32>
    %add3A_19 = arith.addf %get3A_13, %get3A_18 : vector<1024x1xf32>
    %max3A = arith.constant 1.000000e+00 : f32
    %max3A_20 = vector.broadcast %max3A : f32 to vector<1024x1xf32>
    %max3A_21 = arith.maximumf %add3A_19, %max3A_20 : vector<1024x1xf32>
    %div3A = vector.broadcast %max3A_21 : vector<1024x1xf32> to vector<1024x128xf32>
    %div3A_22 = arith.divf %add3A, %div3A : vector<1024x128xf32>
    %get3A_23 = arith.constant 0 : index
    %get3A_24 = arith.constant 0 : index
    %get3A_25 = vector.load %arg4[%get3A_23, %get3A_24] : memref<128x128xf32, #tpu.memory_space<vmem>>, vector<128x128xf32>
    %dot_general3A = arith.constant dense<0.000000e+00> : vector<1024x128xf32>
    %dot_general3A_26 = tpu.matmul %div3A_22, %get3A_25, %dot_general3A {dimension_numbers = #tpu.dot_dimension_numbers<[1], [0], [0], [1], [0, 0, 1, 1], [], []>, precision = #tpu.contract_precision<fp32>, transpose_lhs_hint = false} : vector<1024x128xf32>, vector<128x128xf32>, vector<1024x128xf32> -> vector<1024x128xf32>
    %get3A_27 = arith.constant 0 : index
    %get3A_28 = arith.constant 0 : index
    %get3A_29 = vector.load %arg3[%get3A_27, %get3A_28] : memref<1024x128xf32, #tpu.memory_space<vmem>>, vector<1024x128xf32>
    %get3A_30 = arith.constant 0 : index
    %get3A_31 = arith.constant 0 : index
    %get3A_32 = vector.load %arg5[%get3A_30, %get3A_31] : memref<128x128xf32, #tpu.memory_space<vmem>>, vector<128x128xf32>
    %dot_general3A_33 = arith.constant dense<0.000000e+00> : vector<1024x128xf32>
    %dot_general3A_34 = tpu.matmul %get3A_29, %get3A_32, %dot_general3A_33 {dimension_numbers = #tpu.dot_dimension_numbers<[1], [0], [0], [1], [0, 0, 1, 1], [], []>, precision = #tpu.contract_precision<fp32>, transpose_lhs_hint = false} : vector<1024x128xf32>, vector<128x128xf32>, vector<1024x128xf32> -> vector<1024x128xf32>
    %add3A_35 = arith.addf %dot_general3A_26, %dot_general3A_34 : vector<1024x128xf32>
    %get3A_36 = arith.constant 0 : index
    %get3A_37 = arith.constant 0 : index
    %get3A_38 = vector.load %arg6[%get3A_36, %get3A_37] : memref<1x128xf32, #tpu.memory_space<vmem>>, vector<1x128xf32>
    %add3A_39 = vector.broadcast %get3A_38 : vector<1x128xf32> to vector<1024x128xf32>
    %add3A_40 = arith.addf %add3A_35, %add3A_39 : vector<1024x128xf32>
    %max3A_41 = arith.constant 0.000000e+00 : f32
    %max3A_42 = vector.broadcast %max3A_41 : f32 to vector<1024x128xf32>
    %max3A_43 = arith.maximumf %add3A_40, %max3A_42 : vector<1024x128xf32>
    %swap3A = arith.constant 0 : index
    %swap3A_44 = arith.constant 0 : index
    %swap3A_45 = vector.load %arg7[%swap3A, %swap3A_44] : memref<1024x128xf32, #tpu.memory_space<vmem>>, vector<1024x128xf32>
    tpu.vector_store %arg7[%swap3A, %swap3A_44], %max3A_43 {strides = array<i32>} : memref<1024x128xf32, #tpu.memory_space<vmem>>, vector<1024x128xf32>,
    return
  }
  func.func @transform_0(%arg0: i32) -> (i32, i32, i32) {
    %c0_i32 = arith.constant 0 : i32
    %c0_i32_0 = arith.constant 0 : i32
    %c0_i32_1 = arith.constant 0 : i32
    return %c0_i32, %arg0, %c0_i32_0 : i32, i32, i32
  }
  func.func @transform_1(%arg0: i32) -> (i32, i32, i32) {
    %c0_i32 = arith.constant 0 : i32
    %c0_i32_0 = arith.constant 0 : i32
    %c0_i32_1 = arith.constant 0 : i32
    return %c0_i32, %arg0, %c0_i32_0 : i32, i32, i32
  }
  func.func @transform_2(%arg0: i32) -> (i32, i32) {
    %c0_i32 = arith.constant 0 : i32
    %c0_i32_0 = arith.constant 0 : i32
    return %arg0, %c0_i32 : i32, i32
  }
  func.func @transform_3(%arg0: i32) -> (i32, i32) {
    %c0_i32 = arith.constant 0 : i32
    %c0_i32_0 = arith.constant 0 : i32
    %c0_i32_1 = arith.constant 0 : i32
    return %c0_i32, %c0_i32_0 : i32, i32
  }
  func.func @transform_4(%arg0: i32) -> (i32, i32) {
    %c0_i32 = arith.constant 0 : i32
    %c0_i32_0 = arith.constant 0 : i32
    %c0_i32_1 = arith.constant 0 : i32
    return %c0_i32, %c0_i32_0 : i32, i32
  }
  func.func @transform_5(%arg0: i32) -> (i32, i32) {
    %c0_i32 = arith.constant 0 : i32
    %c0_i32_0 = arith.constant 0 : i32
    %c0_i32_1 = arith.constant 0 : i32
    return %c0_i32, %c0_i32_0 : i32, i32
  }
  func.func @transform_6(%arg0: i32) -> (i32, i32) {
    %c0_i32 = arith.constant 0 : i32
    %c0_i32_0 = arith.constant 0 : i32
    return %arg0, %c0_i32 : i32, i32
  }
}

module attributes {stable_mosaic.version = 14 : i64} {
  func.func @sage_dense(%arg0: i32, %arg1: memref<2x1024x128xf32, #tpu.memory_space<vmem>>, %arg2: memref<2x1024x1xf32, #tpu.memory_space<vmem>>, %arg3: memref<1024x128xf32, #tpu.memory_space<vmem>>, %arg4: memref<128x128xf32, #tpu.memory_space<vmem>>, %arg5: memref<128x128xf32, #tpu.memory_space<vmem>>, %arg6: memref<1x128xf32, #tpu.memory_space<vmem>>, %arg7: memref<1024x128xf32, #tpu.memory_space<vmem>>) attributes {dimension_semantics = [#tpu.dimension_semantics<arbitrary>], iteration_bounds = array<i64: 10>, scalar_prefetch = 0 : i64, scratch_operands = 0 : i64, tpu.core_type = #tpu.core_type<tc>, window_params = [{transform_indices = @transform_0, window_bounds = array<i64: 2, 1024, 128>}, {transform_indices = @transform_1, window_bounds = array<i64: 2, 1024, 1>}, {transform_indices = @transform_2, window_bounds = array<i64: 1024, 128>}, {pipeline_mode = #tpu.pipeline_mode<synchronous>, transform_indices = @transform_3, window_bounds = array<i64: 128, 128>}, {pipeline_mode = #tpu.pipeline_mode<synchronous>, transform_indices = @transform_4, window_bounds = array<i64: 128, 128>}, {pipeline_mode = #tpu.pipeline_mode<synchronous>, transform_indices = @transform_5, window_bounds = array<i64: 1, 128>}, {transform_indices = @transform_6, window_bounds = array<i64: 1024, 128>}]} {
    %get3A = arith.constant 0 : index
    %get3A_0 = arith.constant 0 : index
    %get3A_1 = arith.constant 0 : index
    %get3A_2 = vector.load %arg1[%get3A, %get3A_0, %get3A_1] : memref<2x1024x128xf32, #tpu.memory_space<vmem>>, vector<1x1024x128xf32>
    %get3A_3 = vector.shape_cast %get3A_2 : vector<1x1024x128xf32> to vector<1024x128xf32>
    %get3A_4 = arith.constant 1 : index
    %get3A_5 = arith.constant 0 : index
    %get3A_6 = arith.constant 0 : index
    %get3A_7 = vector.load %arg1[%get3A_4, %get3A_5, %get3A_6] : memref<2x1024x128xf32, #tpu.memory_space<vmem>>, vector<1x1024x128xf32>
    %get3A_8 = vector.shape_cast %get3A_7 : vector<1x1024x128xf32> to vector<1024x128xf32>
    %add3A = arith.addf %get3A_3, %get3A_8 : vector<1024x128xf32>
    %get3A_9 = arith.constant 0 : index
    %get3A_10 = arith.constant 0 : index
    %get3A_11 = arith.constant 0 : index
    %get3A_12 = vector.load %arg2[%get3A_9, %get3A_10, %get3A_11] : memref<2x1024x1xf32, #tpu.memory_space<vmem>>, vector<1x1024x1xf32>
    %get3A_13 = vector.shape_cast %get3A_12 : vector<1x1024x1xf32> to vector<1024x1xf32>
    %get3A_14 = arith.constant 1 : index
    %get3A_15 = arith.constant 0 : index
    %get3A_16 = arith.constant 0 : index
    %get3A_17 = vector.load %arg2[%get3A_14, %get3A_15, %get3A_16] : memref<2x1024x1xf32, #tpu.memory_space<vmem>>, vector<1x1024x1xf32>
    %get3A_18 = vector.shape_cast %get3A_17 : vector<1x1024x1xf32> to vector<1024x1xf32>
    %add3A_19 = arith.addf %get3A_13, %get3A_18 : vector<1024x1xf32>
    %max3A = arith.constant 1.000000e+00 : f32
    %max3A_20 = vector.broadcast %max3A : f32 to vector<1024x1xf32>
    %max3A_21 = arith.maximumf %add3A_19, %max3A_20 : vector<1024x1xf32>
    %div3A = vector.broadcast %max3A_21 : vector<1024x1xf32> to vector<1024x128xf32>
    %div3A_22 = arith.divf %add3A, %div3A : vector<1024x128xf32>
    %get3A_23 = arith.constant 0 : index
    %get3A_24 = arith.constant 0 : index
    %get3A_25 = vector.load %arg4[%get3A_23, %get3A_24] : memref<128x128xf32, #tpu.memory_space<vmem>>, vector<128x128xf32>
    %dot_general3A = arith.constant dense<0.000000e+00> : vector<1024x128xf32>
    %dot_general3A_26 = tpu.matmul %div3A_22, %get3A_25, %dot_general3A {dimension_numbers = #tpu.dot_dimension_numbers<[1], [0], [0], [1], [0, 0, 1, 1], [], []>, precision = #tpu.contract_precision<fp32>, transpose_lhs_hint = false} : vector<1024x128xf32>, vector<128x128xf32>, vector<1024x128xf32> -> vector<1024x128xf32>
    %get3A_27 = arith.constant 0 : index
    %get3A_28 = arith.constant 0 : index
    %get3A_29 = vector.load %arg3[%get3A_27, %get3A_28] : memref<1024x128xf32, #tpu.memory_space<vmem>>, vector<1024x128xf32>
    %get3A_30 = arith.constant 0 : index
    %get3A_31 = arith.constant 0 : index
    %get3A_32 = vector.load %arg5[%get3A_30, %get3A_31] : memref<128x128xf32, #tpu.memory_space<vmem>>, vector<128x128xf32>
    %dot_general3A_33 = arith.constant dense<0.000000e+00> : vector<1024x128xf32>
    %dot_general3A_34 = tpu.matmul %get3A_29, %get3A_32, %dot_general3A_33 {dimension_numbers = #tpu.dot_dimension_numbers<[1], [0], [0], [1], [0, 0, 1, 1], [], []>, precision = #tpu.contract_precision<fp32>, transpose_lhs_hint = false} : vector<1024x128xf32>, vector<128x128xf32>, vector<1024x128xf32> -> vector<1024x128xf32>
    %add3A_35 = arith.addf %dot_general3A_26, %dot_general3A_34 : vector<1024x128xf32>
    %get3A_36 = arith.constant 0 : index
    %get3A_37 = arith.constant 0 : index
    %get3A_38 = vector.load %arg6[%get3A_36, %get3A_37] : memref<1x128xf32, #tpu.memory_space<vmem>>, vector<1x128xf32>
    %add3A_39 = vector.broadcast %get3A_38 : vector<1x128xf32> to vector<1024x128xf32>
    %add3A_40 = arith.addf %add3A_35, %add3A_39 : vector<1024x128xf32>
    %max3A_41 = arith.constant 0.000000e+00 : f32
    %max3A_42 = vector.broadcast %max3A_41 : f32 to vector<1024x128xf32>
    %max3A_43 = arith.maximumf %add3A_40, %max3A_42 : vector<1024x128xf32>
    %swap3A = arith.constant 0 : index
    %swap3A_44 = arith.constant 0 : index
    %swap3A_45 = vector.load %arg7[%swap3A, %swap3A_44] : memref<1024x128xf32, #tpu.memory_space<vmem>>, vector<1024x128xf32>
    tpu.vector_store %arg7[%swap3A, %swap3A_44], %max3A_43 {strides = array<i32>} : memref<1024x128xf32, #tpu.memory_space<vmem>>, vector<1024x128xf32>,
    return
  }
  func.func @transform_0(%arg0: i32) -> (i32, i32, i32) {
    %c0_i32 = arith.constant 0 : i32
    %c0_i32_0 = arith.constant 0 : i32
    %c0_i32_1 = arith.constant 0 : i32
    return %c0_i32, %arg0, %c0_i32_0 : i32, i32, i32
  }
  func.func @transform_1(%arg0: i32) -> (i32, i32, i32) {
    %c0_i32 = arith.constant 0 : i32
    %c0_i32_0 = arith.constant 0 : i32
    %c0_i32_1 = arith.constant 0 : i32
    return %c0_i32, %arg0, %c0_i32_0 : i32, i32, i32
  }
  func.func @transform_2(%arg0: i32) -> (i32, i32) {
    %c0_i32 = arith.constant 0 : i32
    %c0_i32_0 = arith.constant 0 : i32
    return %arg0, %c0_i32 : i32, i32
  }
  func.func @transform_3(%arg0: i32) -> (i32, i32) {
    %c0_i32 = arith.constant 0 : i32
    %c0_i32_0 = arith.constant 0 : i32
    %c0_i32_1 = arith.constant 0 : i32
    return %c0_i32, %c0_i32_0 : i32, i32
  }
  func.func @transform_4(%arg0: i32) -> (i32, i32) {
    %c0_i32 = arith.constant 0 : i32
    %c0_i32_0 = arith.constant 0 : i32
    %c0_i32_1 = arith.constant 0 : i32
    return %c0_i32, %c0_i32_0 : i32, i32
  }
  func.func @transform_5(%arg0: i32) -> (i32, i32) {
    %c0_i32 = arith.constant 0 : i32
    %c0_i32_0 = arith.constant 0 : i32
    %c0_i32_1 = arith.constant 0 : i32
    return %c0_i32, %c0_i32_0 : i32, i32
  }
  func.func @transform_6(%arg0: i32) -> (i32, i32) {
    %c0_i32 = arith.constant 0 : i32
    %c0_i32_0 = arith.constant 0 : i32
    return %arg0, %c0_i32 : i32, i32
  }
}

</mosaic_0001>

<sc_bundles>
// kernel: sage_sc_segsum.3.cloned.1.call-start
scs
__scs_entry_jumppad:
0x0: {  	(pc) =	sbr.rel $0x88, $3  }
0x1: {  	(tag) =	ssettag $0x0;
	lr =	simm.s32 $0x1  }
0x2: {  	[smem:$0x3F99] =	sst lr;
	_ =	strace $0xD0000000  }
0x3: {  	_ = 	snop  }
0x4: {  	_ = 	snop  }
0x5: {  	_ = 	snop  }
0x6: {  	_ = 	snop  }
0x7: {  	_ = 	snop  }
__scs_overlays_trampoline_lowered:
0x8: {  	[smem:$0x3FA8] =	sst s0  }
0x9: {  	[smem:$0x3FA9] =	sst s1  }
0xa: {  	[smem:$0x3FAA] =	sst s2  }
0xb: {  	[smem:$0x3FAB] =	sst s3  }
0xc: {  	[smem:$0x3FAC] =	sst s4  }
0xd: {  	[smem:$0x3FAD] =	sst s5  }
0xe: {  	[smem:$0x3FAE] =	sst s6  }
0xf: {  	[smem:$0x3FAF] =	sst s7  }
0x10: {  	[smem:$0x3FB0] =	sst s8  }
0x11: {  	[smem:$0x3FB1] =	sst s9;
	s0 =	simm.s32 @!p0 $0x0  }
0x12: {  	s1 =	sld [smem:$0x3F97];
	s0 =	simm.s32 @p0 $0x1  }
0x13: {  	[smem:$0x3FB2] =	sst s0;
	s0 =	simm.s32 @!p1 $0x0  }
0x14: {  	s2 =	sld [smem:$0x3F96];
	s0 =	simm.s32 @p1 $0x1  }
0x15: {  	[smem:$0x3FB3] =	sst s0;
	s0 =	simm.s32 @!p2 $0x0  }
0x16: {  	s3 =	sld [smem:$0x3FDB];
	s0 =	simm.s32 @p2 $0x1  }
0x17: {  	s4 =	simm.s32 $0x1BF5;
	[smem:$0x3FB5] =	sst s0  }
0x18: {  	s0 =	sld [smem:$0x3F98];
	_ =	swait.ge [sflag:s4], $0x0  }
0x19: {  	s7 =	sld [smem:$0x3F99]  }
0x1a: {  	s8 =	sadd.s32 $0xFFFFE003, lr  }
0x1b: {  	s9 =	sadd.s32 $0xFFFFFEF7, lr;
	s5 =	simm.s32 $0xFFFFFFFF;
	p2 =	slt.u32 s8, $0xFFFFF086  }
0x1c: {  	p1 =	slt.u32 s9, $0xF7A;
	s5 =	simm.s32 @!p2 $0x0  }
0x1d: {  	s5 =	simm.s32 @p1 $0x1;
	p0 =	seq.s32 s7, s2  }
0x1e: {  	s7 =	smul.u32 @!p0 $0xF7A, s2;
	p2 =	seq.s32 @!p0 s5, $0x0  }
0x1f: {  	s9 =	smul.u32 $0xF7A, s1;
	s8 =	simm.s32 @!p0 $0x1BF5;
	p2 =	por !p2, p0  }
0x20: {  	[sflag:s8] =	ssyncset.s32 @!p0 $0xFFFFF086;
	s6 =	sadd.s32 @!p0 s3, s7;
	s7 =	simm.s32 @!p0 $0x108  }
0x21: {  	s3 =	sadd.s32 s3, s9;
	s6 =	sadd.s32 @!p0 $0x88, s6;
	s7 =	simm.s32 @p2 $0x1082  }
0x22: {  	[simem:s7], [sflag:s8] =	dma.local @!p0 [hbm:s6], $0xF7A  }
0x23: {  	s9 =	sor.u32 $0xD0000000, s2;
	s6 =	simm.s32 $0x108;
	_ =	swait.ge @!p0 [sflag:s8], $0x0  }
0x24: {  	s3 =	sadd.s32 $0x88, s3;
	s6 =	simm.s32 @!p1 $0x1082;
	[sflag:s4] =	ssyncset.s32 $0xFFFFF086  }
0x25: {  	[simem:s6], [sflag:s4] =	dma.local [hbm:s3], $0xF7A  }
0x26: {  	[smem:$0x3F99] =	sst s1;
	(tag) =	ssettag s2;
	_ =	strace s9  }
0x27: {  	s1 =	sld [smem:$0x3FA9]  }
0x28: {  	s2 =	sld [smem:$0x3FAA]  }
0x29: {  	s4 =	sld [smem:$0x3FAC]  }
0x2a: {  	p0 =	seq.s32 s5, $0x0;
	s5 =	sld [smem:$0x3FAD]  }
0x2b: {  	s6 =	sld [smem:$0x3FAE]  }
0x2c: {  	s7 =	sld [smem:$0x3FAF]  }
0x2d: {  	s3 =	simm.s32 $0x108;
	s8 =	sld [smem:$0x3FB0]  }
0x2e: {  	s3 =	simm.s32 @!p0 $0x1082;
	s9 =	sld [smem:$0x3FB1]  }
0x2f: {  	lr =	sadd.s32 s0, s3;
	s0 =	sld [smem:$0x3FA8]  }
0x30: {  	s3 =	sld [smem:$0x3FAB]  }
0x31: {  	[smem:$0x3FB4] =	sst s10  }
0x32: {  	s10 =	sld [smem:$0x3FB2];
	_ =	sdelay $0x3  }
0x33: {  	p0 =	seq.s32 s10, $0x1;
	s10 =	sld [smem:$0x3FB4];
	_ =	sdelay $0x3  }
0x34: {  	[smem:$0x3FB4] =	sst s10  }
0x35: {  	s10 =	sld [smem:$0x3FB3];
	_ =	sdelay $0x3  }
0x36: {  	p1 =	seq.s32 s10, $0x1;
	s10 =	sld [smem:$0x3FB4];
	_ =	sdelay $0x3  }
0x37: {  	[smem:$0x3FB4] =	sst s10  }
0x38: {  	s10 =	sld [smem:$0x3FB5]  }
0x39: {  	_ = 	snop;
	(pc) =	sbr.ind lr, $3  }
0x3a: {  	_ = 	snop  }
0x3b: {  	_ = 	snop  }
0x3c: {  	p2 =	seq.s32 s10, $0x1;
	s10 =	sld [smem:$0x3FB4]  }
0x3d: {  	_ =	shalt  }
0x3e: {  	_ =	shalt  }
0x3f: {  	_ =	shalt  }
0x40: {  	_ =	shalt  }
0x41: {  	_ =	shalt  }
0x42: {  	_ =	shalt  }
0x43: {  	_ =	shalt  }
0x44: {  	_ =	shalt  }
0x45: {  	_ =	shalt  }
0x46: {  	_ =	shalt  }
0x47: {  	_ =	shalt  }
0x48: {  	_ =	shalt  }
0x49: {  	_ =	shalt  }
0x4a: {  	_ =	shalt  }
0x4b: {  	_ =	shalt  }
0x4c: {  	_ =	shalt  }
0x4d: {  	_ =	shalt  }
0x4e: {  	_ =	shalt  }
0x4f: {  	_ =	shalt  }
0x50: {  	_ =	shalt  }
0x51: {  	_ =	shalt  }
0x52: {  	_ =	shalt  }
0x53: {  	_ =	shalt  }
0x54: {  	_ =	shalt  }
0x55: {  	_ =	shalt  }
0x56: {  	_ =	shalt  }
0x57: {  	_ =	shalt  }
0x58: {  	_ =	shalt  }
0x59: {  	_ =	shalt  }
0x5a: {  	_ =	shalt  }
0x5b: {  	_ =	shalt  }
0x5c: {  	_ =	shalt  }
0x5d: {  	_ =	shalt  }
0x5e: {  	_ =	shalt  }
0x5f: {  	_ =	shalt  }
0x60: {  	_ =	shalt  }
0x61: {  	_ =	shalt  }
0x62: {  	_ =	shalt  }
0x63: {  	_ =	shalt  }
0x64: {  	_ =	shalt  }
0x65: {  	_ =	shalt  }
0x66: {  	_ =	shalt  }
0x67: {  	_ =	shalt  }
0x68: {  	_ =	shalt  }
0x69: {  	_ =	shalt  }
0x6a: {  	_ =	shalt  }
0x6b: {  	_ =	shalt  }
0x6c: {  	_ =	shalt  }
0x6d: {  	_ =	shalt  }
0x6e: {  	_ =	shalt  }
0x6f: {  	_ =	shalt  }
0x70: {  	_ =	shalt  }
0x71: {  	_ =	shalt  }
0x72: {  	_ =	shalt  }
0x73: {  	_ =	shalt  }
0x74: {  	_ =	shalt  }
0x75: {  	_ =	shalt  }
0x76: {  	_ =	shalt  }
0x77: {  	_ =	shalt  }
0x78: {  	_ =	shalt  }
0x79: {  	_ =	shalt  }
0x7a: {  	_ =	shalt  }
0x7b: {  	_ =	shalt  }
0x7c: {  	_ =	shalt  }
0x7d: {  	_ =	shalt  }
0x7e: {  	_ =	shalt  }
0x7f: {  	_ =	shalt  }
0x80: {  	_ =	shalt  }
0x81: {  	_ =	shalt  }
0x82: {  	_ =	shalt  }
0x83: {  	_ =	shalt  }
0x84: {  	_ =	shalt  }
0x85: {  	_ =	shalt  }
0x86: {  	_ =	shalt  }
0x87: {  	_ =	shalt  }
.Lfunc_end0:
.L_simem_size_0:
called_computation.1_lowered:
.L_overlay_start_0:
0x88: {  	s2 =	sld [smem:$0x3FD9]  }
0x89: {  	s3 =	sld [smem:$0x3FFE];
	_ =	sdelay $0x1  }
0x8a: {  	s1 =	srdreg.scid  }
0x8b: {  	s0 =	sand.u32 $0x1, s1  }
0x8c: {  	s17 =	sshll.u32 s0, $0xA;
	s2 =	sadd.s32 s3, s2  }
0x8d: {  	s2 =	sadd.s32 s2, s17  }
0x8e: {  	[smem:$0x3FC0] =	sst s2  }
0x8f: {  	_ = 	snop  }
0x90: {  	s2 =	sld [smem:$0x3FD0];
	(tm) =	ssettm $0x1  }
0x91: {  	s18 =	sld [smem:$0x3FFB];
	_ =	sdelay $0x3  }
0x92: {  	_ =	strace s18  }
0x93: {  	s3 =	sld [smem:$0x3FFC];
	_ =	sdelay $0x3  }
0x94: {  	_ =	strace s3  }
0x95: {  	s3 =	sld [smem:$0x3FFD];
	_ =	sdelay $0x3  }
0x96: {  	_ =	strace s3  }
0x97: {  	_ =	strace $0x8FFFFFFF  }
0x98: {  	s19 =	sld [smem:$0x3FDB];
	_ =	sdelay $0x1  }
0x99: {  	s4 =	simm.s32 $_scs_section_size  }
0x9a: {  	s5 =	simm.s32 $_size__tile_overlayer_lowered;
	s6 =	simm.s32 $_tile_overlayer_lowered  }
0x9b: {  	s22 =	simm.s32 $0x1BFF;
	s21 =	sshll.u32 s6, $0x1;
	s3 =	sadd.s32 s4, s19  }
0x9c: {  	s7 =	simm.s32 $0x0;
	s20 =	sshll.u32 s5, $0x1;
	s5 =	sadd.s32 s21, s3  }
0x9d: {  	[timem:s7], [sflag:s22] =	dma.local [hbm:s5], s20  }
0x9e: {  	_ =	swait.ge [sflag:s22], s20  }
0x9f: {  	s4 =	ssub.s32 $0x0, s20;
	[sflag:s22] =	ssyncset.done $0x0  }
0xa0: {  	[sflag:s22] =	ssyncadd.s32 s4;
	_ =	sdelay $0x1  }
0xa1: {  	s23 =	simm.s32 $0x1B8B  }
0xa2: {  	_ =	swait.ge [sflag:s23], $0x1  }
0xa3: {  	[sflag:s23] =	ssyncset.done $0x0  }
0xa4: {  	s25 =	simm.s32 $0x1B8E;
	s24 =	sld [smem:$0x3FFE];
	[sflag:s23] =	ssyncadd.s32 $0xFFFFFFFF  }
0xa5: {  	s26 =	simm.s32 $execute0_lowered;
	[smem:$0x3FD2] =	sst s25  }
0xa6: {  	s5 =	sshll.u32 s26, $0x1;
	_ =	strace $0x80000049;
	[dreg:$0x1] =	wrdreg $0xFFFFFFFF  }
0xa7: {  	s28 =	simm.s32 $_size_execute0_lowered;
	s3 =	sadd.s32 s3, s5;
	[dreg:$0x0] =	wrdreg $0x0  }
0xa8: {  	s5 =	sshll.u32 s28, $0x1;
	[dreg:$0x2] =	wrdreg s3  }
0xa9: {  	[dreg:$0x3] =	wrdreg s5  }
0xaa: {  	[dreg:$0x4] =	wrdreg $0xC0  }
0xab: {  	_ =	task [dreg:s7], $0x5FFFF  }
0xac: {  	[dreg:$0x1] =	wrdreg $0xFFFFFFFF  }
0xad: {  	[dreg:$0x0] =	wrdreg $0x60  }
0xae: {  	[dreg:$0x2] =	wrdreg s2  }
0xaf: {  	[dreg:$0x3] =	wrdreg s24  }
0xb0: {  	[dreg:$0x4] =	wrdreg $0x82000  }
0xb1: {  	[dreg:$0x5] =	wrdreg $0x9  }
0xb2: {  	_ =	task.clear_ibuf [dreg:s7], $0x6FFFF;
	_ =	strace $0x90000049  }
0xb3: {  	s29 =	simm.s32 $0x9;
	_ =	strace $0x8000004B  }
0xb4: {  	_ =	swait.ge [sflag:s29], $0x1  }
0xb5: {  	[sflag:s29] =	ssyncadd.s32 $0xFFFFFFFF  }
0xb6: {  	_ =	strace $0x9000004B  }
0xb7: {  	_ =	sfence  }
0xb8: {  	s30 =	sld [smem:$0x0];
	_ =	sdelay $0x2  }
0xb9: {  	s31 =	sshll.u32 s1, $0xD;
	s1 =	sshrl.u32 s1, $0x2  }
0xba: {  	s3 =	sand.u32 $0x4000, s31;
	s1 =	sadd.s32 s1, s30  }
0xbb: {  	s0 =	sor.u32 s3, s0;
	s1 =	sshll.u32 s1, $0x11  }
0xbc: {  	s0 =	sor.u32 s1, s0  }
0xbd: {  	s0 =	sadd.s32 $0x8F2B, s0  }
0xbe: {  	[sflag:s0] =	ssyncadd.remote.s32 $0x1  }
0xbf: {  	_ =	sfence.sel $0xFFFF  }
0xc0: {  	[dreg:$0x0] =	wrdreg $0xFFFFFFFF;
	(pc) =	sbr.abs _section_cstart, $3  }
0xc1: {  	[dreg:$0x1] =	wrdreg $0xFFFFFFFF  }
0xc2: {  	_ =	task.clear_ibuf [dreg:s7], $0x2FFFF;
	_ =	strace $0x9FFFFFFF  }
0xc3: {  	(tm) =	ssettm $0x7FFFFFFF  }
tec
execute0_lowered:
.L_overlay_start_1:
0x0: {  	(tag) =	ssettag $0x1  }
0x1: {  	s1 =	rddreg [dreg:$0x0]  }
0x2: {  	s5 =	rddreg [dreg:$0x1];
	s2 =	srdreg.scid  }
0x3: {  	s0 =	stileid.u32;
	s3 =	rddreg [dreg:$0x2]  }
0x4: {  	s4 =	simm.s32 $0x0;
	s18 =	simm.s32 $0x100;
	s19 =	simm.s32 $0x3  }
0x5: {  	s20 =	simm.s32 $0x80;
	s21 =	simm.s32 $0x4;
	s7 =	smul.u32 $0x2800, s0  }
0x6: {  	s22 =	simm.s32 $0x4200;
	s23 =	simm.s32 $0x1;
	s9 =	smul.u32 $0x50000, s0  }
0x7: {  	s24 =	simm.s32 $0x2;
	s6 =	sand.u32 $0x1, s2;
	s26 =	smul.u32 $0x5000, s0  }
0x8: {  	s25 =	simm.s32 $0x180;
	s2 =	rddreg [dreg:$0x3];
	s8 =	smul.u32 $0x28000, s6  }
0x9: {  	[smem:$0x7FF] =	sst s4;
	s15 =	sadd.s32 $0x2000, s5;
	s10 =	smul.u32 $0x50000, s6  }
0xa: {  	_ =	strace $0x8000004A;
	s6 =	ssub.s32 $0x2, s6;
	s28 =	sshrl.u32 s9, $0x2  }
0xb: {  	s29 =	sshrl.u32 s6, $0x1;
	s7 =	sadd.s32 s7, s8;
	s13 =	sadd.s32 s26, s10  }
0xc: {  	s14 =	ssub.s32 s6, s29;
	s26 =	simm.s32 $0x0;
	s12 =	sadd.s32 s7, s5  }
0xd: {  	s5 =	sadd.s32 s28, s3;
	s30 =	sshrl.u32 s13, $0x3;
	s16 =	sor.u32 $0x300, s13  }
0xe: {  	s17 =	sor.u32 $0x200, s13;
	s13 =	smax.u32 s14, $0x1;
	s6 =	sadd.s32 $0x4000, s5  }
0xf: {  	s7 =	sadd.s32 $0x8000, s5;
	s8 =	sadd.s32 $0xC000, s5;
	s9 =	sadd.s32 s15, s30  }
0x10: {  	s10 =	sadd.s32 $0x10000, s5;
	s12 =	sadd.s32 $0x16000, s12;
	s16 =	sshrl.u32 s16, $0x3  }
0x11: {  	s31 =	sshrl.u32 s17, $0x3;
	s17 =	simm.s32 $0x5;
	s11 =	sadd.s32 $0x20, s9  }
0x12: {  	v0 =	vimm.f32 $0.0e+00;
	s14 =	sadd.s32 s16, s15;
	s15 =	sadd.s32 s31, s15;
	s16 =	simm.s32 $0x200  }
.LBB2_1:
0x13: {  	s28 =	simm.s32 $0x0;
	s29 =	simm.s32 $0x200  }
.LBB2_2:
0x14: {  	p0 =	sne.s32 s29, $0xFE00;
	[tilespmem:s28+$0x270] =	vst v0  }
0x15: {  	[tilespmem:s28+$0x200] =	vst v0  }
0x16: {  	[tilespmem:s28+$0x210] =	vst v0  }
.Ltmp0:
0x17: {  	[tilespmem:s28+$0x220] =	vst v0;
	(pc) =	sbr.rel @p0 .LBB2_2-.Ltmp0, $4  }
0x18: {  	[tilespmem:s28+$0x230] =	vst v0  }
0x19: {  	[tilespmem:s28+$0x240] =	vst v0  }
0x1a: {  	[tilespmem:s28+$0x250] =	vst v0  }
0x1b: {  	[tilespmem:s28+$0x260] =	vst v0;
	s28 =	sshra.s32 s29, $0x2;
	s29 =	sadd.s32 $0x200, s29  }
0x1c: {  	[tilespmem:s28+$0x270] =	vst v0  }
0x1d: {  	[tilespmem:s28+$0x200] =	vst v0  }
0x1e: {  	[tilespmem:s28+$0x210] =	vst v0  }
0x1f: {  	[tilespmem:s28+$0x220] =	vst v0  }
0x20: {  	[tilespmem:s28+$0x230] =	vst v0  }
0x21: {  	[tilespmem:s28+$0x240] =	vst v0  }
0x22: {  	[tilespmem:s28+$0x250] =	vst v0  }
0x23: {  	[tilespmem:s28+$0x260] =	vst v0  }
0x24: {  	[spmem:s5] =	stream.linear.scatter [tilespmem:s16], [sflag:$0x5], $0x4000, $0x38;
	[tilespmem:$0x1C200] =	vst v63  }
0x25: {  	_ =	swait.ge [sflag:s17], $0x4000  }
0x26: {  	[sflag:s17] =	ssyncset.done $0x0  }
0x27: {  	[sflag:s17] =	ssyncadd.s32 $0xFFFFC000  }
0x28: {  	[spmem:s6] =	stream.linear.scatter [tilespmem:s16], [sflag:$0x5], $0x4000, $0x38;
	[tilespmem:$0x1C200] =	vst v63  }
0x29: {  	_ =	swait.ge [sflag:s17], $0x4000  }
0x2a: {  	[sflag:s17] =	ssyncset.done $0x0  }
0x2b: {  	[sflag:s17] =	ssyncadd.s32 $0xFFFFC000  }
0x2c: {  	[spmem:s7] =	stream.linear.scatter [tilespmem:s16], [sflag:$0x5], $0x4000, $0x38;
	[tilespmem:$0x1C200] =	vst v63  }
0x2d: {  	_ =	swait.ge [sflag:s17], $0x4000  }
0x2e: {  	[sflag:s17] =	ssyncset.done $0x0  }
0x2f: {  	[sflag:s17] =	ssyncadd.s32 $0xFFFFC000  }
0x30: {  	[spmem:s8] =	stream.linear.scatter [tilespmem:s16], [sflag:$0x5], $0x4000, $0x38;
	[tilespmem:$0x1C200] =	vst v63  }
0x31: {  	_ =	swait.ge [sflag:s17], $0x4000  }
0x32: {  	[sflag:s17] =	ssyncset.done $0x0  }
0x33: {  	[sflag:s17] =	ssyncadd.s32 $0xFFFFC000  }
0x34: {  	[spmem:s10] =	stream.linear.scatter [tilespmem:s16], [sflag:$0x5], $0x4000, $0x38;
	[tilespmem:$0x1C200] =	vst v63  }
0x35: {  	_ =	swait.ge [sflag:s17], $0x4000  }
0x36: {  	[sflag:s17] =	ssyncset.done $0x0  }
0x37: {  	[sflag:s17] =	ssyncadd.s32 $0xFFFFC000  }
0x38: {  	s28 =	simm.s32 $0x0;
	[bflag:$0x0] =	sbarrier.arrive $0xFFFF  }
0x39: {  	[tilespmem:s28], [sflag:$0x3] =	stream.linear.gather [hbm4b:s9+s28], $0x100, $0x38;
	[tilespmem:$0x1C200] =	vst v63  }
0x3a: {  	_ = 	snop  }
0x3b: {  	[tilespmem:s18], [sflag:$0x4] =	stream.linear.gather [hbm4b:s11+s28], $0x100, $0x38;
	[tilespmem:$0x1C200] =	vst v63  }
0x3c: {  	_ =	swait.ge [sflag:s19], $0x100  }
0x3d: {  	[sflag:s19] =	ssyncset.done $0x0  }
0x3e: {  	[sflag:s19] =	ssyncadd.s32 $0xFFFFFF00  }
0x3f: {  	[tilespmem:s16], [sflag:$0x1] =	stream.indirect.gather [hbm4b:s1+s20], $0x80, s28, s20, $0xb8;
	[tilespmem:$0x1C200] =	vst v63  }
0x40: {  	_ =	swait.ge [sflag:s21], $0x100  }
0x41: {  	[sflag:s21] =	ssyncset.done $0x0  }
0x42: {  	[sflag:s21] =	ssyncadd.s32 $0xFFFFFF00  }
0x43: {  	[tilespmem:s22], [sflag:$0x2] =	stream.indirect.gather [hbm4b:s1+s20], $0x80, s18, s20, $0xb8;
	[tilespmem:$0x1C200] =	vst v63  }
0x44: {  	_ =	swait.ge [sflag:s23], $0x4000  }
0x45: {  	[sflag:s23] =	ssyncset.done $0x0  }
0x46: {  	[sflag:s23] =	ssyncadd.s32 $0xFFFFC000  }
0x47: {  	[spmem:s3] =	stream.indirect.scatter.add.f32 [tilespmem:s16], [sflag:$0x5], $0x80, s20, s20, $0xb8;
	[tilespmem:$0x1C200] =	vst v63  }
0x48: {  	_ =	swait.ge [sflag:s17], $0x4000  }
0x49: {  	[sflag:s17] =	ssyncset.done $0x0  }
0x4a: {  	s28 =	sadd.s32 $0x0, s15;
	[sflag:s17] =	ssyncadd.s32 $0xFFFFC000  }
0x4b: {  	[tilespmem:s4], [sflag:$0x3] =	stream.linear.gather [hbm4b:s28+s4], $0x100, $0x38;
	[tilespmem:$0x1C200] =	vst v63  }
0x4c: {  	_ =	swait.ge [sflag:s19], $0x100  }
0x4d: {  	[sflag:s19] =	ssyncset.done $0x0  }
0x4e: {  	[sflag:s19] =	ssyncadd.s32 $0xFFFFFF00  }
0x4f: {  	[tilespmem:s16], [sflag:$0x1] =	stream.indirect.gather [hbm4b:s1+s20], $0x80, s4, s20, $0xb8;
	[tilespmem:$0x1C200] =	vst v63  }
0x50: {  	_ =	swait.ge [sflag:s24], $0x4000  }
0x51: {  	[sflag:s24] =	ssyncset.done $0x0  }
0x52: {  	[sflag:s24] =	ssyncadd.s32 $0xFFFFC000  }
0x53: {  	[spmem:s3] =	stream.indirect.scatter.add.f32 [tilespmem:s22], [sflag:$0x5], $0x80, s25, s20, $0xb8;
	[tilespmem:$0x1C200] =	vst v63  }
0x54: {  	_ =	swait.ge [sflag:s17], $0x4000  }
0x55: {  	[sflag:s17] =	ssyncset.done $0x0  }
0x56: {  	s29 =	sadd.s32 $0x0, s14;
	s28 =	simm.s32 $0x40;
	[sflag:s17] =	ssyncadd.s32 $0xFFFFC000  }
.LBB2_4:
0x57: {  	[tilespmem:s18], [sflag:$0x4] =	stream.linear.gather [hbm4b:s29+s4], $0x100, $0x38;
	[tilespmem:$0x1C200] =	vst v63  }
0x58: {  	s29 =	smov.u32 s28  }
0x59: {  	p0 =	sne.s32 s28, $0x980;
	s28 =	sadd.s32 $0x40, s28;
	_ =	swait.ge [sflag:s21], $0x100  }
0x5a: {  	[sflag:s21] =	ssyncset.done $0x0  }
0x5b: {  	[sflag:s21] =	ssyncadd.s32 $0xFFFFFF00  }
0x5c: {  	[tilespmem:s22], [sflag:$0x2] =	stream.indirect.gather [hbm4b:s1+s20], $0x80, s18, s20, $0xb8;
	[tilespmem:$0x1C200] =	vst v63  }
0x5d: {  	_ =	swait.ge [sflag:s23], $0x4000  }
0x5e: {  	[sflag:s23] =	ssyncset.done $0x0  }
0x5f: {  	[sflag:s23] =	ssyncadd.s32 $0xFFFFC000  }
0x60: {  	[spmem:s3] =	stream.indirect.scatter.add.f32 [tilespmem:s16], [sflag:$0x5], $0x80, s20, s20, $0xb8;
	[tilespmem:$0x1C200] =	vst v63  }
0x61: {  	_ =	swait.ge [sflag:s17], $0x4000  }
0x62: {  	[sflag:s17] =	ssyncset.done $0x0  }
0x63: {  	s30 =	sadd.s32 s29, s15;
	[sflag:s17] =	ssyncadd.s32 $0xFFFFC000  }
0x64: {  	[tilespmem:s4], [sflag:$0x3] =	stream.linear.gather [hbm4b:s30+s4], $0x100, $0x38;
	[tilespmem:$0x1C200] =	vst v63  }
0x65: {  	_ =	swait.ge [sflag:s19], $0x100  }
0x66: {  	[sflag:s19] =	ssyncset.done $0x0  }
0x67: {  	[sflag:s19] =	ssyncadd.s32 $0xFFFFFF00  }
0x68: {  	[tilespmem:s16], [sflag:$0x1] =	stream.indirect.gather [hbm4b:s1+s20], $0x80, s4, s20, $0xb8;
	[tilespmem:$0x1C200] =	vst v63  }
0x69: {  	_ =	swait.ge [sflag:s24], $0x4000  }
0x6a: {  	[sflag:s24] =	ssyncset.done $0x0  }
.Ltmp1:
0x6b: {  	[sflag:s24] =	ssyncadd.s32 $0xFFFFC000;
	(pc) =	sbr.rel @p0 .LBB2_4-.Ltmp1, $4  }
0x6c: {  	[spmem:s3] =	stream.indirect.scatter.add.f32 [tilespmem:s22], [sflag:$0x5], $0x80, s25, s20, $0xb8;
	[tilespmem:$0x1C200] =	vst v63  }
0x6d: {  	_ =	swait.ge [sflag:s17], $0x4000  }
0x6e: {  	[sflag:s17] =	ssyncset.done $0x0  }
0x6f: {  	s29 =	sadd.s32 s29, s14;
	[sflag:s17] =	ssyncadd.s32 $0xFFFFC000  }
0x70: {  	[tilespmem:s18], [sflag:$0x4] =	stream.linear.gather [hbm4b:s29+s4], $0x100, $0x38;
	[tilespmem:$0x1C200] =	vst v63  }
0x71: {  	_ =	swait.ge [sflag:s21], $0x100  }
0x72: {  	[sflag:s21] =	ssyncset.done $0x0  }
0x73: {  	[sflag:s21] =	ssyncadd.s32 $0xFFFFFF00  }
0x74: {  	[tilespmem:s22], [sflag:$0x2] =	stream.indirect.gather [hbm4b:s1+s20], $0x80, s18, s20, $0xb8;
	[tilespmem:$0x1C200] =	vst v63  }
0x75: {  	_ =	swait.ge [sflag:s23], $0x4000  }
0x76: {  	[sflag:s23] =	ssyncset.done $0x0  }
0x77: {  	[sflag:s23] =	ssyncadd.s32 $0xFFFFC000  }
0x78: {  	[spmem:s3] =	stream.indirect.scatter.add.f32 [tilespmem:s16], [sflag:$0x5], $0x80, s20, s20, $0xb8;
	[tilespmem:$0x1C200] =	vst v63  }
0x79: {  	_ =	swait.ge [sflag:s17], $0x4000  }
0x7a: {  	[sflag:s17] =	ssyncset.done $0x0  }
0x7b: {  	[sflag:s17] =	ssyncadd.s32 $0xFFFFC000  }
0x7c: {  	_ =	swait.ge [sflag:s24], $0x4000  }
0x7d: {  	[sflag:s24] =	ssyncset.done $0x0  }
0x7e: {  	[sflag:s24] =	ssyncadd.s32 $0xFFFFC000  }
0x7f: {  	[spmem:s3] =	stream.indirect.scatter.add.f32 [tilespmem:s22], [sflag:$0x5], $0x80, s25, s20, $0xb8;
	[tilespmem:$0x1C200] =	vst v63  }
0x80: {  	_ =	swait.ge [sflag:s17], $0x4000  }
0x81: {  	s28 =	sshll.u32 s0, $0x6;
	s26 =	sadd.s32 $0x1, s26;
	[sflag:s17] =	ssyncset.done $0x0  }
0x82: {  	s31 =	sshrl.u32 s5, $0x3;
	p0 =	sne.s32 s26, s13;
	[sflag:s17] =	ssyncadd.s32 $0xFFFFC000  }
.Ltmp2:
0x83: {  	s28 =	sor.u32 $0x1C05, s28;
	[bflag:$0x0] =	sbarrier.arrive $0xFFFF;
	(pc) =	sbr.rel @p0 .LBB2_1-.Ltmp2, $4  }
0x84: {  	[hbm:s12], [sflag:s28] =	dma.local [spmem:s31], $0x2800  }
0x85: {  	_ =	swait.ge [sflag:s17], $0x2800  }
0x86: {  	[sflag:s17] =	ssyncset.done $0x0  }
0x87: {  	[sflag:s17] =	ssyncadd.s32 $0xFFFFD800  }
0x88: {  	_ =	sfence.sel $0x180000  }
0x89: {  	[bflag:$0x0] =	sbarrier.arrive $0xFFFF  }
0x8a: {  	p0 =	sne.s32 s0, $0x0;
	_ =	strace $0x9000004A  }
0x8b: {  	s0 =	sadd.s32 @!p0 $0x100000, s2;
	[bflag:$0x2] =	sbarrier.arrive $0xFFFF  }
0x8c: {  	[sflag:s0] =	ssyncadd.tile.s32 @!p0 $0x1;
	_ =	shalt  }
.Lfunc_end2:
_tile_overlayer_lowered:
.L_overlay_start_2:
0x8d: {  	(tag) =	ssettag $0x2  }
0x8e: {  	s0 =	rddreg [dreg:$0x0];
	s2 =	stileid.u32  }
0x8f: {  	s1 =	rddreg [dreg:$0x1];
	p0 =	sne.s32 s2, $0x0  }
0x90: {  	s3 =	rddreg [dreg:$0x2];
	[bflag:$0x3] =	sbarrier.arrive $0xFFFF;
	s2 =	simm.s32 @!p0 $0x1C05  }
0x91: {  	[timem:s3], [sflag:s2] =	dma.local @!p0 [hbm:s0], s1  }
0x92: {  	s0 =	simm.s32 @!p0 $0x5  }
0x93: {  	_ =	swait.ge @!p0 [sflag:s0], s1  }
0x94: {  	s1 =	ssub.s32 @!p0 $0x0, s1;
	[sflag:s0] =	ssyncset.done @!p0 $0x0  }
0x95: {  	[sflag:s0] =	ssyncadd.s32 @!p0 s1  }
0x96: {  	[bflag:$0x3] =	sbarrier.arrive $0xFFFF  }
0x97: {  	_ =	shalt  }

// kernel: sage_sc_segsum_deg.3.cloned.1.call-start
scs
__scs_entry_jumppad:
0x0: {  	(pc) =	sbr.rel $0x88, $3  }
0x1: {  	(tag) =	ssettag $0x0;
	lr =	simm.s32 $0x1  }
0x2: {  	[smem:$0x3F99] =	sst lr;
	_ =	strace $0xD0000000  }
0x3: {  	_ = 	snop  }
0x4: {  	_ = 	snop  }
0x5: {  	_ = 	snop  }
0x6: {  	_ = 	snop  }
0x7: {  	_ = 	snop  }
__scs_overlays_trampoline_lowered:
0x8: {  	[smem:$0x3FA8] =	sst s0  }
0x9: {  	[smem:$0x3FA9] =	sst s1  }
0xa: {  	[smem:$0x3FAA] =	sst s2  }
0xb: {  	[smem:$0x3FAB] =	sst s3  }
0xc: {  	[smem:$0x3FAC] =	sst s4  }
0xd: {  	[smem:$0x3FAD] =	sst s5  }
0xe: {  	[smem:$0x3FAE] =	sst s6  }
0xf: {  	[smem:$0x3FAF] =	sst s7  }
0x10: {  	[smem:$0x3FB0] =	sst s8  }
0x11: {  	[smem:$0x3FB1] =	sst s9;
	s0 =	simm.s32 @!p0 $0x0  }
0x12: {  	s1 =	sld [smem:$0x3F97];
	s0 =	simm.s32 @p0 $0x1  }
0x13: {  	[smem:$0x3FB2] =	sst s0;
	s0 =	simm.s32 @!p1 $0x0  }
0x14: {  	s2 =	sld [smem:$0x3F96];
	s0 =	simm.s32 @p1 $0x1  }
0x15: {  	[smem:$0x3FB3] =	sst s0;
	s0 =	simm.s32 @!p2 $0x0  }
0x16: {  	s3 =	sld [smem:$0x3FDB];
	s0 =	simm.s32 @p2 $0x1  }
0x17: {  	s4 =	simm.s32 $0x1BF5;
	[smem:$0x3FB5] =	sst s0  }
0x18: {  	s0 =	sld [smem:$0x3F98];
	_ =	swait.ge [sflag:s4], $0x0  }
0x19: {  	s7 =	sld [smem:$0x3F99]  }
0x1a: {  	s8 =	sadd.s32 $0xFFFFE003, lr  }
0x1b: {  	s9 =	sadd.s32 $0xFFFFFEF7, lr;
	s5 =	simm.s32 $0xFFFFFFFF;
	p2 =	slt.u32 s8, $0xFFFFF086  }
0x1c: {  	p1 =	slt.u32 s9, $0xF7A;
	s5 =	simm.s32 @!p2 $0x0  }
0x1d: {  	s5 =	simm.s32 @p1 $0x1;
	p0 =	seq.s32 s7, s2  }
0x1e: {  	s7 =	smul.u32 @!p0 $0xF7A, s2;
	p2 =	seq.s32 @!p0 s5, $0x0  }
0x1f: {  	s9 =	smul.u32 $0xF7A, s1;
	s8 =	simm.s32 @!p0 $0x1BF5;
	p2 =	por !p2, p0  }
0x20: {  	[sflag:s8] =	ssyncset.s32 @!p0 $0xFFFFF086;
	s6 =	sadd.s32 @!p0 s3, s7;
	s7 =	simm.s32 @!p0 $0x108  }
0x21: {  	s3 =	sadd.s32 s3, s9;
	s6 =	sadd.s32 @!p0 $0x88, s6;
	s7 =	simm.s32 @p2 $0x1082  }
0x22: {  	[simem:s7], [sflag:s8] =	dma.local @!p0 [hbm:s6], $0xF7A  }
0x23: {  	s9 =	sor.u32 $0xD0000000, s2;
	s6 =	simm.s32 $0x108;
	_ =	swait.ge @!p0 [sflag:s8], $0x0  }
0x24: {  	s3 =	sadd.s32 $0x88, s3;
	s6 =	simm.s32 @!p1 $0x1082;
	[sflag:s4] =	ssyncset.s32 $0xFFFFF086  }
0x25: {  	[simem:s6], [sflag:s4] =	dma.local [hbm:s3], $0xF7A  }
0x26: {  	[smem:$0x3F99] =	sst s1;
	(tag) =	ssettag s2;
	_ =	strace s9  }
0x27: {  	s1 =	sld [smem:$0x3FA9]  }
0x28: {  	s2 =	sld [smem:$0x3FAA]  }
0x29: {  	s4 =	sld [smem:$0x3FAC]  }
0x2a: {  	p0 =	seq.s32 s5, $0x0;
	s5 =	sld [smem:$0x3FAD]  }
0x2b: {  	s6 =	sld [smem:$0x3FAE]  }
0x2c: {  	s7 =	sld [smem:$0x3FAF]  }
0x2d: {  	s3 =	simm.s32 $0x108;
	s8 =	sld [smem:$0x3FB0]  }
0x2e: {  	s3 =	simm.s32 @!p0 $0x1082;
	s9 =	sld [smem:$0x3FB1]  }
0x2f: {  	lr =	sadd.s32 s0, s3;
	s0 =	sld [smem:$0x3FA8]  }
0x30: {  	s3 =	sld [smem:$0x3FAB]  }
0x31: {  	[smem:$0x3FB4] =	sst s10  }
0x32: {  	s10 =	sld [smem:$0x3FB2];
	_ =	sdelay $0x3  }
0x33: {  	p0 =	seq.s32 s10, $0x1;
	s10 =	sld [smem:$0x3FB4];
	_ =	sdelay $0x3  }
0x34: {  	[smem:$0x3FB4] =	sst s10  }
0x35: {  	s10 =	sld [smem:$0x3FB3];
	_ =	sdelay $0x3  }
0x36: {  	p1 =	seq.s32 s10, $0x1;
	s10 =	sld [smem:$0x3FB4];
	_ =	sdelay $0x3  }
0x37: {  	[smem:$0x3FB4] =	sst s10  }
0x38: {  	s10 =	sld [smem:$0x3FB5]  }
0x39: {  	_ = 	snop;
	(pc) =	sbr.ind lr, $3  }
0x3a: {  	_ = 	snop  }
0x3b: {  	_ = 	snop  }
0x3c: {  	p2 =	seq.s32 s10, $0x1;
	s10 =	sld [smem:$0x3FB4]  }
0x3d: {  	_ =	shalt  }
0x3e: {  	_ =	shalt  }
0x3f: {  	_ =	shalt  }
0x40: {  	_ =	shalt  }
0x41: {  	_ =	shalt  }
0x42: {  	_ =	shalt  }
0x43: {  	_ =	shalt  }
0x44: {  	_ =	shalt  }
0x45: {  	_ =	shalt  }
0x46: {  	_ =	shalt  }
0x47: {  	_ =	shalt  }
0x48: {  	_ =	shalt  }
0x49: {  	_ =	shalt  }
0x4a: {  	_ =	shalt  }
0x4b: {  	_ =	shalt  }
0x4c: {  	_ =	shalt  }
0x4d: {  	_ =	shalt  }
0x4e: {  	_ =	shalt  }
0x4f: {  	_ =	shalt  }
0x50: {  	_ =	shalt  }
0x51: {  	_ =	shalt  }
0x52: {  	_ =	shalt  }
0x53: {  	_ =	shalt  }
0x54: {  	_ =	shalt  }
0x55: {  	_ =	shalt  }
0x56: {  	_ =	shalt  }
0x57: {  	_ =	shalt  }
0x58: {  	_ =	shalt  }
0x59: {  	_ =	shalt  }
0x5a: {  	_ =	shalt  }
0x5b: {  	_ =	shalt  }
0x5c: {  	_ =	shalt  }
0x5d: {  	_ =	shalt  }
0x5e: {  	_ =	shalt  }
0x5f: {  	_ =	shalt  }
0x60: {  	_ =	shalt  }
0x61: {  	_ =	shalt  }
0x62: {  	_ =	shalt  }
0x63: {  	_ =	shalt  }
0x64: {  	_ =	shalt  }
0x65: {  	_ =	shalt  }
0x66: {  	_ =	shalt  }
0x67: {  	_ =	shalt  }
0x68: {  	_ =	shalt  }
0x69: {  	_ =	shalt  }
0x6a: {  	_ =	shalt  }
0x6b: {  	_ =	shalt  }
0x6c: {  	_ =	shalt  }
0x6d: {  	_ =	shalt  }
0x6e: {  	_ =	shalt  }
0x6f: {  	_ =	shalt  }
0x70: {  	_ =	shalt  }
0x71: {  	_ =	shalt  }
0x72: {  	_ =	shalt  }
0x73: {  	_ =	shalt  }
0x74: {  	_ =	shalt  }
0x75: {  	_ =	shalt  }
0x76: {  	_ =	shalt  }
0x77: {  	_ =	shalt  }
0x78: {  	_ =	shalt  }
0x79: {  	_ =	shalt  }
0x7a: {  	_ =	shalt  }
0x7b: {  	_ =	shalt  }
0x7c: {  	_ =	shalt  }
0x7d: {  	_ =	shalt  }
0x7e: {  	_ =	shalt  }
0x7f: {  	_ =	shalt  }
0x80: {  	_ =	shalt  }
0x81: {  	_ =	shalt  }
0x82: {  	_ =	shalt  }
0x83: {  	_ =	shalt  }
0x84: {  	_ =	shalt  }
0x85: {  	_ =	shalt  }
0x86: {  	_ =	shalt  }
0x87: {  	_ =	shalt  }
.Lfunc_end0:
.L_simem_size_0:
called_computation_lowered:
.L_overlay_start_0:
0x88: {  	s2 =	sld [smem:$0x3FD9]  }
0x89: {  	s3 =	sld [smem:$0x3FFE];
	_ =	sdelay $0x1  }
0x8a: {  	s1 =	srdreg.scid  }
0x8b: {  	s0 =	sand.u32 $0x1, s1  }
0x8c: {  	s17 =	sshll.u32 s0, $0xA;
	s2 =	sadd.s32 s3, s2  }
0x8d: {  	s2 =	sadd.s32 s2, s17  }
0x8e: {  	[smem:$0x3FC0] =	sst s2  }
0x8f: {  	_ = 	snop  }
0x90: {  	s2 =	sld [smem:$0x3FC9]  }
0x91: {  	s18 =	sld [smem:$0x3FD0];
	(tm) =	ssettm $0x1  }
0x92: {  	s4 =	sld [smem:$0x3FFB];
	_ =	sdelay $0x3  }
0x93: {  	_ =	strace s4  }
0x94: {  	s4 =	sld [smem:$0x3FFC];
	_ =	sdelay $0x3  }
0x95: {  	_ =	strace s4  }
0x96: {  	s4 =	sld [smem:$0x3FFD];
	_ =	sdelay $0x3  }
0x97: {  	_ =	strace s4  }
0x98: {  	_ =	strace $0x8FFFFFFF  }
0x99: {  	s19 =	sld [smem:$0x3FDB];
	_ =	sdelay $0x1  }
0x9a: {  	s5 =	simm.s32 $_scs_section_size  }
0x9b: {  	s6 =	simm.s32 $_size__tile_overlayer_lowered;
	s7 =	simm.s32 $_tile_overlayer_lowered  }
0x9c: {  	s22 =	simm.s32 $0x1BFF;
	s21 =	sshll.u32 s7, $0x1;
	s4 =	sadd.s32 s5, s19  }
0x9d: {  	s8 =	simm.s32 $0x0;
	s20 =	sshll.u32 s6, $0x1;
	s6 =	sadd.s32 s21, s4  }
0x9e: {  	[timem:s8], [sflag:s22] =	dma.local [hbm:s6], s20  }
0x9f: {  	_ =	swait.ge [sflag:s22], s20  }
0xa0: {  	s5 =	ssub.s32 $0x0, s20;
	[sflag:s22] =	ssyncset.done $0x0  }
0xa1: {  	[sflag:s22] =	ssyncadd.s32 s5;
	_ =	sdelay $0x1  }
0xa2: {  	s23 =	simm.s32 $0x1B8B  }
0xa3: {  	_ =	swait.ge [sflag:s23], $0x1  }
0xa4: {  	[sflag:s23] =	ssyncset.done $0x0  }
0xa5: {  	s25 =	simm.s32 $0x1B8E;
	s24 =	sld [smem:$0x3FFE];
	[sflag:s23] =	ssyncadd.s32 $0xFFFFFFFF  }
0xa6: {  	s26 =	simm.s32 $execute0_lowered;
	[smem:$0x3FD2] =	sst s25  }
0xa7: {  	s6 =	sshll.u32 s26, $0x1;
	_ =	strace $0x80000046;
	[dreg:$0x1] =	wrdreg $0xFFFFFFFF  }
0xa8: {  	s28 =	simm.s32 $_size_execute0_lowered;
	s4 =	sadd.s32 s4, s6;
	[dreg:$0x0] =	wrdreg $0x0  }
0xa9: {  	s6 =	sshll.u32 s28, $0x1;
	[dreg:$0x2] =	wrdreg s4  }
0xaa: {  	[dreg:$0x3] =	wrdreg s6  }
0xab: {  	[dreg:$0x4] =	wrdreg $0xC0  }
0xac: {  	_ =	task [dreg:s8], $0x5FFFF  }
0xad: {  	[dreg:$0x1] =	wrdreg $0xFFFFFFFF  }
0xae: {  	[dreg:$0x0] =	wrdreg $0x60  }
0xaf: {  	[dreg:$0x2] =	wrdreg s2  }
0xb0: {  	[dreg:$0x3] =	wrdreg s24  }
0xb1: {  	[dreg:$0x4] =	wrdreg s18  }
0xb2: {  	[dreg:$0x5] =	wrdreg $0xAC800  }
0xb3: {  	[dreg:$0x6] =	wrdreg $0x9  }
0xb4: {  	_ =	task.clear_ibuf [dreg:s8], $0x7FFFF;
	_ =	strace $0x90000046  }
0xb5: {  	s29 =	simm.s32 $0x9;
	_ =	strace $0x80000048  }
0xb6: {  	_ =	swait.ge [sflag:s29], $0x1  }
0xb7: {  	[sflag:s29] =	ssyncadd.s32 $0xFFFFFFFF  }
0xb8: {  	_ =	strace $0x90000048  }
0xb9: {  	_ =	sfence  }
0xba: {  	s30 =	sld [smem:$0x0];
	_ =	sdelay $0x2  }
0xbb: {  	s31 =	sshll.u32 s1, $0xD;
	s1 =	sshrl.u32 s1, $0x2  }
0xbc: {  	s3 =	sand.u32 $0x4000, s31;
	s1 =	sadd.s32 s1, s30  }
0xbd: {  	s0 =	sor.u32 s3, s0;
	s1 =	sshll.u32 s1, $0x11  }
0xbe: {  	s0 =	sor.u32 s1, s0  }
0xbf: {  	s0 =	sadd.s32 $0x8F2B, s0  }
0xc0: {  	[sflag:s0] =	ssyncadd.remote.s32 $0x1  }
0xc1: {  	_ =	sfence.sel $0xFFFF  }
0xc2: {  	[dreg:$0x0] =	wrdreg $0xFFFFFFFF;
	(pc) =	sbr.abs _section_cstart, $3  }
0xc3: {  	[dreg:$0x1] =	wrdreg $0xFFFFFFFF  }
0xc4: {  	_ =	task.clear_ibuf [dreg:s8], $0x2FFFF;
	_ =	strace $0x9FFFFFFF  }
0xc5: {  	(tm) =	ssettm $0x7FFFFFFF  }
tec
execute0_lowered:
.L_overlay_start_1:
0x0: {  	(tag) =	ssettag $0x1  }
0x1: {  	s1 =	rddreg [dreg:$0x0];
	s15 =	stileid.u32  }
0x2: {  	s0 =	rddreg [dreg:$0x1];
	s7 =	smul.u32 $0x280, s15  }
0x3: {  	s2 =	srdreg.scid;
	s9 =	smul.u32 $0x50000, s15  }
0x4: {  	s6 =	rddreg [dreg:$0x2];
	s2 =	sand.u32 $0x1, s2;
	s14 =	smul.u32 $0x5000, s15  }
0x5: {  	s3 =	rddreg [dreg:$0x3];
	s4 =	simm.s32 $0x0;
	s5 =	smul.u32 $0x2800, s2  }
0x6: {  	[smem:$0x7FF] =	sst s4;
	s10 =	sadd.s32 $0x2000, s0;
	s18 =	smul.u32 $0x50000, s2  }
0x7: {  	s12 =	ssub.s32 $0x2, s2;
	s21 =	sshll.u32 s2, $0x4;
	s2 =	smul.u32 $0x28000, s2  }
0x8: {  	_ =	strace $0x80000047;
	s17 =	sshrl.u32 s9, $0x2;
	s13 =	sshrl.u32 s12, $0x1  }
0x9: {  	s5 =	sadd.s32 s7, s5;
	s9 =	sadd.s32 s14, s18;
	s2 =	sor.u32 s7, s2  }
0xa: {  	s8 =	sshll.u32 s5, $0x4;
	s11 =	sshrl.u32 s5, $0x3;
	s5 =	sadd.s32 s17, s3  }
0xb: {  	s22 =	sshrl.u32 s9, $0x3;
	s8 =	sadd.s32 s8, s0;
	s19 =	sadd.s32 $0x4000, s5  }
0xc: {  	s0 =	sadd.s32 s11, s0;
	s20 =	sadd.s32 $0x8000, s5;
	[dreg:$0x5] =	wrdreg s19  }
0xd: {  	s11 =	ssub.s32 s12, s13;
	s23 =	sadd.s32 $0xC000, s5;
	[dreg:$0x6] =	wrdreg s20  }
0xe: {  	s12 =	sor.u32 s15, s21;
	s24 =	sadd.s32 $0x10000, s5;
	[dreg:$0x7] =	wrdreg s23  }
0xf: {  	s13 =	sadd.s32 s10, s22;
	s15 =	sadd.s32 $0x7800, s2;
	[dreg:$0x9] =	wrdreg s24  }
0x10: {  	s12 =	smul.u32 $0x500, s12;
	[dreg:$0x8] =	wrdreg s13;
	s13 =	sadd.s32 $0x20, s13  }
0x11: {  	s26 =	sadd.s32 $0x16A00, s8;
	s8 =	sshrl.u32 s2, $0x3;
	s17 =	sshrl.u32 s15, $0x3  }
0x12: {  	s19 =	sor.u32 $0x300, s9;
	s20 =	sor.u32 $0x200, s9;
	s0 =	sadd.s32 $0x16000, s0  }
0x13: {  	s15 =	simm.s32 $0x4200;
	s9 =	simm.s32 $0x180;
	[dreg:$0xa] =	wrdreg s13  }
0x14: {  	[dreg:$0xc] =	wrdreg s26;
	s14 =	sadd.s32 s6, s8;
	s13 =	sadd.s32 $0x5000, s2  }
0x15: {  	s21 =	sshrl.u32 s19, $0x3;
	s22 =	sshrl.u32 s20, $0x3;
	[dreg:$0x14] =	wrdreg s0  }
0x16: {  	s19 =	simm.s32 $0xAA00;
	s20 =	simm.s32 $0x0;
	s25 =	sadd.s32 s6, s12  }
0x17: {  	s12 =	sadd.s32 $0x2800, s2;
	s8 =	sshrl.u32 s13, $0x3;
	s18 =	sadd.s32 $0x1400, s14  }
0x18: {  	s2 =	sadd.s32 $0x14000, s2;
	s23 =	sadd.s32 $0x1900, s14;
	s21 =	sadd.s32 s21, s10  }
0x19: {  	s22 =	sadd.s32 s22, s10;
	s24 =	sadd.s32 $0x1E00, s14;
	s26 =	sadd.s32 $0x2300, s14  }
0x1a: {  	s28 =	sadd.s32 $0x2D00, s14;
	s29 =	sadd.s32 $0x3200, s14;
	s30 =	sadd.s32 $0x3700, s14  }
0x1b: {  	s31 =	sadd.s32 $0x3C00, s14;
	s0 =	sadd.s32 $0x4600, s14;
	[dreg:$0xb] =	wrdreg s25  }
0x1c: {  	s10 =	simm.s32 $0x100;
	s13 =	simm.s32 $0x4;
	[dreg:$0x10] =	wrdreg s18  }
0x1d: {  	s7 =	sshrl.u32 s12, $0x3;
	s16 =	sadd.s32 s6, s8;
	[dreg:$0x12] =	wrdreg s23  }
0x1e: {  	s2 =	sshrl.u32 s2, $0x3;
	[dreg:$0x13] =	wrdreg s24;
	s25 =	smax.u32 s11, $0x1  }
0x1f: {  	[dreg:$0x16] =	wrdreg s26;
	s8 =	simm.s32 $0x5;
	s11 =	simm.s32 $0x3  }
0x20: {  	s12 =	simm.s32 $0x80;
	s18 =	simm.s32 $0x2;
	[dreg:$0xe] =	wrdreg s16  }
0x21: {  	s7 =	sadd.s32 s6, s7;
	s2 =	sadd.s32 s6, s2;
	[dreg:$0x15] =	wrdreg s25  }
0x22: {  	s16 =	simm.s32 $0x1;
	[dreg:$0xd] =	wrdreg s7;
	s7 =	sadd.s32 s6, s17  }
0x23: {  	[dreg:$0x11] =	wrdreg s2;
	s2 =	sadd.s32 $0x4100, s14;
	s6 =	sadd.s32 $0x4B00, s14  }
0x24: {  	v0 =	vimm.f32 $0.0e+00;
	v1 =	vimm.f32 $1.000000000e+00;
	s17 =	simm.s32 $0x8200;
	[dreg:$0xf] =	wrdreg s7;
	s7 =	simm.s32 $0x200  }
.LBB2_1:
0x25: {  	s23 =	simm.s32 $0x0;
	s24 =	simm.s32 $0x200  }
.LBB2_2:
0x26: {  	p0 =	sne.s32 s24, $0xFE00;
	[tilespmem:s23+$0x270] =	vst v0  }
0x27: {  	[tilespmem:s23+$0x200] =	vst v0  }
0x28: {  	[tilespmem:s23+$0x210] =	vst v0  }
.Ltmp0:
0x29: {  	[tilespmem:s23+$0x220] =	vst v0;
	(pc) =	sbr.rel @p0 .LBB2_2-.Ltmp0, $4  }
0x2a: {  	[tilespmem:s23+$0x230] =	vst v0  }
0x2b: {  	[tilespmem:s23+$0x240] =	vst v0  }
0x2c: {  	[tilespmem:s23+$0x250] =	vst v0  }
0x2d: {  	[tilespmem:s23+$0x260] =	vst v0;
	s23 =	sshra.s32 s24, $0x2;
	s24 =	sadd.s32 $0x200, s24  }
0x2e: {  	[tilespmem:s23+$0x270] =	vst v0  }
0x2f: {  	[tilespmem:s23+$0x200] =	vst v0  }
0x30: {  	[tilespmem:s23+$0x210] =	vst v0  }
0x31: {  	[tilespmem:s23+$0x220] =	vst v0  }
0x32: {  	[tilespmem:s23+$0x230] =	vst v0  }
0x33: {  	[tilespmem:s23+$0x240] =	vst v0  }
0x34: {  	[tilespmem:s23+$0x250] =	vst v0  }
0x35: {  	[tilespmem:s23+$0x260] =	vst v0  }
0x36: {  	[spmem:s5] =	stream.linear.scatter [tilespmem:s7], [sflag:$0x5], $0x4000, $0x38;
	[tilespmem:$0x1EC80] =	vst v63  }
0x37: {  	_ =	swait.ge [sflag:s8], $0x4000  }
0x38: {  	[sflag:s8] =	ssyncset.done $0x0  }
0x39: {  	s26 =	rddreg [dreg:$0x5];
	[sflag:s8] =	ssyncadd.s32 $0xFFFFC000  }
0x3a: {  	[spmem:s26] =	stream.linear.scatter [tilespmem:s7], [sflag:$0x5], $0x4000, $0x38;
	[tilespmem:$0x1EC80] =	vst v63  }
0x3b: {  	_ =	swait.ge [sflag:s8], $0x4000  }
0x3c: {  	[sflag:s8] =	ssyncset.done $0x0  }
0x3d: {  	s24 =	rddreg [dreg:$0x6];
	[sflag:s8] =	ssyncadd.s32 $0xFFFFC000  }
0x3e: {  	[spmem:s24] =	stream.linear.scatter [tilespmem:s7], [sflag:$0x5], $0x4000, $0x38;
	[tilespmem:$0x1EC80] =	vst v63  }
0x3f: {  	_ =	swait.ge [sflag:s8], $0x4000  }
0x40: {  	[sflag:s8] =	ssyncset.done $0x0  }
0x41: {  	s25 =	rddreg [dreg:$0x7];
	[sflag:s8] =	ssyncadd.s32 $0xFFFFC000  }
0x42: {  	[spmem:s25] =	stream.linear.scatter [tilespmem:s7], [sflag:$0x5], $0x4000, $0x38;
	[tilespmem:$0x1EC80] =	vst v63  }
0x43: {  	_ =	swait.ge [sflag:s8], $0x4000  }
0x44: {  	[sflag:s8] =	ssyncset.done $0x0  }
0x45: {  	s26 =	rddreg [dreg:$0x9];
	[sflag:s8] =	ssyncadd.s32 $0xFFFFC000  }
0x46: {  	[spmem:s26] =	stream.linear.scatter [tilespmem:s7], [sflag:$0x5], $0x4000, $0x38;
	[tilespmem:$0x1EC80] =	vst v63  }
0x47: {  	_ =	swait.ge [sflag:s8], $0x4000  }
0x48: {  	[sflag:s8] =	ssyncset.done $0x0  }
0x49: {  	s23 =	simm.s32 $0x40;
	s24 =	simm.s32 $0x0;
	[sflag:s8] =	ssyncadd.s32 $0xFFFFC000  }
.LBB2_4:
0x4a: {  	p0 =	sne.s32 s23, $0x9FC0;
	[tilespmem:s24+$0x8200] =	vst v0;
	s24 =	smov.u32 s23;
	s23 =	sadd.s32 $0x40, s23  }
.Ltmp1:
0x4b: {  	(pc) =	sbr.rel @p0 .LBB2_4-.Ltmp1, $2  }
0x4c: {  	_ =	sdelay $0x2  }
0x4d: {  	s24 =	sshra.s32 s24, $0x2  }
0x4e: {  	[tilespmem:s24+$0x8200] =	vst v0  }
0x4f: {  	[bflag:$0x0] =	sbarrier.arrive $0xFFFF  }
0x50: {  	s23 =	simm.s32 $0x0;
	s25 =	rddreg [dreg:$0x8]  }
0x51: {  	[tilespmem:s23], [sflag:$0x3] =	stream.linear.gather [hbm4b:s25+s23], $0x100, $0x38;
	[tilespmem:$0x1EC80] =	vst v63  }
0x52: {  	s26 =	rddreg [dreg:$0xa]  }
0x53: {  	[tilespmem:s10], [sflag:$0x4] =	stream.linear.gather [hbm4b:s26+s23], $0x100, $0x38;
	[tilespmem:$0x1EC80] =	vst v63  }
0x54: {  	_ =	swait.ge [sflag:s11], $0x100  }
0x55: {  	[sflag:s11] =	ssyncset.done $0x0  }
0x56: {  	[sflag:s11] =	ssyncadd.s32 $0xFFFFFF00  }
0x57: {  	[tilespmem:s7], [sflag:$0x1] =	stream.indirect.gather [hbm4b:s1+s12], $0x80, s23, s12, $0xb8;
	[tilespmem:$0x1EC80] =	vst v63  }
.LBB2_6:
0x58: {  	_ =	swait.ge [sflag:s13], $0x100  }
0x59: {  	[sflag:s13] =	ssyncset.done $0x0  }
0x5a: {  	[sflag:s13] =	ssyncadd.s32 $0xFFFFFF00  }
0x5b: {  	[tilespmem:s15], [sflag:$0x2] =	stream.indirect.gather [hbm4b:s1+s12], $0x80, s10, s12, $0xb8;
	[tilespmem:$0x1EC80] =	vst v63  }
0x5c: {  	_ =	swait.ge [sflag:s16], $0x4000  }
0x5d: {  	[sflag:s16] =	ssyncset.done $0x0  }
0x5e: {  	[sflag:s16] =	ssyncadd.s32 $0xFFFFC000  }
0x5f: {  	[spmem:s3] =	stream.indirect.scatter.add.f32 [tilespmem:s7], [sflag:$0x5], $0x80, s12, s12, $0xb8;
	[tilespmem:$0x1EC80] =	vst v63  }
0x60: {  	_ =	swait.ge [sflag:s8], $0x4000  }
0x61: {  	[sflag:s8] =	ssyncset.done $0x0  }
0x62: {  	[sflag:s8] =	ssyncadd.s32 $0xFFFFC000  }
0x63: {  	v2 =	vld [tilespmem:$0x80];
	_ =	sdelay $0x7  }
0x64: {  	[tilespmem:v2+s17+$0x0] =	vst.idx.add.f32.msk $0xffff, v1  }
0x65: {  	v2 =	vld [tilespmem:$0x90];
	_ =	sdelay $0x7  }
0x66: {  	[tilespmem:v2+s17+$0x0] =	vst.idx.add.f32.msk $0xffff, v1  }
0x67: {  	v2 =	vld [tilespmem:$0xA0];
	_ =	sdelay $0x7  }
0x68: {  	[tilespmem:v2+s17+$0x0] =	vst.idx.add.f32.msk $0xffff, v1  }
0x69: {  	v2 =	vld [tilespmem:$0xB0];
	_ =	sdelay $0x7  }
0x6a: {  	[tilespmem:v2+s17+$0x0] =	vst.idx.add.f32.msk $0xffff, v1  }
0x6b: {  	v2 =	vld [tilespmem:$0xC0];
	_ =	sdelay $0x7  }
0x6c: {  	[tilespmem:v2+s17+$0x0] =	vst.idx.add.f32.msk $0xffff, v1  }
0x6d: {  	v2 =	vld [tilespmem:$0xD0];
	_ =	sdelay $0x7  }
0x6e: {  	[tilespmem:v2+s17+$0x0] =	vst.idx.add.f32.msk $0xffff, v1  }
0x6f: {  	v2 =	vld [tilespmem:$0xE0];
	_ =	sdelay $0x7  }
0x70: {  	[tilespmem:v2+s17+$0x0] =	vst.idx.add.f32.msk $0xffff, v1  }
0x71: {  	v2 =	vld [tilespmem:$0xF0];
	_ =	sdelay $0x6  }
0x72: {  	p0 =	seq.s32 s23, $0x9C0  }
0x73: {  	s24 =	sadd.s32 @!p0 s23, s22;
	s25 =	simm.s32 @!p0 $0x0;
	[tilespmem:v2+s17+$0x0] =	vst.idx.add.f32.msk $0xffff, v1  }
0x74: {  	[tilespmem:s25], [sflag:$0x3] =	stream.linear.gather @!p0 [hbm4b:s24+s25], $0x100, $0x38;
	[tilespmem:$0x1EC80] =	vst v63  }
0x75: {  	s24 =	simm.s32 @!p0 $0x3  }
0x76: {  	_ =	swait.ge @!p0 [sflag:s24], $0x100  }
0x77: {  	[sflag:s24] =	ssyncset.done @!p0 $0x0  }
0x78: {  	s26 =	simm.s32 @!p0 $0x200;
	[sflag:s24] =	ssyncadd.s32 @!p0 $0xFFFFFF00;
	s24 =	simm.s32 @!p0 $0x80  }
0x79: {  	[tilespmem:s26], [sflag:$0x1] =	stream.indirect.gather @!p0 [hbm4b:s1+s24], $0x80, s25, s24, $0xb8;
	[tilespmem:$0x1EC80] =	vst v63  }
0x7a: {  	_ =	swait.ge [sflag:s18], $0x4000  }
0x7b: {  	[sflag:s18] =	ssyncset.done $0x0  }
0x7c: {  	[sflag:s18] =	ssyncadd.s32 $0xFFFFC000  }
0x7d: {  	[spmem:s3] =	stream.indirect.scatter.add.f32 [tilespmem:s15], [sflag:$0x5], $0x80, s9, s12, $0xb8;
	[tilespmem:$0x1EC80] =	vst v63  }
0x7e: {  	_ =	swait.ge [sflag:s8], $0x4000  }
0x7f: {  	[sflag:s8] =	ssyncset.done $0x0  }
0x80: {  	[sflag:s8] =	ssyncadd.s32 $0xFFFFC000  }
0x81: {  	v2 =	vld [tilespmem:$0x180];
	_ =	sdelay $0x7  }
0x82: {  	[tilespmem:v2+s17+$0x0] =	vst.idx.add.f32.msk $0xffff, v1  }
0x83: {  	v2 =	vld [tilespmem:$0x190];
	_ =	sdelay $0x7  }
0x84: {  	[tilespmem:v2+s17+$0x0] =	vst.idx.add.f32.msk $0xffff, v1  }
0x85: {  	v2 =	vld [tilespmem:$0x1A0];
	_ =	sdelay $0x7  }
0x86: {  	[tilespmem:v2+s17+$0x0] =	vst.idx.add.f32.msk $0xffff, v1  }
0x87: {  	v2 =	vld [tilespmem:$0x1B0];
	_ =	sdelay $0x7  }
0x88: {  	[tilespmem:v2+s17+$0x0] =	vst.idx.add.f32.msk $0xffff, v1  }
0x89: {  	v2 =	vld [tilespmem:$0x1C0];
	_ =	sdelay $0x7  }
0x8a: {  	[tilespmem:v2+s17+$0x0] =	vst.idx.add.f32.msk $0xffff, v1  }
0x8b: {  	v2 =	vld [tilespmem:$0x1D0];
	_ =	sdelay $0x7  }
0x8c: {  	[tilespmem:v2+s17+$0x0] =	vst.idx.add.f32.msk $0xffff, v1  }
0x8d: {  	v2 =	vld [tilespmem:$0x1E0];
	_ =	sdelay $0x7  }
0x8e: {  	[tilespmem:v2+s17+$0x0] =	vst.idx.add.f32.msk $0xffff, v1  }
0x8f: {  	v2 =	vld [tilespmem:$0x1F0];
	_ =	sdelay $0x3  }
.Ltmp2:
0x90: {  	_ = 	snop;
	(pc) =	sbr.rel @p0 .LBB2_8-.Ltmp2, $2  }
0x91: {  	_ =	sdelay $0x2  }
0x92: {  	[tilespmem:v2+s17+$0x0] =	vst.idx.add.f32.msk $0xffff, v1  }
.Ltmp3:
0x93: {  	(pc) =	sbr.rel .LBB2_6-.Ltmp3, $3  }
0x94: {  	_ =	sdelay $0x1  }
0x95: {  	s24 =	sadd.s32 s23, s21;
	s23 =	sadd.s32 $0x40, s23  }
0x96: {  	[tilespmem:s10], [sflag:$0x4] =	stream.linear.gather [hbm4b:s24+s4], $0x100, $0x38;
	[tilespmem:$0x1EC80] =	vst v63  }
.LBB2_8:
0x97: {  	s23 =	simm.s32 $0x0;
	s24 =	rddreg [dreg:$0xb]  }
0x98: {  	[hbm4b:s24+s23] =	stream.linear.scatter [tilespmem:s17], [sflag:$0x5], $0x2800, $0x38;
	[tilespmem:$0x1EC80] =	vst v63  }
0x99: {  	_ =	swait.ge [sflag:s8], $0x2800  }
0x9a: {  	[sflag:s8] =	ssyncset.done $0x0  }
0x9b: {  	s25 =	stileid.u32;
	[sflag:s8] =	ssyncadd.s32 $0xFFFFD800  }
0x9c: {  	s24 =	sshll.u32 s25, $0x6;
	[bflag:$0x0] =	sbarrier.arrive $0xFFFF  }
0x9d: {  	s25 =	sshrl.u32 s5, $0x3;
	s24 =	sor.u32 $0x1C05, s24;
	s26 =	rddreg [dreg:$0xc]  }
0x9e: {  	[hbm:s26], [sflag:s24] =	dma.local [spmem:s25], $0x2800  }
0x9f: {  	_ =	swait.ge [sflag:s8], $0x2800  }
0xa0: {  	[sflag:s8] =	ssyncset.done $0x0  }
0xa1: {  	[sflag:s8] =	ssyncadd.s32 $0xFFFFD800  }
0xa2: {  	[tilespmem:s17], [sflag:$0x5] =	stream.linear.gather [hbm4b:s14+s23], $0x280, $0x38;
	[tilespmem:$0x1EC80] =	vst v63  }
0xa3: {  	_ =	swait.ge [sflag:s8], $0x280  }
0xa4: {  	[sflag:s8] =	ssyncset.done $0x0  }
0xa5: {  	s26 =	rddreg [dreg:$0xd];
	[sflag:s8] =	ssyncadd.s32 $0xFFFFFD80  }
0xa6: {  	[tilespmem:s19], [sflag:$0x5] =	stream.linear.gather [hbm4b:s26+s23], $0x280, $0x38;
	[tilespmem:$0x1EC80] =	vst v63  }
0xa7: {  	_ =	swait.ge [sflag:s8], $0x280  }
0xa8: {  	[sflag:s8] =	ssyncset.done $0x0  }
0xa9: {  	s23 =	simm.s32 $0x0;
	[sflag:s8] =	ssyncadd.s32 $0xFFFFFD80  }
0xaa: {  	s24 =	simm.s32 $0x40;
	v2 =	vld [tilespmem:s23+$0xAA00]  }
.LBB2_9:
0xab: {  	p0 =	sne.s32 s24, $0x9C0;
	v3 =	vld [tilespmem:s23+$0x8200];
	_ =	sdelay $0x2  }
.Ltmp4:
0xac: {  	(pc) =	sbr.rel @p0 .LBB2_9-.Ltmp4, $4  }
0xad: {  	_ = 	snop  }
0xae: {  	v3 =	vadd.f32 v2, v3  }
0xaf: {  	s25 =	sshra.s32 s24, $0x2  }
0xb0: {  	s24 =	sadd.s32 $0x40, s24;
	v2 =	vld [tilespmem:s25+$0xAA00];
	[tilespmem:s23+$0x8200] =	vst v3;
	s23 =	smov.u32 s25  }
0xb1: {  	v3 =	vld [tilespmem:s23+$0x8200];
	_ =	sdelay $0x4  }
0xb2: {  	v2 =	vadd.f32 v2, v3;
	_ =	sdelay $0x1  }
0xb3: {  	s26 =	simm.s32 $0x0;
	s24 =	rddreg [dreg:$0xe];
	[tilespmem:s23+$0x8200] =	vst v2  }
0xb4: {  	[tilespmem:s19], [sflag:$0x5] =	stream.linear.gather [hbm4b:s24+s26], $0x280, $0x38;
	[tilespmem:$0x1EC80] =	vst v63  }
0xb5: {  	_ =	swait.ge [sflag:s8], $0x280  }
0xb6: {  	[sflag:s8] =	ssyncset.done $0x0  }
0xb7: {  	s23 =	simm.s32 $0x0;
	[sflag:s8] =	ssyncadd.s32 $0xFFFFFD80  }
0xb8: {  	s24 =	simm.s32 $0x40;
	v2 =	vld [tilespmem:s23+$0xAA00]  }
.LBB2_11:
0xb9: {  	p0 =	sne.s32 s24, $0x9C0;
	v3 =	vld [tilespmem:s23+$0x8200];
	_ =	sdelay $0x2  }
.Ltmp5:
0xba: {  	(pc) =	sbr.rel @p0 .LBB2_11-.Ltmp5, $4  }
0xbb: {  	_ = 	snop  }
0xbc: {  	v3 =	vadd.f32 v2, v3  }
0xbd: {  	s25 =	sshra.s32 s24, $0x2  }
0xbe: {  	s24 =	sadd.s32 $0x40, s24;
	v2 =	vld [tilespmem:s25+$0xAA00];
	[tilespmem:s23+$0x8200] =	vst v3;
	s23 =	smov.u32 s25  }
0xbf: {  	v3 =	vld [tilespmem:s23+$0x8200];
	_ =	sdelay $0x4  }
0xc0: {  	v2 =	vadd.f32 v2, v3;
	_ =	sdelay $0x1  }
0xc1: {  	s26 =	simm.s32 $0x0;
	s24 =	rddreg [dreg:$0xf];
	[tilespmem:s23+$0x8200] =	vst v2  }
0xc2: {  	[tilespmem:s19], [sflag:$0x5] =	stream.linear.gather [hbm4b:s24+s26], $0x280, $0x38;
	[tilespmem:$0x1EC80] =	vst v63  }
0xc3: {  	_ =	swait.ge [sflag:s8], $0x280  }
0xc4: {  	[sflag:s8] =	ssyncset.done $0x0  }
0xc5: {  	s23 =	simm.s32 $0x0;
	[sflag:s8] =	ssyncadd.s32 $0xFFFFFD80  }
0xc6: {  	s24 =	simm.s32 $0x40;
	v2 =	vld [tilespmem:s23+$0xAA00]  }
.LBB2_13:
0xc7: {  	p0 =	sne.s32 s24, $0x9C0;
	v3 =	vld [tilespmem:s23+$0x8200];
	_ =	sdelay $0x2  }
.Ltmp6:
0xc8: {  	(pc) =	sbr.rel @p0 .LBB2_13-.Ltmp6, $4  }
0xc9: {  	_ = 	snop  }
0xca: {  	v3 =	vadd.f32 v2, v3  }
0xcb: {  	s25 =	sshra.s32 s24, $0x2  }
0xcc: {  	s24 =	sadd.s32 $0x40, s24;
	v2 =	vld [tilespmem:s25+$0xAA00];
	[tilespmem:s23+$0x8200] =	vst v3;
	s23 =	smov.u32 s25  }
0xcd: {  	v3 =	vld [tilespmem:s23+$0x8200];
	_ =	sdelay $0x4  }
0xce: {  	v2 =	vadd.f32 v2, v3;
	_ =	sdelay $0x1  }
0xcf: {  	s26 =	simm.s32 $0x0;
	s24 =	rddreg [dreg:$0x10];
	[tilespmem:s23+$0x8200] =	vst v2  }
0xd0: {  	[tilespmem:s19], [sflag:$0x5] =	stream.linear.gather [hbm4b:s24+s26], $0x280, $0x38;
	[tilespmem:$0x1EC80] =	vst v63  }
0xd1: {  	_ =	swait.ge [sflag:s8], $0x280  }
0xd2: {  	[sflag:s8] =	ssyncset.done $0x0  }
0xd3: {  	s23 =	simm.s32 $0x0;
	[sflag:s8] =	ssyncadd.s32 $0xFFFFFD80  }
0xd4: {  	s24 =	simm.s32 $0x40;
	v2 =	vld [tilespmem:s23+$0xAA00]  }
.LBB2_15:
0xd5: {  	p0 =	sne.s32 s24, $0x9C0;
	v3 =	vld [tilespmem:s23+$0x8200];
	_ =	sdelay $0x2  }
.Ltmp7:
0xd6: {  	(pc) =	sbr.rel @p0 .LBB2_15-.Ltmp7, $4  }
0xd7: {  	_ = 	snop  }
0xd8: {  	v3 =	vadd.f32 v2, v3  }
0xd9: {  	s25 =	sshra.s32 s24, $0x2  }
0xda: {  	s24 =	sadd.s32 $0x40, s24;
	v2 =	vld [tilespmem:s25+$0xAA00];
	[tilespmem:s23+$0x8200] =	vst v3;
	s23 =	smov.u32 s25  }
0xdb: {  	v3 =	vld [tilespmem:s23+$0x8200];
	_ =	sdelay $0x4  }
0xdc: {  	v2 =	vadd.f32 v2, v3;
	_ =	sdelay $0x1  }
0xdd: {  	s26 =	simm.s32 $0x0;
	s24 =	rddreg [dreg:$0x12];
	[tilespmem:s23+$0x8200] =	vst v2  }
0xde: {  	[tilespmem:s19], [sflag:$0x5] =	stream.linear.gather [hbm4b:s24+s26], $0x280, $0x38;
	[tilespmem:$0x1EC80] =	vst v63  }
0xdf: {  	_ =	swait.ge [sflag:s8], $0x280  }
0xe0: {  	[sflag:s8] =	ssyncset.done $0x0  }
0xe1: {  	s23 =	simm.s32 $0x0;
	[sflag:s8] =	ssyncadd.s32 $0xFFFFFD80  }
0xe2: {  	s24 =	simm.s32 $0x40;
	v2 =	vld [tilespmem:s23+$0xAA00]  }
.LBB2_17:
0xe3: {  	p0 =	sne.s32 s24, $0x9C0;
	v3 =	vld [tilespmem:s23+$0x8200];
	_ =	sdelay $0x2  }
.Ltmp8:
0xe4: {  	(pc) =	sbr.rel @p0 .LBB2_17-.Ltmp8, $4  }
0xe5: {  	_ = 	snop  }
0xe6: {  	v3 =	vadd.f32 v2, v3  }
0xe7: {  	s25 =	sshra.s32 s24, $0x2  }
0xe8: {  	s24 =	sadd.s32 $0x40, s24;
	v2 =	vld [tilespmem:s25+$0xAA00];
	[tilespmem:s23+$0x8200] =	vst v3;
	s23 =	smov.u32 s25  }
0xe9: {  	v3 =	vld [tilespmem:s23+$0x8200];
	_ =	sdelay $0x4  }
0xea: {  	v2 =	vadd.f32 v2, v3;
	_ =	sdelay $0x1  }
0xeb: {  	s26 =	simm.s32 $0x0;
	s24 =	rddreg [dreg:$0x13];
	[tilespmem:s23+$0x8200] =	vst v2  }
0xec: {  	[tilespmem:s19], [sflag:$0x5] =	stream.linear.gather [hbm4b:s24+s26], $0x280, $0x38;
	[tilespmem:$0x1EC80] =	vst v63  }
0xed: {  	_ =	swait.ge [sflag:s8], $0x280  }
0xee: {  	[sflag:s8] =	ssyncset.done $0x0  }
0xef: {  	s23 =	simm.s32 $0x0;
	[sflag:s8] =	ssyncadd.s32 $0xFFFFFD80  }
0xf0: {  	s24 =	simm.s32 $0x40;
	v2 =	vld [tilespmem:s23+$0xAA00]  }
.LBB2_19:
0xf1: {  	p0 =	sne.s32 s24, $0x9C0;
	v3 =	vld [tilespmem:s23+$0x8200];
	_ =	sdelay $0x2  }
.Ltmp9:
0xf2: {  	(pc) =	sbr.rel @p0 .LBB2_19-.Ltmp9, $4  }
0xf3: {  	_ = 	snop  }
0xf4: {  	v3 =	vadd.f32 v2, v3  }
0xf5: {  	s25 =	sshra.s32 s24, $0x2  }
0xf6: {  	s24 =	sadd.s32 $0x40, s24;
	v2 =	vld [tilespmem:s25+$0xAA00];
	[tilespmem:s23+$0x8200] =	vst v3;
	s23 =	smov.u32 s25  }
0xf7: {  	v3 =	vld [tilespmem:s23+$0x8200];
	_ =	sdelay $0x4  }
0xf8: {  	v2 =	vadd.f32 v2, v3;
	_ =	sdelay $0x1  }
0xf9: {  	s26 =	simm.s32 $0x0;
	s24 =	rddreg [dreg:$0x16];
	[tilespmem:s23+$0x8200] =	vst v2  }
0xfa: {  	[tilespmem:s19], [sflag:$0x5] =	stream.linear.gather [hbm4b:s24+s26], $0x280, $0x38;
	[tilespmem:$0x1EC80] =	vst v63  }
0xfb: {  	_ =	swait.ge [sflag:s8], $0x280  }
0xfc: {  	[sflag:s8] =	ssyncset.done $0x0  }
0xfd: {  	s23 =	simm.s32 $0x0;
	[sflag:s8] =	ssyncadd.s32 $0xFFFFFD80  }
0xfe: {  	s24 =	simm.s32 $0x40;
	v2 =	vld [tilespmem:s23+$0xAA00]  }
.LBB2_21:
0xff: {  	p0 =	sne.s32 s24, $0x9C0;
	v3 =	vld [tilespmem:s23+$0x8200];
	_ =	sdelay $0x2  }
.Ltmp10:
0x100: {  	(pc) =	sbr.rel @p0 .LBB2_21-.Ltmp10, $4  }
0x101: {  	_ = 	snop  }
0x102: {  	v3 =	vadd.f32 v2, v3  }
0x103: {  	s25 =	sshra.s32 s24, $0x2  }
0x104: {  	s24 =	sadd.s32 $0x40, s24;
	v2 =	vld [tilespmem:s25+$0xAA00];
	[tilespmem:s23+$0x8200] =	vst v3;
	s23 =	smov.u32 s25  }
0x105: {  	v3 =	vld [tilespmem:s23+$0x8200];
	_ =	sdelay $0x4  }
0x106: {  	v2 =	vadd.f32 v2, v3;
	_ =	sdelay $0x1  }
0x107: {  	s26 =	simm.s32 $0x0;
	s24 =	rddreg [dreg:$0x11];
	[tilespmem:s23+$0x8200] =	vst v2  }
0x108: {  	[tilespmem:s19], [sflag:$0x5] =	stream.linear.gather [hbm4b:s24+s26], $0x280, $0x38;
	[tilespmem:$0x1EC80] =	vst v63  }
0x109: {  	_ =	swait.ge [sflag:s8], $0x280  }
0x10a: {  	[sflag:s8] =	ssyncset.done $0x0  }
0x10b: {  	s23 =	simm.s32 $0x0;
	[sflag:s8] =	ssyncadd.s32 $0xFFFFFD80  }
0x10c: {  	s24 =	simm.s32 $0x40;
	v2 =	vld [tilespmem:s23+$0xAA00]  }
.LBB2_23:
0x10d: {  	p0 =	sne.s32 s24, $0x9C0;
	v3 =	vld [tilespmem:s23+$0x8200];
	_ =	sdelay $0x2  }
.Ltmp11:
0x10e: {  	(pc) =	sbr.rel @p0 .LBB2_23-.Ltmp11, $4  }
0x10f: {  	_ = 	snop  }
0x110: {  	v3 =	vadd.f32 v2, v3  }
0x111: {  	s25 =	sshra.s32 s24, $0x2  }
0x112: {  	s24 =	sadd.s32 $0x40, s24;
	v2 =	vld [tilespmem:s25+$0xAA00];
	[tilespmem:s23+$0x8200] =	vst v3;
	s23 =	smov.u32 s25  }
0x113: {  	v3 =	vld [tilespmem:s23+$0x8200];
	_ =	sdelay $0x4  }
0x114: {  	v2 =	vadd.f32 v2, v3;
	_ =	sdelay $0x1  }
0x115: {  	s26 =	simm.s32 $0x0;
	[tilespmem:s23+$0x8200] =	vst v2  }
0x116: {  	[tilespmem:s19], [sflag:$0x5] =	stream.linear.gather [hbm4b:s28+s26], $0x280, $0x38;
	[tilespmem:$0x1EC80] =	vst v63  }
0x117: {  	_ =	swait.ge [sflag:s8], $0x280  }
0x118: {  	[sflag:s8] =	ssyncset.done $0x0  }
0x119: {  	s23 =	simm.s32 $0x0;
	[sflag:s8] =	ssyncadd.s32 $0xFFFFFD80  }
0x11a: {  	s24 =	simm.s32 $0x40;
	v2 =	vld [tilespmem:s23+$0xAA00]  }
.LBB2_25:
0x11b: {  	p0 =	sne.s32 s24, $0x9C0;
	v3 =	vld [tilespmem:s23+$0x8200];
	_ =	sdelay $0x2  }
.Ltmp12:
0x11c: {  	(pc) =	sbr.rel @p0 .LBB2_25-.Ltmp12, $4  }
0x11d: {  	_ = 	snop  }
0x11e: {  	v3 =	vadd.f32 v2, v3  }
0x11f: {  	s25 =	sshra.s32 s24, $0x2  }
0x120: {  	s24 =	sadd.s32 $0x40, s24;
	v2 =	vld [tilespmem:s25+$0xAA00];
	[tilespmem:s23+$0x8200] =	vst v3;
	s23 =	smov.u32 s25  }
0x121: {  	v3 =	vld [tilespmem:s23+$0x8200];
	_ =	sdelay $0x4  }
0x122: {  	v2 =	vadd.f32 v2, v3;
	_ =	sdelay $0x1  }
0x123: {  	s26 =	simm.s32 $0x0;
	[tilespmem:s23+$0x8200] =	vst v2  }
0x124: {  	[tilespmem:s19], [sflag:$0x5] =	stream.linear.gather [hbm4b:s29+s26], $0x280, $0x38;
	[tilespmem:$0x1EC80] =	vst v63  }
0x125: {  	_ =	swait.ge [sflag:s8], $0x280  }
0x126: {  	[sflag:s8] =	ssyncset.done $0x0  }
0x127: {  	s23 =	simm.s32 $0x0;
	[sflag:s8] =	ssyncadd.s32 $0xFFFFFD80  }
0x128: {  	s24 =	simm.s32 $0x40;
	v2 =	vld [tilespmem:s23+$0xAA00]  }
.LBB2_27:
0x129: {  	p0 =	sne.s32 s24, $0x9C0;
	v3 =	vld [tilespmem:s23+$0x8200];
	_ =	sdelay $0x2  }
.Ltmp13:
0x12a: {  	(pc) =	sbr.rel @p0 .LBB2_27-.Ltmp13, $4  }
0x12b: {  	_ = 	snop  }
0x12c: {  	v3 =	vadd.f32 v2, v3  }
0x12d: {  	s25 =	sshra.s32 s24, $0x2  }
0x12e: {  	s24 =	sadd.s32 $0x40, s24;
	v2 =	vld [tilespmem:s25+$0xAA00];
	[tilespmem:s23+$0x8200] =	vst v3;
	s23 =	smov.u32 s25  }
0x12f: {  	v3 =	vld [tilespmem:s23+$0x8200];
	_ =	sdelay $0x4  }
0x130: {  	v2 =	vadd.f32 v2, v3;
	_ =	sdelay $0x1  }
0x131: {  	s26 =	simm.s32 $0x0;
	[tilespmem:s23+$0x8200] =	vst v2  }
0x132: {  	[tilespmem:s19], [sflag:$0x5] =	stream.linear.gather [hbm4b:s30+s26], $0x280, $0x38;
	[tilespmem:$0x1EC80] =	vst v63  }
0x133: {  	_ =	swait.ge [sflag:s8], $0x280  }
0x134: {  	[sflag:s8] =	ssyncset.done $0x0  }
0x135: {  	s23 =	simm.s32 $0x0;
	[sflag:s8] =	ssyncadd.s32 $0xFFFFFD80  }
0x136: {  	s24 =	simm.s32 $0x40;
	v2 =	vld [tilespmem:s23+$0xAA00]  }
.LBB2_29:
0x137: {  	p0 =	sne.s32 s24, $0x9C0;
	v3 =	vld [tilespmem:s23+$0x8200];
	_ =	sdelay $0x2  }
.Ltmp14:
0x138: {  	(pc) =	sbr.rel @p0 .LBB2_29-.Ltmp14, $4  }
0x139: {  	_ = 	snop  }
0x13a: {  	v3 =	vadd.f32 v2, v3  }
0x13b: {  	s25 =	sshra.s32 s24, $0x2  }
0x13c: {  	s24 =	sadd.s32 $0x40, s24;
	v2 =	vld [tilespmem:s25+$0xAA00];
	[tilespmem:s23+$0x8200] =	vst v3;
	s23 =	smov.u32 s25  }
0x13d: {  	v3 =	vld [tilespmem:s23+$0x8200];
	_ =	sdelay $0x4  }
0x13e: {  	v2 =	vadd.f32 v2, v3;
	_ =	sdelay $0x1  }
0x13f: {  	s26 =	simm.s32 $0x0;
	[tilespmem:s23+$0x8200] =	vst v2  }
0x140: {  	[tilespmem:s19], [sflag:$0x5] =	stream.linear.gather [hbm4b:s31+s26], $0x280, $0x38;
	[tilespmem:$0x1EC80] =	vst v63  }
0x141: {  	_ =	swait.ge [sflag:s8], $0x280  }
0x142: {  	[sflag:s8] =	ssyncset.done $0x0  }
0x143: {  	s23 =	simm.s32 $0x0;
	[sflag:s8] =	ssyncadd.s32 $0xFFFFFD80  }
0x144: {  	s24 =	simm.s32 $0x40;
	v2 =	vld [tilespmem:s23+$0xAA00]  }
.LBB2_31:
0x145: {  	p0 =	sne.s32 s24, $0x9C0;
	v3 =	vld [tilespmem:s23+$0x8200];
	_ =	sdelay $0x2  }
.Ltmp15:
0x146: {  	(pc) =	sbr.rel @p0 .LBB2_31-.Ltmp15, $4  }
0x147: {  	_ = 	snop  }
0x148: {  	v3 =	vadd.f32 v2, v3  }
0x149: {  	s25 =	sshra.s32 s24, $0x2  }
0x14a: {  	s24 =	sadd.s32 $0x40, s24;
	v2 =	vld [tilespmem:s25+$0xAA00];
	[tilespmem:s23+$0x8200] =	vst v3;
	s23 =	smov.u32 s25  }
0x14b: {  	v3 =	vld [tilespmem:s23+$0x8200];
	_ =	sdelay $0x4  }
0x14c: {  	v2 =	vadd.f32 v2, v3;
	_ =	sdelay $0x1  }
0x14d: {  	s26 =	simm.s32 $0x0;
	[tilespmem:s23+$0x8200] =	vst v2  }
0x14e: {  	[tilespmem:s19], [sflag:$0x5] =	stream.linear.gather [hbm4b:s2+s26], $0x280, $0x38;
	[tilespmem:$0x1EC80] =	vst v63  }
0x14f: {  	_ =	swait.ge [sflag:s8], $0x280  }
0x150: {  	[sflag:s8] =	ssyncset.done $0x0  }
0x151: {  	s23 =	simm.s32 $0x0;
	[sflag:s8] =	ssyncadd.s32 $0xFFFFFD80  }
0x152: {  	s24 =	simm.s32 $0x40;
	v2 =	vld [tilespmem:s23+$0xAA00]  }
.LBB2_33:
0x153: {  	p0 =	sne.s32 s24, $0x9C0;
	v3 =	vld [tilespmem:s23+$0x8200];
	_ =	sdelay $0x2  }
.Ltmp16:
0x154: {  	(pc) =	sbr.rel @p0 .LBB2_33-.Ltmp16, $4  }
0x155: {  	_ = 	snop  }
0x156: {  	v3 =	vadd.f32 v2, v3  }
0x157: {  	s25 =	sshra.s32 s24, $0x2  }
0x158: {  	s24 =	sadd.s32 $0x40, s24;
	v2 =	vld [tilespmem:s25+$0xAA00];
	[tilespmem:s23+$0x8200] =	vst v3;
	s23 =	smov.u32 s25  }
0x159: {  	v3 =	vld [tilespmem:s23+$0x8200];
	_ =	sdelay $0x4  }
0x15a: {  	v2 =	vadd.f32 v2, v3;
	_ =	sdelay $0x1  }
0x15b: {  	s26 =	simm.s32 $0x0;
	[tilespmem:s23+$0x8200] =	vst v2  }
0x15c: {  	[tilespmem:s19], [sflag:$0x5] =	stream.linear.gather [hbm4b:s0+s26], $0x280, $0x38;
	[tilespmem:$0x1EC80] =	vst v63  }
0x15d: {  	_ =	swait.ge [sflag:s8], $0x280  }
0x15e: {  	[sflag:s8] =	ssyncset.done $0x0  }
0x15f: {  	s23 =	simm.s32 $0x0;
	[sflag:s8] =	ssyncadd.s32 $0xFFFFFD80  }
0x160: {  	s24 =	simm.s32 $0x40;
	v2 =	vld [tilespmem:s23+$0xAA00]  }
.LBB2_35:
0x161: {  	p0 =	sne.s32 s24, $0x9C0;
	v3 =	vld [tilespmem:s23+$0x8200];
	_ =	sdelay $0x2  }
.Ltmp17:
0x162: {  	(pc) =	sbr.rel @p0 .LBB2_35-.Ltmp17, $4  }
0x163: {  	_ = 	snop  }
0x164: {  	v3 =	vadd.f32 v2, v3  }
0x165: {  	s25 =	sshra.s32 s24, $0x2  }
0x166: {  	s24 =	sadd.s32 $0x40, s24;
	v2 =	vld [tilespmem:s25+$0xAA00];
	[tilespmem:s23+$0x8200] =	vst v3;
	s23 =	smov.u32 s25  }
0x167: {  	v3 =	vld [tilespmem:s23+$0x8200];
	_ =	sdelay $0x4  }
0x168: {  	v2 =	vadd.f32 v2, v3;
	_ =	sdelay $0x1  }
0x169: {  	s26 =	simm.s32 $0x0;
	[tilespmem:s23+$0x8200] =	vst v2  }
0x16a: {  	[tilespmem:s19], [sflag:$0x5] =	stream.linear.gather [hbm4b:s6+s26], $0x280, $0x38;
	[tilespmem:$0x1EC80] =	vst v63  }
0x16b: {  	_ =	swait.ge [sflag:s8], $0x280  }
0x16c: {  	[sflag:s8] =	ssyncset.done $0x0  }
0x16d: {  	s23 =	simm.s32 $0x0;
	[sflag:s8] =	ssyncadd.s32 $0xFFFFFD80  }
0x16e: {  	s24 =	simm.s32 $0x40;
	v2 =	vld [tilespmem:s23+$0xAA00]  }
.LBB2_37:
0x16f: {  	p0 =	sne.s32 s24, $0x9C0;
	v3 =	vld [tilespmem:s23+$0x8200];
	_ =	sdelay $0x2  }
.Ltmp18:
0x170: {  	(pc) =	sbr.rel @p0 .LBB2_37-.Ltmp18, $4  }
0x171: {  	_ = 	snop  }
0x172: {  	v3 =	vadd.f32 v2, v3  }
0x173: {  	s25 =	sshra.s32 s24, $0x2  }
0x174: {  	s24 =	sadd.s32 $0x40, s24;
	v2 =	vld [tilespmem:s25+$0xAA00];
	[tilespmem:s23+$0x8200] =	vst v3;
	s23 =	smov.u32 s25  }
0x175: {  	v3 =	vld [tilespmem:s23+$0x8200];
	_ =	sdelay $0x4  }
0x176: {  	v2 =	vadd.f32 v2, v3;
	_ =	sdelay $0x1  }
0x177: {  	s25 =	rddreg [dreg:$0x14];
	[tilespmem:s23+$0x8200] =	vst v2  }
0x178: {  	[hbm4b:s25+s4] =	stream.linear.scatter [tilespmem:s17], [sflag:$0x5], $0x280, $0x38;
	[tilespmem:$0x1EC80] =	vst v63  }
0x179: {  	_ =	swait.ge [sflag:s8], $0x280  }
0x17a: {  	s20 =	sadd.s32 $0x1, s20;
	s26 =	rddreg [dreg:$0x15]  }
0x17b: {  	p0 =	sne.s32 s20, s26  }
.Ltmp19:
0x17c: {  	_ = 	snop;
	(pc) =	sbr.rel @p0 .LBB2_1-.Ltmp19, $3  }
0x17d: {  	_ =	sdelay $0x1  }
0x17e: {  	[sflag:s8] =	ssyncset.done $0x0  }
0x17f: {  	[sflag:s8] =	ssyncadd.s32 $0xFFFFFD80  }
0x180: {  	_ =	sfence.sel $0x180000  }
0x181: {  	[bflag:$0x0] =	sbarrier.arrive $0xFFFF  }
0x182: {  	_ =	strace $0x90000047  }
0x183: {  	s0 =	stileid.u32;
	[bflag:$0x2] =	sbarrier.arrive $0xFFFF  }
0x184: {  	p0 =	sne.s32 s0, $0x0;
	s0 =	rddreg [dreg:$0x4]  }
0x185: {  	s0 =	sadd.s32 @!p0 $0x100000, s0  }
0x186: {  	[sflag:s0] =	ssyncadd.tile.s32 @!p0 $0x1;
	_ =	shalt  }
.Lfunc_end2:
_tile_overlayer_lowered:
.L_overlay_start_2:
0x187: {  	(tag) =	ssettag $0x2  }
0x188: {  	s0 =	rddreg [dreg:$0x0];
	s2 =	stileid.u32  }
0x189: {  	s1 =	rddreg [dreg:$0x1];
	p0 =	sne.s32 s2, $0x0  }
0x18a: {  	s3 =	rddreg [dreg:$0x2];
	[bflag:$0x3] =	sbarrier.arrive $0xFFFF;
	s2 =	simm.s32 @!p0 $0x1C05  }
0x18b: {  	[timem:s3], [sflag:s2] =	dma.local @!p0 [hbm:s0], s1  }
0x18c: {  	s0 =	simm.s32 @!p0 $0x5  }
0x18d: {  	_ =	swait.ge @!p0 [sflag:s0], s1  }
0x18e: {  	s1 =	ssub.s32 @!p0 $0x0, s1;
	[sflag:s0] =	ssyncset.done @!p0 $0x0  }
0x18f: {  	[sflag:s0] =	ssyncadd.s32 @!p0 s1  }
0x190: {  	[bflag:$0x3] =	sbarrier.arrive $0xFFFF  }
0x191: {  	_ =	shalt  }

</sc_bundles>
